<compile_context>
chip_gen: v7x
topology: tpu7x:2x2x1
jax: 0.10.2.dev20260603
libtpu: 0.0.44.dev20260713+nightly
codegen_flags: <defaults>
</compile_context>

<pallas_src>
import functools

import jax
import jax.numpy as jnp
from jax import lax
from jax.experimental import pallas as pl
from jax.experimental.pallas import tpu as pltpu
from jax.experimental.pallas import tpu_sc as plsc

N = 10000
E = 160000
D = 256
KHOPS = 3
NQ = 4
H = D // NQ
NSUB = 16
C = 128
EPT = 10112
NCH = EPT // C
NPAD = 10240
STRIPE = NPAD // NSUB


def _sc_propagate(nodes4, rowp, colp, ewp):
    mesh = plsc.VectorSubcoreMesh(core_axis_name="c", subcore_axis_name="s")

    @functools.partial(
        pl.kernel,
        mesh=mesh,
        out_type=jax.ShapeDtypeStruct((KHOPS, NQ, NPAD, H), jnp.float32),
        compiler_params=pltpu.CompilerParams(needs_layout_passes=False,
                                             use_tc_tiling_on_sc=False),
        scratch_types=[
            pltpu.VMEM((NCH, C), jnp.int32),
            pltpu.VMEM((NCH, C), jnp.int32),
            pltpu.VMEM((NCH, C), jnp.float32),
            pltpu.VMEM((NCH, C), jnp.float32),
            pltpu.VMEM((NPAD,), jnp.float32),
            pltpu.VMEM((C, H), jnp.float32),
            pltpu.VMEM((C, H), jnp.float32),
            pltpu.VMEM_SHARED((NPAD, H), jnp.float32),
            pltpu.VMEM_SHARED((NPAD,), jnp.float32),
            pltpu.SemaphoreType.DMA,
        ],
    )
    def body(nodes_hbm, row_hbm, col_hbm, ew_hbm, out_hbm,
             ridx, cidx, ewv, normv, disv, gbuf, zbuf, acc, deg, sem):
        c = lax.axis_index("c")
        s = lax.axis_index("s")

        pltpu.sync_copy(row_hbm.at[s], ridx)
        pltpu.sync_copy(col_hbm.at[s], cidx)
        pltpu.sync_copy(ew_hbm.at[s], ewv)

        def _z1(i, _):
            disv[pl.ds(i * 16, 16)] = jnp.zeros((16,), jnp.float32)
            return 0
        lax.fori_loop(0, NPAD // 16, _z1, 0)

        def _z2(r, _):
            for q in range(H // 16):
                zbuf[r, pl.ds(q * 16, 16)] = jnp.zeros((16,), jnp.float32)
            return 0
        lax.fori_loop(0, C, _z2, 0)

        base = s * STRIPE
        pltpu.sync_copy(disv.at[pl.ds(base, STRIPE)],
                        deg.at[pl.ds(base, STRIPE)])
        plsc.subcore_barrier()

        def _dloop(j, _):
            pltpu.sync_copy(ewv.at[j], deg.at[cidx.at[j]], add=True)
            return 0
        lax.fori_loop(0, NCH, _dloop, 0)
        plsc.subcore_barrier()

        pltpu.sync_copy(deg, disv)

        def _rloop(i, _):
            sl = pl.ds(i * 16, 16)
            x = disv[sl]
            ii = lax.bitcast_convert_type(x, jnp.int32)
            ii = jnp.int32(0x5F3759DF) - lax.shift_right_arithmetic(ii, 1)
            y = lax.bitcast_convert_type(ii, jnp.float32)
            hx = 0.5 * x
            y = y * (1.5 - hx * y * y)
            y = y * (1.5 - hx * y * y)
            y = y * (1.5 - hx * y * y)
            disv[sl] = jnp.where(x > 0.0, y, 0.0)
            return 0
        lax.fori_loop(0, NPAD // 16, _rloop, 0)

        def _nloop(j, _):
            for q in range(C // 16):
                sl = pl.ds(q * 16, 16)
                rv = ridx[j, sl]
                cv = cidx[j, sl]
                ev = ewv[j, sl]
                dr = plsc.load_gather(disv, [rv])
                dc = plsc.load_gather(disv, [cv])
                normv[j, sl] = dr * ev * dc
            return 0
        lax.fori_loop(0, NCH, _nloop, 0)

        for qh in range(NQ // 2):
            qq = 2 * c + qh
            for k in range(KHOPS):
                for z in range(STRIPE // C):
                    pltpu.sync_copy(zbuf, acc.at[pl.ds(base + z * C, C)])
                plsc.subcore_barrier()

                src = (nodes_hbm.at[qq] if k == 0
                       else out_hbm.at[k - 1, qq])

                def _hloop(j, _):
                    pltpu.async_copy(src.at[ridx.at[j]], gbuf, sem).wait()

                    def _eloop(e, _2):
                        nb = plsc.load_gather(
                            normv,
                            [jnp.full((16,), j, jnp.int32),
                             jnp.full((16,), e, jnp.int32)])
                        for q in range(H // 16):
                            sl = pl.ds(q * 16, 16)
                            gbuf[e, sl] = gbuf[e, sl] * nb
                        return 0
                    lax.fori_loop(0, C, _eloop, 0)

                    pltpu.sync_copy(gbuf, acc.at[cidx.at[j]], add=True)
                    return 0
                lax.fori_loop(0, NCH, _hloop, 0)
                plsc.subcore_barrier()

                pltpu.sync_copy(acc.at[pl.ds(base, STRIPE)],
                                out_hbm.at[k, qq, pl.ds(base, STRIPE)])
                plsc.subcore_barrier()

    return body(nodes4, rowp, colp, ewp)


def _tc_dense(node, hs, W, b, ln_w, ln_b):
    BN = 2000
    w0 = W[0]
    wh = W[1:].reshape(KHOPS * NQ, H, D)
    b2 = b.reshape(1, D)
    lnw2 = ln_w.reshape(1, D)
    lnb2 = ln_b.reshape(1, D)

    def body(x_ref, *rest):
        hrefs = rest[:KHOPS * NQ]
        w0_ref, wh_ref, b_ref, lnw_ref, lnb_ref, o_ref = rest[KHOPS * NQ:]
        x = x_ref[...]
        acc = jnp.dot(x, w0_ref[...], preferred_element_type=jnp.float32)
        for m in range(KHOPS * NQ):
            acc = acc + jnp.dot(hrefs[m][...], wh_ref[m],
                                preferred_element_type=jnp.float32)
        y = x + acc + b_ref[...]
        mu = jnp.mean(y, axis=-1, keepdims=True)
        var = jnp.mean((y - mu) * (y - mu), axis=-1, keepdims=True)
        out = (y - mu) * lax.rsqrt(var + 1e-5) * lnw_ref[...] + lnb_ref[...]
        o_ref[...] = jnp.maximum(out, 0.0)

    grid = (N // BN,)
    hspec = pl.BlockSpec((BN, H), lambda i: (i, 0))
    return pl.pallas_call(
        body,
        grid=grid,
        in_specs=[
            pl.BlockSpec((BN, D), lambda i: (i, 0)),
            *([hspec] * (KHOPS * NQ)),
            pl.BlockSpec((D, D), lambda i: (0, 0)),
            pl.BlockSpec((KHOPS * NQ, H, D), lambda i: (0, 0, 0)),
            pl.BlockSpec((1, D), lambda i: (0, 0)),
            pl.BlockSpec((1, D), lambda i: (0, 0)),
            pl.BlockSpec((1, D), lambda i: (0, 0)),
        ],
        out_specs=pl.BlockSpec((BN, D), lambda i: (i, 0)),
        out_shape=jax.ShapeDtypeStruct((N, D), jnp.float32),
    )(node, *hs, w0, wh, b2, lnw2, lnb2)


def kernel(node, edge_index, edge_attr, batch_ptr, W, b, ln_w, ln_b):
    row = edge_index[0]
    col = edge_index[1]
    pad = NSUB * EPT - E
    rowp = jnp.concatenate([row, jnp.zeros((pad,), jnp.int32)]
                           ).reshape(NSUB, NCH, C)
    colp = jnp.concatenate([col, jnp.full((pad,), N, jnp.int32)]
                           ).reshape(NSUB, NCH, C)
    ewp = jnp.concatenate([edge_attr, jnp.zeros((pad,), jnp.float32)]
                          ).reshape(NSUB, NCH, C)
    nodes4 = node.reshape(N, NQ, H).transpose(1, 0, 2)

    hout = _sc_propagate(nodes4, rowp, colp, ewp)
    hs = [hout[k, q, :N] for k in range(KHOPS) for q in range(NQ)]
    return _tc_dense(node, hs, W, b, ln_w, ln_b)

# --- scband reference (transcript-rebuilt; emitter-appended) ---
"""Pipeline reference for scband-tagconv-layer-72688026518110 (READ-ONLY COPY).

The authoritative reference and input builder live on the scoring server;
editing this copy changes nothing except your own understanding.
"""

import jax, jax.numpy as jnp
import numpy as np

N = 10000
E = 160000
D = 256
K = 3

def setup_inputs(seed: int = 0):
    key = jax.random.key(seed)
    ks = jax.random.split(key, 8)
    node = jax.random.normal(ks[0], (N, D), dtype=jnp.float32)
    edge_index = jax.random.randint(ks[1], (2, E), 0, N, dtype=jnp.int32)
    edge_attr = jax.random.uniform(ks[2], (E,), dtype=jnp.float32)
    batch_ptr = jnp.sort(jax.random.randint(ks[3], (N,), 0, 16, dtype=jnp.int32))
    W = jax.random.normal(ks[4], (K + 1, D, D), dtype=jnp.float32) / np.sqrt(D)
    b = jnp.zeros((D,), dtype=jnp.float32)
    ln_w = jnp.ones((D,), dtype=jnp.float32)
    ln_b = jnp.zeros((D,), dtype=jnp.float32)
    return {"node": node, "edge_index": edge_index, "edge_attr": edge_attr, "batch_ptr": batch_ptr, "W": W, "b": b, "ln_w": ln_w, "ln_b": ln_b}

def _tagconv(x, edge_index, ew, W, b):
    # PyG TAGConv with normalize=True, add_self_loops=False (gcn_norm on provided edge_weight)
    n = x.shape[0]
    row, col = edge_index[0], edge_index[1]
    deg = jnp.zeros((n,), x.dtype).at[col].add(ew)
    safe_deg = jnp.where(deg > 0, deg, 1.0)
    dis = jnp.where(deg > 0, 1.0 / jnp.sqrt(safe_deg), 0.0)
    norm = dis[row] * ew * dis[col]
    out = x @ W[0]
    h = x
    for k in range(1, K + 1):
        h = jnp.zeros_like(x).at[col].add(norm[:, None] * h[row])
        out = out + h @ W[k]
    return out + b

def _layernorm_node(x, w, b, eps=1e-5):
    # PyG LayerNorm(mode='node'): per-node LN over feature dim; batch vector unused
    mu = jnp.mean(x, axis=-1, keepdims=True)
    var = jnp.var(x, axis=-1, keepdims=True)
    return (x - mu) / jnp.sqrt(var + eps) * w + b

def reference(node, edge_index, edge_attr, batch_ptr, W, b, ln_w, ln_b):
    y = node + _tagconv(node, edge_index, edge_attr, W, b)
    y = _layernorm_node(y, ln_w, ln_b)
    return jax.nn.relu(y)

if __name__ == "__main__":
    import jax
    _d = setup_inputs()
    print(jax.jit(kernel)(*tuple(_d.values())))

</pallas_src>

<mosaic_0001>
#map = affine_map<(d0, d1) -> (0, 0, 0)>
#map1 = affine_map<(d0, d1) -> (0, 0, 0, 0)>
module attributes {stable_mosaic.version = 14 : i64} {
  func.func @body(%arg0: i32, %arg1: i32, %arg2: memref<4x10000x64xf32, #tpu.memory_space<hbm>>, %arg3: memref<16x79x128xi32, #tpu.memory_space<hbm>>, %arg4: memref<16x79x128xi32, #tpu.memory_space<hbm>>, %arg5: memref<16x79x128xf32, #tpu.memory_space<hbm>>, %arg6: memref<3x4x10240x64xf32, #tpu.memory_space<hbm>>, %arg7: memref<79x128xi32, #tpu.memory_space<vmem>>, %arg8: memref<79x128xi32, #tpu.memory_space<vmem>>, %arg9: memref<79x128xf32, #tpu.memory_space<vmem>>, %arg10: memref<79x128xf32, #tpu.memory_space<vmem>>, %arg11: memref<10240xf32, #tpu.memory_space<vmem>>, %arg12: memref<128x64xf32, #tpu.memory_space<vmem>>, %arg13: memref<128x64xf32, #tpu.memory_space<vmem>>, %arg14: memref<10240x64xf32, #tpu.memory_space<vmem_shared>>, %arg15: memref<10240xf32, #tpu.memory_space<vmem_shared>>, %arg16: memref<!tpu.dma_semaphore, #tpu.memory_space<semaphore_mem>>) attributes {dimension_semantics = [#tpu.dimension_semantics<core_parallel>, #tpu.dimension_semantics<subcore_parallel>], iteration_bounds = array<i64: 2, 16>, scalar_prefetch = 0 : i64, scratch_operands = 10 : i64, tpu.core_type = #tpu.core_type<sc_vector_subcore>, window_params = [{transform_indices = #map}, {transform_indices = #map}, {transform_indices = #map}, {transform_indices = #map}, {transform_indices = #map1}]} {
    "tpu.region"() ({
      %run_scoped3A_172 = tpu.sem_alloc : memref<!tpu.dma_semaphore, #tpu.memory_space<semaphore_mem>>
      %dma_start3A = arith.constant 0 : i32
      %dma_start3A_173 = arith.constant 0 : i32
      %dma_start3A_174 = tpu.memref_slice %arg3[%arg1, %dma_start3A, %dma_start3A_173] : memref<16x79x128xi32, #tpu.memory_space<hbm>> -> memref<1x79x128xi32, #tpu.memory_space<hbm>>
      %dma_start3A_175 = tpu.memref_squeeze %dma_start3A_174 : memref<1x79x128xi32, #tpu.memory_space<hbm>> -> memref<79x128xi32, #tpu.memory_space<hbm>>
      %dma_start3A_176 = arith.constant 0 : i32
      %dma_start3A_177 = arith.constant 0 : i32
      %dma_start3A_178 = tpu.memref_slice %arg3[%arg1, %dma_start3A_176, %dma_start3A_177] : memref<16x79x128xi32, #tpu.memory_space<hbm>> -> memref<1x79x128xi32, #tpu.memory_space<hbm>>
      %dma_start3A_179 = tpu.memref_squeeze %dma_start3A_178 : memref<1x79x128xi32, #tpu.memory_space<hbm>> -> memref<79x128xi32, #tpu.memory_space<hbm>>
      tpu.enqueue_dma source(%dma_start3A_179 : memref<79x128xi32, #tpu.memory_space<hbm>>) target(%arg7 : memref<79x128xi32, #tpu.memory_space<vmem>>) target_semaphore(%run_scoped3A_172 : memref<!tpu.dma_semaphore, #tpu.memory_space<semaphore_mem>>)
      %dma_wait3A = arith.constant 0 : i32
      %dma_wait3A_180 = arith.constant 0 : i32
      %dma_wait3A_181 = tpu.memref_slice %arg3[%arg1, %dma_wait3A, %dma_wait3A_180] : memref<16x79x128xi32, #tpu.memory_space<hbm>> -> memref<1x79x128xi32, #tpu.memory_space<hbm>>
      %dma_wait3A_182 = tpu.memref_squeeze %dma_wait3A_181 : memref<1x79x128xi32, #tpu.memory_space<hbm>> -> memref<79x128xi32, #tpu.memory_space<hbm>>
      %dma_wait3A_183 = arith.constant 0 : i32
      %dma_wait3A_184 = arith.constant 0 : i32
      %dma_wait3A_185 = tpu.memref_slice %arg3[%arg1, %dma_wait3A_183, %dma_wait3A_184] : memref<16x79x128xi32, #tpu.memory_space<hbm>> -> memref<1x79x128xi32, #tpu.memory_space<hbm>>
      %dma_wait3A_186 = tpu.memref_squeeze %dma_wait3A_185 : memref<1x79x128xi32, #tpu.memory_space<hbm>> -> memref<79x128xi32, #tpu.memory_space<hbm>>
      tpu.wait_dma2 semaphore(%run_scoped3A_172 : memref<!tpu.dma_semaphore, #tpu.memory_space<semaphore_mem>>) src(%dma_wait3A_186 : memref<79x128xi32, #tpu.memory_space<hbm>>) dst(%arg7 : memref<79x128xi32, #tpu.memory_space<vmem>>)
      tpu.yield
    }) : () -> ()
    "tpu.region"() ({
      %run_scoped3A_172 = tpu.sem_alloc : memref<!tpu.dma_semaphore, #tpu.memory_space<semaphore_mem>>
      %dma_start3A = arith.constant 0 : i32
      %dma_start3A_173 = arith.constant 0 : i32
      %dma_start3A_174 = tpu.memref_slice %arg4[%arg1, %dma_start3A, %dma_start3A_173] : memref<16x79x128xi32, #tpu.memory_space<hbm>> -> memref<1x79x128xi32, #tpu.memory_space<hbm>>
      %dma_start3A_175 = tpu.memref_squeeze %dma_start3A_174 : memref<1x79x128xi32, #tpu.memory_space<hbm>> -> memref<79x128xi32, #tpu.memory_space<hbm>>
      %dma_start3A_176 = arith.constant 0 : i32
      %dma_start3A_177 = arith.constant 0 : i32
      %dma_start3A_178 = tpu.memref_slice %arg4[%arg1, %dma_start3A_176, %dma_start3A_177] : memref<16x79x128xi32, #tpu.memory_space<hbm>> -> memref<1x79x128xi32, #tpu.memory_space<hbm>>
      %dma_start3A_179 = tpu.memref_squeeze %dma_start3A_178 : memref<1x79x128xi32, #tpu.memory_space<hbm>> -> memref<79x128xi32, #tpu.memory_space<hbm>>
      tpu.enqueue_dma source(%dma_start3A_179 : memref<79x128xi32, #tpu.memory_space<hbm>>) target(%arg8 : memref<79x128xi32, #tpu.memory_space<vmem>>) target_semaphore(%run_scoped3A_172 : memref<!tpu.dma_semaphore, #tpu.memory_space<semaphore_mem>>)
      %dma_wait3A = arith.constant 0 : i32
      %dma_wait3A_180 = arith.constant 0 : i32
      %dma_wait3A_181 = tpu.memref_slice %arg4[%arg1, %dma_wait3A, %dma_wait3A_180] : memref<16x79x128xi32, #tpu.memory_space<hbm>> -> memref<1x79x128xi32, #tpu.memory_space<hbm>>
      %dma_wait3A_182 = tpu.memref_squeeze %dma_wait3A_181 : memref<1x79x128xi32, #tpu.memory_space<hbm>> -> memref<79x128xi32, #tpu.memory_space<hbm>>
      %dma_wait3A_183 = arith.constant 0 : i32
      %dma_wait3A_184 = arith.constant 0 : i32
      %dma_wait3A_185 = tpu.memref_slice %arg4[%arg1, %dma_wait3A_183, %dma_wait3A_184] : memref<16x79x128xi32, #tpu.memory_space<hbm>> -> memref<1x79x128xi32, #tpu.memory_space<hbm>>
      %dma_wait3A_186 = tpu.memref_squeeze %dma_wait3A_185 : memref<1x79x128xi32, #tpu.memory_space<hbm>> -> memref<79x128xi32, #tpu.memory_space<hbm>>
      tpu.wait_dma2 semaphore(%run_scoped3A_172 : memref<!tpu.dma_semaphore, #tpu.memory_space<semaphore_mem>>) src(%dma_wait3A_186 : memref<79x128xi32, #tpu.memory_space<hbm>>) dst(%arg8 : memref<79x128xi32, #tpu.memory_space<vmem>>)
      tpu.yield
    }) : () -> ()
    "tpu.region"() ({
      %run_scoped3A_172 = tpu.sem_alloc : memref<!tpu.dma_semaphore, #tpu.memory_space<semaphore_mem>>
      %dma_start3A = arith.constant 0 : i32
      %dma_start3A_173 = arith.constant 0 : i32
      %dma_start3A_174 = tpu.memref_slice %arg5[%arg1, %dma_start3A, %dma_start3A_173] : memref<16x79x128xf32, #tpu.memory_space<hbm>> -> memref<1x79x128xf32, #tpu.memory_space<hbm>>
      %dma_start3A_175 = tpu.memref_squeeze %dma_start3A_174 : memref<1x79x128xf32, #tpu.memory_space<hbm>> -> memref<79x128xf32, #tpu.memory_space<hbm>>
      %dma_start3A_176 = arith.constant 0 : i32
      %dma_start3A_177 = arith.constant 0 : i32
      %dma_start3A_178 = tpu.memref_slice %arg5[%arg1, %dma_start3A_176, %dma_start3A_177] : memref<16x79x128xf32, #tpu.memory_space<hbm>> -> memref<1x79x128xf32, #tpu.memory_space<hbm>>
      %dma_start3A_179 = tpu.memref_squeeze %dma_start3A_178 : memref<1x79x128xf32, #tpu.memory_space<hbm>> -> memref<79x128xf32, #tpu.memory_space<hbm>>
      tpu.enqueue_dma source(%dma_start3A_179 : memref<79x128xf32, #tpu.memory_space<hbm>>) target(%arg9 : memref<79x128xf32, #tpu.memory_space<vmem>>) target_semaphore(%run_scoped3A_172 : memref<!tpu.dma_semaphore, #tpu.memory_space<semaphore_mem>>)
      %dma_wait3A = arith.constant 0 : i32
      %dma_wait3A_180 = arith.constant 0 : i32
      %dma_wait3A_181 = tpu.memref_slice %arg5[%arg1, %dma_wait3A, %dma_wait3A_180] : memref<16x79x128xf32, #tpu.memory_space<hbm>> -> memref<1x79x128xf32, #tpu.memory_space<hbm>>
      %dma_wait3A_182 = tpu.memref_squeeze %dma_wait3A_181 : memref<1x79x128xf32, #tpu.memory_space<hbm>> -> memref<79x128xf32, #tpu.memory_space<hbm>>
      %dma_wait3A_183 = arith.constant 0 : i32
      %dma_wait3A_184 = arith.constant 0 : i32
      %dma_wait3A_185 = tpu.memref_slice %arg5[%arg1, %dma_wait3A_183, %dma_wait3A_184] : memref<16x79x128xf32, #tpu.memory_space<hbm>> -> memref<1x79x128xf32, #tpu.memory_space<hbm>>
      %dma_wait3A_186 = tpu.memref_squeeze %dma_wait3A_185 : memref<1x79x128xf32, #tpu.memory_space<hbm>> -> memref<79x128xf32, #tpu.memory_space<hbm>>
      tpu.wait_dma2 semaphore(%run_scoped3A_172 : memref<!tpu.dma_semaphore, #tpu.memory_space<semaphore_mem>>) src(%dma_wait3A_186 : memref<79x128xf32, #tpu.memory_space<hbm>>) dst(%arg9 : memref<79x128xf32, #tpu.memory_space<vmem>>)
      tpu.yield
    }) : () -> ()
    %scan3A = arith.constant 0 : i32
    %scan3A_0 = arith.constant 0 : i32
    %scan3A_1 = arith.constant 640 : i32
    %scan3A_2 = arith.addi %scan3A_0, %scan3A_1 : i32
    %scan3A_3 = arith.constant 1 : i32
    %scan3A_4 = scf.for %scan3A_172 = %scan3A_0 to %scan3A_2 step %scan3A_3 iter_args(%scan3A_173 = %scan3A) -> (i32)  : i32 {
      %broadcast_in_dim3A = arith.constant 0.000000e+00 : f32
      %broadcast_in_dim3A_174 = vector.broadcast %broadcast_in_dim3A : f32 to vector<16xf32>
      %mul3A_175 = arith.constant 16 : i32
      %mul3A_176 = arith.muli %scan3A_172, %mul3A_175 : i32
      %swap3A = arith.index_cast %mul3A_176 : i32 to index
      %swap3A_177 = tpu.vector_load %arg11[%swap3A] {strides = array<i32>} : memref<10240xf32, #tpu.memory_space<vmem>>, vector<16xf32>,
      tpu.vector_store %arg11[%swap3A], %broadcast_in_dim3A_174 {strides = array<i32>} : memref<10240xf32, #tpu.memory_space<vmem>>, vector<16xf32>,
      %scan3A_178 = arith.constant 0 : i32
      scf.yield %scan3A_178 : i32
    }
    %scan3A_5 = arith.constant 640 : i32
    %scan3A_6 = arith.constant 0 : i32
    %scan3A_7 = arith.constant 0 : i32
    %scan3A_8 = arith.constant 128 : i32
    %scan3A_9 = arith.addi %scan3A_7, %scan3A_8 : i32
    %scan3A_10 = arith.constant 1 : i32
    %scan3A_11 = scf.for %scan3A_172 = %scan3A_7 to %scan3A_9 step %scan3A_10 iter_args(%scan3A_173 = %scan3A_6) -> (i32)  : i32 {
      %broadcast_in_dim3A = arith.constant 0.000000e+00 : f32
      %broadcast_in_dim3A_174 = vector.broadcast %broadcast_in_dim3A : f32 to vector<16xf32>
      %swap3A = arith.index_cast %scan3A_172 : i32 to index
      %swap3A_175 = arith.constant 0 : index
      %swap3A_176 = tpu.vector_load %arg13[%swap3A, %swap3A_175] {strides = array<i32>} : memref<128x64xf32, #tpu.memory_space<vmem>>, vector<16xf32>,
      tpu.vector_store %arg13[%swap3A, %swap3A_175], %broadcast_in_dim3A_174 {strides = array<i32>} : memref<128x64xf32, #tpu.memory_space<vmem>>, vector<16xf32>,
      %broadcast_in_dim3A_177 = arith.constant 0.000000e+00 : f32
      %broadcast_in_dim3A_178 = vector.broadcast %broadcast_in_dim3A_177 : f32 to vector<16xf32>
      %swap3A_179 = arith.index_cast %scan3A_172 : i32 to index
      %swap3A_180 = arith.constant 16 : index
      %swap3A_181 = tpu.vector_load %arg13[%swap3A_179, %swap3A_180] {strides = array<i32>} : memref<128x64xf32, #tpu.memory_space<vmem>>, vector<16xf32>,
      tpu.vector_store %arg13[%swap3A_179, %swap3A_180], %broadcast_in_dim3A_178 {strides = array<i32>} : memref<128x64xf32, #tpu.memory_space<vmem>>, vector<16xf32>,
      %broadcast_in_dim3A_182 = arith.constant 0.000000e+00 : f32
      %broadcast_in_dim3A_183 = vector.broadcast %broadcast_in_dim3A_182 : f32 to vector<16xf32>
      %swap3A_184 = arith.index_cast %scan3A_172 : i32 to index
      %swap3A_185 = arith.constant 32 : index
      %swap3A_186 = tpu.vector_load %arg13[%swap3A_184, %swap3A_185] {strides = array<i32>} : memref<128x64xf32, #tpu.memory_space<vmem>>, vector<16xf32>,
      tpu.vector_store %arg13[%swap3A_184, %swap3A_185], %broadcast_in_dim3A_183 {strides = array<i32>} : memref<128x64xf32, #tpu.memory_space<vmem>>, vector<16xf32>,
      %broadcast_in_dim3A_187 = arith.constant 0.000000e+00 : f32
      %broadcast_in_dim3A_188 = vector.broadcast %broadcast_in_dim3A_187 : f32 to vector<16xf32>
      %swap3A_189 = arith.index_cast %scan3A_172 : i32 to index
      %swap3A_190 = arith.constant 48 : index
      %swap3A_191 = tpu.vector_load %arg13[%swap3A_189, %swap3A_190] {strides = array<i32>} : memref<128x64xf32, #tpu.memory_space<vmem>>, vector<16xf32>,
      tpu.vector_store %arg13[%swap3A_189, %swap3A_190], %broadcast_in_dim3A_188 {strides = array<i32>} : memref<128x64xf32, #tpu.memory_space<vmem>>, vector<16xf32>,
      %scan3A_192 = arith.constant 0 : i32
      scf.yield %scan3A_192 : i32
    }
    %scan3A_12 = arith.constant 128 : i32
    %mul3A = arith.constant 640 : i32
    %mul3A_13 = arith.muli %arg1, %mul3A : i32
    "tpu.region"() ({
      %run_scoped3A_172 = tpu.sem_alloc : memref<!tpu.dma_semaphore, #tpu.memory_space<semaphore_mem>>
      %dma_start3A = tpu.memref_slice %arg11[%mul3A_13] : memref<10240xf32, #tpu.memory_space<vmem>> -> memref<640xf32, #tpu.memory_space<vmem>>
      %dma_start3A_173 = tpu.memref_slice %arg15[%mul3A_13] : memref<10240xf32, #tpu.memory_space<vmem_shared>> -> memref<640xf32, #tpu.memory_space<vmem_shared>>
      %dma_start3A_174 = tpu.memref_slice %arg15[%mul3A_13] : memref<10240xf32, #tpu.memory_space<vmem_shared>> -> memref<640xf32, #tpu.memory_space<vmem_shared>>
      %dma_start3A_175 = tpu.memref_slice %arg11[%mul3A_13] : memref<10240xf32, #tpu.memory_space<vmem>> -> memref<640xf32, #tpu.memory_space<vmem>>
      tpu.enqueue_dma source(%dma_start3A_175 : memref<640xf32, #tpu.memory_space<vmem>>) target(%dma_start3A_174 : memref<640xf32, #tpu.memory_space<vmem_shared>>) target_semaphore(%run_scoped3A_172 : memref<!tpu.dma_semaphore, #tpu.memory_space<semaphore_mem>>)
      %dma_wait3A = tpu.memref_slice %arg11[%mul3A_13] : memref<10240xf32, #tpu.memory_space<vmem>> -> memref<640xf32, #tpu.memory_space<vmem>>
      %dma_wait3A_176 = tpu.memref_slice %arg15[%mul3A_13] : memref<10240xf32, #tpu.memory_space<vmem_shared>> -> memref<640xf32, #tpu.memory_space<vmem_shared>>
      %dma_wait3A_177 = tpu.memref_slice %arg15[%mul3A_13] : memref<10240xf32, #tpu.memory_space<vmem_shared>> -> memref<640xf32, #tpu.memory_space<vmem_shared>>
      %dma_wait3A_178 = tpu.memref_slice %arg11[%mul3A_13] : memref<10240xf32, #tpu.memory_space<vmem>> -> memref<640xf32, #tpu.memory_space<vmem>>
      tpu.wait_dma2 semaphore(%run_scoped3A_172 : memref<!tpu.dma_semaphore, #tpu.memory_space<semaphore_mem>>) src(%dma_wait3A_178 : memref<640xf32, #tpu.memory_space<vmem>>) dst(%dma_wait3A_177 : memref<640xf32, #tpu.memory_space<vmem_shared>>)
      tpu.yield
    }) : () -> ()
    %barrier3A = arith.constant 0 : index
    tpu.barrier barrier_id(%barrier3A)
    %scan3A_14 = arith.constant 0 : i32
    %scan3A_15 = arith.constant 0 : i32
    %scan3A_16 = arith.constant 79 : i32
    %scan3A_17 = arith.addi %scan3A_15, %scan3A_16 : i32
    %scan3A_18 = arith.constant 1 : i32
    %scan3A_19 = scf.for %scan3A_172 = %scan3A_15 to %scan3A_17 step %scan3A_18 iter_args(%scan3A_173 = %scan3A_14) -> (i32)  : i32 {
      "tpu.region"() ({
        %run_scoped3A_175 = tpu.sem_alloc : memref<!tpu.dma_semaphore, #tpu.memory_space<semaphore_mem>>
        %dma_start3A = arith.constant 0 : i32
        %dma_start3A_176 = tpu.memref_slice %arg9[%scan3A_172, %dma_start3A] : memref<79x128xf32, #tpu.memory_space<vmem>> -> memref<1x128xf32, #tpu.memory_space<vmem>>
        %dma_start3A_177 = tpu.memref_squeeze %dma_start3A_176 : memref<1x128xf32, #tpu.memory_space<vmem>> -> memref<128xf32, #tpu.memory_space<vmem>>
        %dma_start3A_178 = arith.constant 0 : i32
        %dma_start3A_179 = tpu.memref_slice %arg8[%scan3A_172, %dma_start3A_178] : memref<79x128xi32, #tpu.memory_space<vmem>> -> memref<1x128xi32, #tpu.memory_space<vmem>>
        %dma_start3A_180 = tpu.memref_squeeze %dma_start3A_179 : memref<1x128xi32, #tpu.memory_space<vmem>> -> memref<128xi32, #tpu.memory_space<vmem>>
        %dma_start3A_181 = arith.constant 0 : i32
        %dma_start3A_182 = tpu.memref_slice %arg15[%dma_start3A_181] : memref<10240xf32, #tpu.memory_space<vmem_shared>> -> memref<10240xf32, #tpu.memory_space<vmem_shared>>
        tpu.enqueue_indirect_dma source(%dma_start3A_177 : memref<128xf32, #tpu.memory_space<vmem>>) target(%dma_start3A_182 : memref<10240xf32, #tpu.memory_space<vmem_shared>>) offsets(%dma_start3A_180 : memref<128xi32, #tpu.memory_space<vmem>>) semaphore(%run_scoped3A_175 : memref<!tpu.dma_semaphore, #tpu.memory_space<semaphore_mem>>) {add = true}
        %dma_wait3A = arith.constant 0 : i32
        %dma_wait3A_183 = tpu.memref_slice %arg9[%scan3A_172, %dma_wait3A] : memref<79x128xf32, #tpu.memory_space<vmem>> -> memref<1x128xf32, #tpu.memory_space<vmem>>
        %dma_wait3A_184 = tpu.memref_squeeze %dma_wait3A_183 : memref<1x128xf32, #tpu.memory_space<vmem>> -> memref<128xf32, #tpu.memory_space<vmem>>
        %dma_wait3A_185 = arith.constant 0 : i32
        %dma_wait3A_186 = tpu.memref_slice %arg8[%scan3A_172, %dma_wait3A_185] : memref<79x128xi32, #tpu.memory_space<vmem>> -> memref<1x128xi32, #tpu.memory_space<vmem>>
        %dma_wait3A_187 = tpu.memref_squeeze %dma_wait3A_186 : memref<1x128xi32, #tpu.memory_space<vmem>> -> memref<128xi32, #tpu.memory_space<vmem>>
        %dma_wait3A_188 = arith.constant 0 : i32
        %dma_wait3A_189 = tpu.memref_slice %arg15[%dma_wait3A_188] : memref<10240xf32, #tpu.memory_space<vmem_shared>> -> memref<10240xf32, #tpu.memory_space<vmem_shared>>
        tpu.wait_indirect_dma semaphore(%run_scoped3A_175 : memref<!tpu.dma_semaphore, #tpu.memory_space<semaphore_mem>>) src(%dma_wait3A_184 : memref<128xf32, #tpu.memory_space<vmem>>) dst(%dma_wait3A_189 : memref<10240xf32, #tpu.memory_space<vmem_shared>>)
        tpu.yield
      }) : () -> ()
      %scan3A_174 = arith.constant 0 : i32
      scf.yield %scan3A_174 : i32
    }
    %scan3A_20 = arith.constant 79 : i32
    %barrier3A_21 = arith.constant 0 : index
    tpu.barrier barrier_id(%barrier3A_21)
    "tpu.region"() ({
      %run_scoped3A_172 = tpu.sem_alloc : memref<!tpu.dma_semaphore, #tpu.memory_space<semaphore_mem>>
      tpu.enqueue_dma source(%arg15 : memref<10240xf32, #tpu.memory_space<vmem_shared>>) target(%arg11 : memref<10240xf32, #tpu.memory_space<vmem>>) target_semaphore(%run_scoped3A_172 : memref<!tpu.dma_semaphore, #tpu.memory_space<semaphore_mem>>)
      tpu.wait_dma2 semaphore(%run_scoped3A_172 : memref<!tpu.dma_semaphore, #tpu.memory_space<semaphore_mem>>) src(%arg15 : memref<10240xf32, #tpu.memory_space<vmem_shared>>) dst(%arg11 : memref<10240xf32, #tpu.memory_space<vmem>>)
      tpu.yield
    }) : () -> ()
    %scan3A_22 = arith.constant 0 : i32
    %scan3A_23 = arith.constant 0 : i32
    %scan3A_24 = arith.constant 640 : i32
    %scan3A_25 = arith.addi %scan3A_23, %scan3A_24 : i32
    %scan3A_26 = arith.constant 1 : i32
    %scan3A_27 = scf.for %scan3A_172 = %scan3A_23 to %scan3A_25 step %scan3A_26 iter_args(%scan3A_173 = %scan3A_22) -> (i32)  : i32 {
      %mul3A_174 = arith.constant 16 : i32
      %mul3A_175 = arith.muli %scan3A_172, %mul3A_174 : i32
      %get3A = arith.index_cast %mul3A_175 : i32 to index
      %get3A_176 = tpu.vector_load %arg11[%get3A] {strides = array<i32>} : memref<10240xf32, #tpu.memory_space<vmem>>, vector<16xf32>,
      %bitcast_convert_type3A = tpu.bitcast %get3A_176 : vector<16xf32> -> vector<16xi32>
      %shift_right_arithmetic3A = arith.constant 1 : i32
      %shift_right_arithmetic3A_177 = vector.broadcast %shift_right_arithmetic3A : i32 to vector<16xi32>
      %shift_right_arithmetic3A_178 = arith.shrsi %bitcast_convert_type3A, %shift_right_arithmetic3A_177 : vector<16xi32>
      %sub3A = arith.constant 1597463007 : i32
      %sub3A_179 = vector.broadcast %sub3A : i32 to vector<16xi32>
      %sub3A_180 = arith.subi %sub3A_179, %shift_right_arithmetic3A_178 : vector<16xi32>
      %bitcast_convert_type3A_181 = tpu.bitcast %sub3A_180 : vector<16xi32> -> vector<16xf32>
      %mul3A_182 = arith.constant 5.000000e-01 : f32
      %mul3A_183 = vector.broadcast %mul3A_182 : f32 to vector<16xf32>
      %mul3A_184 = arith.mulf %mul3A_183, %get3A_176 : vector<16xf32>
      %mul3A_185 = arith.mulf %mul3A_184, %bitcast_convert_type3A_181 : vector<16xf32>
      %mul3A_186 = arith.mulf %mul3A_185, %bitcast_convert_type3A_181 : vector<16xf32>
      %sub3A_187 = arith.constant 1.500000e+00 : f32
      %sub3A_188 = vector.broadcast %sub3A_187 : f32 to vector<16xf32>
      %sub3A_189 = arith.subf %sub3A_188, %mul3A_186 : vector<16xf32>
      %mul3A_190 = arith.mulf %bitcast_convert_type3A_181, %sub3A_189 : vector<16xf32>
      %mul3A_191 = arith.mulf %mul3A_184, %mul3A_190 : vector<16xf32>
      %mul3A_192 = arith.mulf %mul3A_191, %mul3A_190 : vector<16xf32>
      %sub3A_193 = arith.constant 1.500000e+00 : f32
      %sub3A_194 = vector.broadcast %sub3A_193 : f32 to vector<16xf32>
      %sub3A_195 = arith.subf %sub3A_194, %mul3A_192 : vector<16xf32>
      %mul3A_196 = arith.mulf %mul3A_190, %sub3A_195 : vector<16xf32>
      %mul3A_197 = arith.mulf %mul3A_184, %mul3A_196 : vector<16xf32>
      %mul3A_198 = arith.mulf %mul3A_197, %mul3A_196 : vector<16xf32>
      %sub3A_199 = arith.constant 1.500000e+00 : f32
      %sub3A_200 = vector.broadcast %sub3A_199 : f32 to vector<16xf32>
      %sub3A_201 = arith.subf %sub3A_200, %mul3A_198 : vector<16xf32>
      %mul3A_202 = arith.mulf %mul3A_196, %sub3A_201 : vector<16xf32>
      %gt3A = arith.constant 0.000000e+00 : f32
      %gt3A_203 = vector.broadcast %gt3A : f32 to vector<16xf32>
      %gt3A_204 = arith.cmpf ogt, %get3A_176, %gt3A_203 : vector<16xf32>
      %jit3A = arith.constant 0.000000e+00 : f32
      %broadcast_in_dim3A = vector.broadcast %jit3A : f32 to vector<16xf32>
      %select_n3A = arith.select %gt3A_204, %mul3A_202, %broadcast_in_dim3A : vector<16xi1>, vector<16xf32>
      %swap3A = arith.index_cast %mul3A_175 : i32 to index
      %swap3A_205 = tpu.vector_load %arg11[%swap3A] {strides = array<i32>} : memref<10240xf32, #tpu.memory_space<vmem>>, vector<16xf32>,
      tpu.vector_store %arg11[%swap3A], %select_n3A {strides = array<i32>} : memref<10240xf32, #tpu.memory_space<vmem>>, vector<16xf32>,
      %scan3A_206 = arith.constant 0 : i32
      scf.yield %scan3A_206 : i32
    }
    %scan3A_28 = arith.constant 640 : i32
    %scan3A_29 = arith.constant 0 : i32
    %scan3A_30 = arith.constant 0 : i32
    %scan3A_31 = arith.constant 79 : i32
    %scan3A_32 = arith.addi %scan3A_30, %scan3A_31 : i32
    %scan3A_33 = arith.constant 1 : i32
    %scan3A_34 = scf.for %scan3A_172 = %scan3A_30 to %scan3A_32 step %scan3A_33 iter_args(%scan3A_173 = %scan3A_29) -> (i32)  : i32 {
      %get3A = arith.index_cast %scan3A_172 : i32 to index
      %get3A_174 = arith.constant 0 : index
      %get3A_175 = tpu.vector_load %arg7[%get3A, %get3A_174] {strides = array<i32>} : memref<79x128xi32, #tpu.memory_space<vmem>>, vector<16xi32>,
      %get3A_176 = arith.index_cast %scan3A_172 : i32 to index
      %get3A_177 = arith.constant 0 : index
      %get3A_178 = tpu.vector_load %arg8[%get3A_176, %get3A_177] {strides = array<i32>} : memref<79x128xi32, #tpu.memory_space<vmem>>, vector<16xi32>,
      %get3A_179 = arith.index_cast %scan3A_172 : i32 to index
      %get3A_180 = arith.constant 0 : index
      %get3A_181 = tpu.vector_load %arg9[%get3A_179, %get3A_180] {strides = array<i32>} : memref<79x128xf32, #tpu.memory_space<vmem>>, vector<16xf32>,
      %gather3A = tpu.vector_load_idx %arg11[%get3A_175] : memref<10240xf32, #tpu.memory_space<vmem>>[vector<16xi32>], vector<16xf32>,
      %gather3A_182 = tpu.vector_load_idx %arg11[%get3A_178] : memref<10240xf32, #tpu.memory_space<vmem>>[vector<16xi32>], vector<16xf32>,
      %mul3A_183 = arith.mulf %gather3A, %get3A_181 : vector<16xf32>
      %mul3A_184 = arith.mulf %mul3A_183, %gather3A_182 : vector<16xf32>
      %swap3A = arith.index_cast %scan3A_172 : i32 to index
      %swap3A_185 = arith.constant 0 : index
      %swap3A_186 = tpu.vector_load %arg10[%swap3A, %swap3A_185] {strides = array<i32>} : memref<79x128xf32, #tpu.memory_space<vmem>>, vector<16xf32>,
      tpu.vector_store %arg10[%swap3A, %swap3A_185], %mul3A_184 {strides = array<i32>} : memref<79x128xf32, #tpu.memory_space<vmem>>, vector<16xf32>,
      %get3A_187 = arith.index_cast %scan3A_172 : i32 to index
      %get3A_188 = arith.constant 16 : index
      %get3A_189 = tpu.vector_load %arg7[%get3A_187, %get3A_188] {strides = array<i32>} : memref<79x128xi32, #tpu.memory_space<vmem>>, vector<16xi32>,
      %get3A_190 = arith.index_cast %scan3A_172 : i32 to index
      %get3A_191 = arith.constant 16 : index
      %get3A_192 = tpu.vector_load %arg8[%get3A_190, %get3A_191] {strides = array<i32>} : memref<79x128xi32, #tpu.memory_space<vmem>>, vector<16xi32>,
      %get3A_193 = arith.index_cast %scan3A_172 : i32 to index
      %get3A_194 = arith.constant 16 : index
      %get3A_195 = tpu.vector_load %arg9[%get3A_193, %get3A_194] {strides = array<i32>} : memref<79x128xf32, #tpu.memory_space<vmem>>, vector<16xf32>,
      %gather3A_196 = tpu.vector_load_idx %arg11[%get3A_189] : memref<10240xf32, #tpu.memory_space<vmem>>[vector<16xi32>], vector<16xf32>,
      %gather3A_197 = tpu.vector_load_idx %arg11[%get3A_192] : memref<10240xf32, #tpu.memory_space<vmem>>[vector<16xi32>], vector<16xf32>,
      %mul3A_198 = arith.mulf %gather3A_196, %get3A_195 : vector<16xf32>
      %mul3A_199 = arith.mulf %mul3A_198, %gather3A_197 : vector<16xf32>
      %swap3A_200 = arith.index_cast %scan3A_172 : i32 to index
      %swap3A_201 = arith.constant 16 : index
      %swap3A_202 = tpu.vector_load %arg10[%swap3A_200, %swap3A_201] {strides = array<i32>} : memref<79x128xf32, #tpu.memory_space<vmem>>, vector<16xf32>,
      tpu.vector_store %arg10[%swap3A_200, %swap3A_201], %mul3A_199 {strides = array<i32>} : memref<79x128xf32, #tpu.memory_space<vmem>>, vector<16xf32>,
      %get3A_203 = arith.index_cast %scan3A_172 : i32 to index
      %get3A_204 = arith.constant 32 : index
      %get3A_205 = tpu.vector_load %arg7[%get3A_203, %get3A_204] {strides = array<i32>} : memref<79x128xi32, #tpu.memory_space<vmem>>, vector<16xi32>,
      %get3A_206 = arith.index_cast %scan3A_172 : i32 to index
      %get3A_207 = arith.constant 32 : index
      %get3A_208 = tpu.vector_load %arg8[%get3A_206, %get3A_207] {strides = array<i32>} : memref<79x128xi32, #tpu.memory_space<vmem>>, vector<16xi32>,
      %get3A_209 = arith.index_cast %scan3A_172 : i32 to index
      %get3A_210 = arith.constant 32 : index
      %get3A_211 = tpu.vector_load %arg9[%get3A_209, %get3A_210] {strides = array<i32>} : memref<79x128xf32, #tpu.memory_space<vmem>>, vector<16xf32>,
      %gather3A_212 = tpu.vector_load_idx %arg11[%get3A_205] : memref<10240xf32, #tpu.memory_space<vmem>>[vector<16xi32>], vector<16xf32>,
      %gather3A_213 = tpu.vector_load_idx %arg11[%get3A_208] : memref<10240xf32, #tpu.memory_space<vmem>>[vector<16xi32>], vector<16xf32>,
      %mul3A_214 = arith.mulf %gather3A_212, %get3A_211 : vector<16xf32>
      %mul3A_215 = arith.mulf %mul3A_214, %gather3A_213 : vector<16xf32>
      %swap3A_216 = arith.index_cast %scan3A_172 : i32 to index
      %swap3A_217 = arith.constant 32 : index
      %swap3A_218 = tpu.vector_load %arg10[%swap3A_216, %swap3A_217] {strides = array<i32>} : memref<79x128xf32, #tpu.memory_space<vmem>>, vector<16xf32>,
      tpu.vector_store %arg10[%swap3A_216, %swap3A_217], %mul3A_215 {strides = array<i32>} : memref<79x128xf32, #tpu.memory_space<vmem>>, vector<16xf32>,
      %get3A_219 = arith.index_cast %scan3A_172 : i32 to index
      %get3A_220 = arith.constant 48 : index
      %get3A_221 = tpu.vector_load %arg7[%get3A_219, %get3A_220] {strides = array<i32>} : memref<79x128xi32, #tpu.memory_space<vmem>>, vector<16xi32>,
      %get3A_222 = arith.index_cast %scan3A_172 : i32 to index
      %get3A_223 = arith.constant 48 : index
      %get3A_224 = tpu.vector_load %arg8[%get3A_222, %get3A_223] {strides = array<i32>} : memref<79x128xi32, #tpu.memory_space<vmem>>, vector<16xi32>,
      %get3A_225 = arith.index_cast %scan3A_172 : i32 to index
      %get3A_226 = arith.constant 48 : index
      %get3A_227 = tpu.vector_load %arg9[%get3A_225, %get3A_226] {strides = array<i32>} : memref<79x128xf32, #tpu.memory_space<vmem>>, vector<16xf32>,
      %gather3A_228 = tpu.vector_load_idx %arg11[%get3A_221] : memref<10240xf32, #tpu.memory_space<vmem>>[vector<16xi32>], vector<16xf32>,
      %gather3A_229 = tpu.vector_load_idx %arg11[%get3A_224] : memref<10240xf32, #tpu.memory_space<vmem>>[vector<16xi32>], vector<16xf32>,
      %mul3A_230 = arith.mulf %gather3A_228, %get3A_227 : vector<16xf32>
      %mul3A_231 = arith.mulf %mul3A_230, %gather3A_229 : vector<16xf32>
      %swap3A_232 = arith.index_cast %scan3A_172 : i32 to index
      %swap3A_233 = arith.constant 48 : index
      %swap3A_234 = tpu.vector_load %arg10[%swap3A_232, %swap3A_233] {strides = array<i32>} : memref<79x128xf32, #tpu.memory_space<vmem>>, vector<16xf32>,
      tpu.vector_store %arg10[%swap3A_232, %swap3A_233], %mul3A_231 {strides = array<i32>} : memref<79x128xf32, #tpu.memory_space<vmem>>, vector<16xf32>,
      %get3A_235 = arith.index_cast %scan3A_172 : i32 to index
      %get3A_236 = arith.constant 64 : index
      %get3A_237 = tpu.vector_load %arg7[%get3A_235, %get3A_236] {strides = array<i32>} : memref<79x128xi32, #tpu.memory_space<vmem>>, vector<16xi32>,
      %get3A_238 = arith.index_cast %scan3A_172 : i32 to index
      %get3A_239 = arith.constant 64 : index
      %get3A_240 = tpu.vector_load %arg8[%get3A_238, %get3A_239] {strides = array<i32>} : memref<79x128xi32, #tpu.memory_space<vmem>>, vector<16xi32>,
      %get3A_241 = arith.index_cast %scan3A_172 : i32 to index
      %get3A_242 = arith.constant 64 : index
      %get3A_243 = tpu.vector_load %arg9[%get3A_241, %get3A_242] {strides = array<i32>} : memref<79x128xf32, #tpu.memory_space<vmem>>, vector<16xf32>,
      %gather3A_244 = tpu.vector_load_idx %arg11[%get3A_237] : memref<10240xf32, #tpu.memory_space<vmem>>[vector<16xi32>], vector<16xf32>,
      %gather3A_245 = tpu.vector_load_idx %arg11[%get3A_240] : memref<10240xf32, #tpu.memory_space<vmem>>[vector<16xi32>], vector<16xf32>,
      %mul3A_246 = arith.mulf %gather3A_244, %get3A_243 : vector<16xf32>
      %mul3A_247 = arith.mulf %mul3A_246, %gather3A_245 : vector<16xf32>
      %swap3A_248 = arith.index_cast %scan3A_172 : i32 to index
      %swap3A_249 = arith.constant 64 : index
      %swap3A_250 = tpu.vector_load %arg10[%swap3A_248, %swap3A_249] {strides = array<i32>} : memref<79x128xf32, #tpu.memory_space<vmem>>, vector<16xf32>,
      tpu.vector_store %arg10[%swap3A_248, %swap3A_249], %mul3A_247 {strides = array<i32>} : memref<79x128xf32, #tpu.memory_space<vmem>>, vector<16xf32>,
      %get3A_251 = arith.index_cast %scan3A_172 : i32 to index
      %get3A_252 = arith.constant 80 : index
      %get3A_253 = tpu.vector_load %arg7[%get3A_251, %get3A_252] {strides = array<i32>} : memref<79x128xi32, #tpu.memory_space<vmem>>, vector<16xi32>,
      %get3A_254 = arith.index_cast %scan3A_172 : i32 to index
      %get3A_255 = arith.constant 80 : index
      %get3A_256 = tpu.vector_load %arg8[%get3A_254, %get3A_255] {strides = array<i32>} : memref<79x128xi32, #tpu.memory_space<vmem>>, vector<16xi32>,
      %get3A_257 = arith.index_cast %scan3A_172 : i32 to index
      %get3A_258 = arith.constant 80 : index
      %get3A_259 = tpu.vector_load %arg9[%get3A_257, %get3A_258] {strides = array<i32>} : memref<79x128xf32, #tpu.memory_space<vmem>>, vector<16xf32>,
      %gather3A_260 = tpu.vector_load_idx %arg11[%get3A_253] : memref<10240xf32, #tpu.memory_space<vmem>>[vector<16xi32>], vector<16xf32>,
      %gather3A_261 = tpu.vector_load_idx %arg11[%get3A_256] : memref<10240xf32, #tpu.memory_space<vmem>>[vector<16xi32>], vector<16xf32>,
      %mul3A_262 = arith.mulf %gather3A_260, %get3A_259 : vector<16xf32>
      %mul3A_263 = arith.mulf %mul3A_262, %gather3A_261 : vector<16xf32>
      %swap3A_264 = arith.index_cast %scan3A_172 : i32 to index
      %swap3A_265 = arith.constant 80 : index
      %swap3A_266 = tpu.vector_load %arg10[%swap3A_264, %swap3A_265] {strides = array<i32>} : memref<79x128xf32, #tpu.memory_space<vmem>>, vector<16xf32>,
      tpu.vector_store %arg10[%swap3A_264, %swap3A_265], %mul3A_263 {strides = array<i32>} : memref<79x128xf32, #tpu.memory_space<vmem>>, vector<16xf32>,
      %get3A_267 = arith.index_cast %scan3A_172 : i32 to index
      %get3A_268 = arith.constant 96 : index
      %get3A_269 = tpu.vector_load %arg7[%get3A_267, %get3A_268] {strides = array<i32>} : memref<79x128xi32, #tpu.memory_space<vmem>>, vector<16xi32>,
      %get3A_270 = arith.index_cast %scan3A_172 : i32 to index
      %get3A_271 = arith.constant 96 : index
      %get3A_272 = tpu.vector_load %arg8[%get3A_270, %get3A_271] {strides = array<i32>} : memref<79x128xi32, #tpu.memory_space<vmem>>, vector<16xi32>,
      %get3A_273 = arith.index_cast %scan3A_172 : i32 to index
      %get3A_274 = arith.constant 96 : index
      %get3A_275 = tpu.vector_load %arg9[%get3A_273, %get3A_274] {strides = array<i32>} : memref<79x128xf32, #tpu.memory_space<vmem>>, vector<16xf32>,
      %gather3A_276 = tpu.vector_load_idx %arg11[%get3A_269] : memref<10240xf32, #tpu.memory_space<vmem>>[vector<16xi32>], vector<16xf32>,
      %gather3A_277 = tpu.vector_load_idx %arg11[%get3A_272] : memref<10240xf32, #tpu.memory_space<vmem>>[vector<16xi32>], vector<16xf32>,
      %mul3A_278 = arith.mulf %gather3A_276, %get3A_275 : vector<16xf32>
      %mul3A_279 = arith.mulf %mul3A_278, %gather3A_277 : vector<16xf32>
      %swap3A_280 = arith.index_cast %scan3A_172 : i32 to index
      %swap3A_281 = arith.constant 96 : index
      %swap3A_282 = tpu.vector_load %arg10[%swap3A_280, %swap3A_281] {strides = array<i32>} : memref<79x128xf32, #tpu.memory_space<vmem>>, vector<16xf32>,
      tpu.vector_store %arg10[%swap3A_280, %swap3A_281], %mul3A_279 {strides = array<i32>} : memref<79x128xf32, #tpu.memory_space<vmem>>, vector<16xf32>,
      %get3A_283 = arith.index_cast %scan3A_172 : i32 to index
      %get3A_284 = arith.constant 112 : index
      %get3A_285 = tpu.vector_load %arg7[%get3A_283, %get3A_284] {strides = array<i32>} : memref<79x128xi32, #tpu.memory_space<vmem>>, vector<16xi32>,
      %get3A_286 = arith.index_cast %scan3A_172 : i32 to index
      %get3A_287 = arith.constant 112 : index
      %get3A_288 = tpu.vector_load %arg8[%get3A_286, %get3A_287] {strides = array<i32>} : memref<79x128xi32, #tpu.memory_space<vmem>>, vector<16xi32>,
      %get3A_289 = arith.index_cast %scan3A_172 : i32 to index
      %get3A_290 = arith.constant 112 : index
      %get3A_291 = tpu.vector_load %arg9[%get3A_289, %get3A_290] {strides = array<i32>} : memref<79x128xf32, #tpu.memory_space<vmem>>, vector<16xf32>,
      %gather3A_292 = tpu.vector_load_idx %arg11[%get3A_285] : memref<10240xf32, #tpu.memory_space<vmem>>[vector<16xi32>], vector<16xf32>,
      %gather3A_293 = tpu.vector_load_idx %arg11[%get3A_288] : memref<10240xf32, #tpu.memory_space<vmem>>[vector<16xi32>], vector<16xf32>,
      %mul3A_294 = arith.mulf %gather3A_292, %get3A_291 : vector<16xf32>
      %mul3A_295 = arith.mulf %mul3A_294, %gather3A_293 : vector<16xf32>
      %swap3A_296 = arith.index_cast %scan3A_172 : i32 to index
      %swap3A_297 = arith.constant 112 : index
      %swap3A_298 = tpu.vector_load %arg10[%swap3A_296, %swap3A_297] {strides = array<i32>} : memref<79x128xf32, #tpu.memory_space<vmem>>, vector<16xf32>,
      tpu.vector_store %arg10[%swap3A_296, %swap3A_297], %mul3A_295 {strides = array<i32>} : memref<79x128xf32, #tpu.memory_space<vmem>>, vector<16xf32>,
      %scan3A_299 = arith.constant 0 : i32
      scf.yield %scan3A_299 : i32
    }
    %scan3A_35 = arith.constant 79 : i32
    %mul3A_36 = arith.constant 2 : i32
    %mul3A_37 = arith.muli %mul3A_36, %arg0 : i32
    %add3A = arith.constant 0 : i32
    %add3A_38 = arith.addi %mul3A_37, %add3A : i32
    %add3A_39 = arith.constant 0 : i32
    %add3A_40 = arith.addi %mul3A_13, %add3A_39 : i32
    "tpu.region"() ({
      %run_scoped3A_172 = tpu.sem_alloc : memref<!tpu.dma_semaphore, #tpu.memory_space<semaphore_mem>>
      %dma_start3A = arith.constant 0 : i32
      %dma_start3A_173 = tpu.memref_slice %arg14[%add3A_40, %dma_start3A] : memref<10240x64xf32, #tpu.memory_space<vmem_shared>> -> memref<128x64xf32, #tpu.memory_space<vmem_shared>>
      %dma_start3A_174 = arith.constant 0 : i32
      %dma_start3A_175 = tpu.memref_slice %arg14[%add3A_40, %dma_start3A_174] : memref<10240x64xf32, #tpu.memory_space<vmem_shared>> -> memref<128x64xf32, #tpu.memory_space<vmem_shared>>
      tpu.enqueue_dma source(%arg13 : memref<128x64xf32, #tpu.memory_space<vmem>>) target(%dma_start3A_175 : memref<128x64xf32, #tpu.memory_space<vmem_shared>>) target_semaphore(%run_scoped3A_172 : memref<!tpu.dma_semaphore, #tpu.memory_space<semaphore_mem>>)
      %dma_wait3A = arith.constant 0 : i32
      %dma_wait3A_176 = tpu.memref_slice %arg14[%add3A_40, %dma_wait3A] : memref<10240x64xf32, #tpu.memory_space<vmem_shared>> -> memref<128x64xf32, #tpu.memory_space<vmem_shared>>
      %dma_wait3A_177 = arith.constant 0 : i32
      %dma_wait3A_178 = tpu.memref_slice %arg14[%add3A_40, %dma_wait3A_177] : memref<10240x64xf32, #tpu.memory_space<vmem_shared>> -> memref<128x64xf32, #tpu.memory_space<vmem_shared>>
      tpu.wait_dma2 semaphore(%run_scoped3A_172 : memref<!tpu.dma_semaphore, #tpu.memory_space<semaphore_mem>>) src(%arg13 : memref<128x64xf32, #tpu.memory_space<vmem>>) dst(%dma_wait3A_178 : memref<128x64xf32, #tpu.memory_space<vmem_shared>>)
      tpu.yield
    }) : () -> ()
    %add3A_41 = arith.constant 128 : i32
    %add3A_42 = arith.addi %mul3A_13, %add3A_41 : i32
    "tpu.region"() ({
      %run_scoped3A_172 = tpu.sem_alloc : memref<!tpu.dma_semaphore, #tpu.memory_space<semaphore_mem>>
      %dma_start3A = arith.constant 0 : i32
      %dma_start3A_173 = tpu.memref_slice %arg14[%add3A_42, %dma_start3A] : memref<10240x64xf32, #tpu.memory_space<vmem_shared>> -> memref<128x64xf32, #tpu.memory_space<vmem_shared>>
      %dma_start3A_174 = arith.constant 0 : i32
      %dma_start3A_175 = tpu.memref_slice %arg14[%add3A_42, %dma_start3A_174] : memref<10240x64xf32, #tpu.memory_space<vmem_shared>> -> memref<128x64xf32, #tpu.memory_space<vmem_shared>>
      tpu.enqueue_dma source(%arg13 : memref<128x64xf32, #tpu.memory_space<vmem>>) target(%dma_start3A_175 : memref<128x64xf32, #tpu.memory_space<vmem_shared>>) target_semaphore(%run_scoped3A_172 : memref<!tpu.dma_semaphore, #tpu.memory_space<semaphore_mem>>)
      %dma_wait3A = arith.constant 0 : i32
      %dma_wait3A_176 = tpu.memref_slice %arg14[%add3A_42, %dma_wait3A] : memref<10240x64xf32, #tpu.memory_space<vmem_shared>> -> memref<128x64xf32, #tpu.memory_space<vmem_shared>>
      %dma_wait3A_177 = arith.constant 0 : i32
      %dma_wait3A_178 = tpu.memref_slice %arg14[%add3A_42, %dma_wait3A_177] : memref<10240x64xf32, #tpu.memory_space<vmem_shared>> -> memref<128x64xf32, #tpu.memory_space<vmem_shared>>
      tpu.wait_dma2 semaphore(%run_scoped3A_172 : memref<!tpu.dma_semaphore, #tpu.memory_space<semaphore_mem>>) src(%arg13 : memref<128x64xf32, #tpu.memory_space<vmem>>) dst(%dma_wait3A_178 : memref<128x64xf32, #tpu.memory_space<vmem_shared>>)
      tpu.yield
    }) : () -> ()
    %add3A_43 = arith.constant 256 : i32
    %add3A_44 = arith.addi %mul3A_13, %add3A_43 : i32
    "tpu.region"() ({
      %run_scoped3A_172 = tpu.sem_alloc : memref<!tpu.dma_semaphore, #tpu.memory_space<semaphore_mem>>
      %dma_start3A = arith.constant 0 : i32
      %dma_start3A_173 = tpu.memref_slice %arg14[%add3A_44, %dma_start3A] : memref<10240x64xf32, #tpu.memory_space<vmem_shared>> -> memref<128x64xf32, #tpu.memory_space<vmem_shared>>
      %dma_start3A_174 = arith.constant 0 : i32
      %dma_start3A_175 = tpu.memref_slice %arg14[%add3A_44, %dma_start3A_174] : memref<10240x64xf32, #tpu.memory_space<vmem_shared>> -> memref<128x64xf32, #tpu.memory_space<vmem_shared>>
      tpu.enqueue_dma source(%arg13 : memref<128x64xf32, #tpu.memory_space<vmem>>) target(%dma_start3A_175 : memref<128x64xf32, #tpu.memory_space<vmem_shared>>) target_semaphore(%run_scoped3A_172 : memref<!tpu.dma_semaphore, #tpu.memory_space<semaphore_mem>>)
      %dma_wait3A = arith.constant 0 : i32
      %dma_wait3A_176 = tpu.memref_slice %arg14[%add3A_44, %dma_wait3A] : memref<10240x64xf32, #tpu.memory_space<vmem_shared>> -> memref<128x64xf32, #tpu.memory_space<vmem_shared>>
      %dma_wait3A_177 = arith.constant 0 : i32
      %dma_wait3A_178 = tpu.memref_slice %arg14[%add3A_44, %dma_wait3A_177] : memref<10240x64xf32, #tpu.memory_space<vmem_shared>> -> memref<128x64xf32, #tpu.memory_space<vmem_shared>>
      tpu.wait_dma2 semaphore(%run_scoped3A_172 : memref<!tpu.dma_semaphore, #tpu.memory_space<semaphore_mem>>) src(%arg13 : memref<128x64xf32, #tpu.memory_space<vmem>>) dst(%dma_wait3A_178 : memref<128x64xf32, #tpu.memory_space<vmem_shared>>)
      tpu.yield
    }) : () -> ()
    %add3A_45 = arith.constant 384 : i32
    %add3A_46 = arith.addi %mul3A_13, %add3A_45 : i32
    "tpu.region"() ({
      %run_scoped3A_172 = tpu.sem_alloc : memref<!tpu.dma_semaphore, #tpu.memory_space<semaphore_mem>>
      %dma_start3A = arith.constant 0 : i32
      %dma_start3A_173 = tpu.memref_slice %arg14[%add3A_46, %dma_start3A] : memref<10240x64xf32, #tpu.memory_space<vmem_shared>> -> memref<128x64xf32, #tpu.memory_space<vmem_shared>>
      %dma_start3A_174 = arith.constant 0 : i32
      %dma_start3A_175 = tpu.memref_slice %arg14[%add3A_46, %dma_start3A_174] : memref<10240x64xf32, #tpu.memory_space<vmem_shared>> -> memref<128x64xf32, #tpu.memory_space<vmem_shared>>
      tpu.enqueue_dma source(%arg13 : memref<128x64xf32, #tpu.memory_space<vmem>>) target(%dma_start3A_175 : memref<128x64xf32, #tpu.memory_space<vmem_shared>>) target_semaphore(%run_scoped3A_172 : memref<!tpu.dma_semaphore, #tpu.memory_space<semaphore_mem>>)
      %dma_wait3A = arith.constant 0 : i32
      %dma_wait3A_176 = tpu.memref_slice %arg14[%add3A_46, %dma_wait3A] : memref<10240x64xf32, #tpu.memory_space<vmem_shared>> -> memref<128x64xf32, #tpu.memory_space<vmem_shared>>
      %dma_wait3A_177 = arith.constant 0 : i32
      %dma_wait3A_178 = tpu.memref_slice %arg14[%add3A_46, %dma_wait3A_177] : memref<10240x64xf32, #tpu.memory_space<vmem_shared>> -> memref<128x64xf32, #tpu.memory_space<vmem_shared>>
      tpu.wait_dma2 semaphore(%run_scoped3A_172 : memref<!tpu.dma_semaphore, #tpu.memory_space<semaphore_mem>>) src(%arg13 : memref<128x64xf32, #tpu.memory_space<vmem>>) dst(%dma_wait3A_178 : memref<128x64xf32, #tpu.memory_space<vmem_shared>>)
      tpu.yield
    }) : () -> ()
    %add3A_47 = arith.constant 512 : i32
    %add3A_48 = arith.addi %mul3A_13, %add3A_47 : i32
    "tpu.region"() ({
      %run_scoped3A_172 = tpu.sem_alloc : memref<!tpu.dma_semaphore, #tpu.memory_space<semaphore_mem>>
      %dma_start3A = arith.constant 0 : i32
      %dma_start3A_173 = tpu.memref_slice %arg14[%add3A_48, %dma_start3A] : memref<10240x64xf32, #tpu.memory_space<vmem_shared>> -> memref<128x64xf32, #tpu.memory_space<vmem_shared>>
      %dma_start3A_174 = arith.constant 0 : i32
      %dma_start3A_175 = tpu.memref_slice %arg14[%add3A_48, %dma_start3A_174] : memref<10240x64xf32, #tpu.memory_space<vmem_shared>> -> memref<128x64xf32, #tpu.memory_space<vmem_shared>>
      tpu.enqueue_dma source(%arg13 : memref<128x64xf32, #tpu.memory_space<vmem>>) target(%dma_start3A_175 : memref<128x64xf32, #tpu.memory_space<vmem_shared>>) target_semaphore(%run_scoped3A_172 : memref<!tpu.dma_semaphore, #tpu.memory_space<semaphore_mem>>)
      %dma_wait3A = arith.constant 0 : i32
      %dma_wait3A_176 = tpu.memref_slice %arg14[%add3A_48, %dma_wait3A] : memref<10240x64xf32, #tpu.memory_space<vmem_shared>> -> memref<128x64xf32, #tpu.memory_space<vmem_shared>>
      %dma_wait3A_177 = arith.constant 0 : i32
      %dma_wait3A_178 = tpu.memref_slice %arg14[%add3A_48, %dma_wait3A_177] : memref<10240x64xf32, #tpu.memory_space<vmem_shared>> -> memref<128x64xf32, #tpu.memory_space<vmem_shared>>
      tpu.wait_dma2 semaphore(%run_scoped3A_172 : memref<!tpu.dma_semaphore, #tpu.memory_space<semaphore_mem>>) src(%arg13 : memref<128x64xf32, #tpu.memory_space<vmem>>) dst(%dma_wait3A_178 : memref<128x64xf32, #tpu.memory_space<vmem_shared>>)
      tpu.yield
    }) : () -> ()
    %barrier3A_49 = arith.constant 0 : index
    tpu.barrier barrier_id(%barrier3A_49)
    %scan3A_50 = arith.constant 0 : i32
    %scan3A_51 = arith.constant 0 : i32
    %scan3A_52 = arith.constant 79 : i32
    %scan3A_53 = arith.addi %scan3A_51, %scan3A_52 : i32
    %scan3A_54 = arith.constant 1 : i32
    %scan3A_55 = scf.for %scan3A_172 = %scan3A_51 to %scan3A_53 step %scan3A_54 iter_args(%scan3A_173 = %scan3A_50) -> (i32)  : i32 {
      %dma_start3A = arith.constant 0 : i32
      %dma_start3A_174 = tpu.memref_slice %arg7[%scan3A_172, %dma_start3A] : memref<79x128xi32, #tpu.memory_space<vmem>> -> memref<1x128xi32, #tpu.memory_space<vmem>>
      %dma_start3A_175 = tpu.memref_squeeze %dma_start3A_174 : memref<1x128xi32, #tpu.memory_space<vmem>> -> memref<128xi32, #tpu.memory_space<vmem>>
      %dma_start3A_176 = arith.constant 0 : i32
      %dma_start3A_177 = arith.constant 0 : i32
      %dma_start3A_178 = tpu.memref_slice %arg2[%add3A_38, %dma_start3A_176, %dma_start3A_177] : memref<4x10000x64xf32, #tpu.memory_space<hbm>> -> memref<1x10000x64xf32, #tpu.memory_space<hbm>>
      %dma_start3A_179 = tpu.memref_squeeze %dma_start3A_178 : memref<1x10000x64xf32, #tpu.memory_space<hbm>> -> memref<10000x64xf32, #tpu.memory_space<hbm>>
      %dma_start3A_180 = arith.constant 0 : i32
      %dma_start3A_181 = arith.constant 0 : i32
      %dma_start3A_182 = tpu.memref_slice %dma_start3A_179[%dma_start3A_180, %dma_start3A_181] : memref<10000x64xf32, #tpu.memory_space<hbm>> -> memref<10000x64xf32, #tpu.memory_space<hbm>>
      tpu.enqueue_indirect_dma source(%dma_start3A_182 : memref<10000x64xf32, #tpu.memory_space<hbm>>) target(%arg12 : memref<128x64xf32, #tpu.memory_space<vmem>>) offsets(%dma_start3A_175 : memref<128xi32, #tpu.memory_space<vmem>>) semaphore(%arg16 : memref<!tpu.dma_semaphore, #tpu.memory_space<semaphore_mem>>)
      %dma_wait3A = arith.constant 0 : i32
      %dma_wait3A_183 = tpu.memref_slice %arg7[%scan3A_172, %dma_wait3A] : memref<79x128xi32, #tpu.memory_space<vmem>> -> memref<1x128xi32, #tpu.memory_space<vmem>>
      %dma_wait3A_184 = tpu.memref_squeeze %dma_wait3A_183 : memref<1x128xi32, #tpu.memory_space<vmem>> -> memref<128xi32, #tpu.memory_space<vmem>>
      %dma_wait3A_185 = arith.constant 0 : i32
      %dma_wait3A_186 = arith.constant 0 : i32
      %dma_wait3A_187 = tpu.memref_slice %arg2[%add3A_38, %dma_wait3A_185, %dma_wait3A_186] : memref<4x10000x64xf32, #tpu.memory_space<hbm>> -> memref<1x10000x64xf32, #tpu.memory_space<hbm>>
      %dma_wait3A_188 = tpu.memref_squeeze %dma_wait3A_187 : memref<1x10000x64xf32, #tpu.memory_space<hbm>> -> memref<10000x64xf32, #tpu.memory_space<hbm>>
      %dma_wait3A_189 = arith.constant 0 : i32
      %dma_wait3A_190 = arith.constant 0 : i32
      %dma_wait3A_191 = tpu.memref_slice %dma_wait3A_188[%dma_wait3A_189, %dma_wait3A_190] : memref<10000x64xf32, #tpu.memory_space<hbm>> -> memref<10000x64xf32, #tpu.memory_space<hbm>>
      tpu.wait_indirect_dma semaphore(%arg16 : memref<!tpu.dma_semaphore, #tpu.memory_space<semaphore_mem>>) src(%dma_wait3A_191 : memref<10000x64xf32, #tpu.memory_space<hbm>>) dst(%arg12 : memref<128x64xf32, #tpu.memory_space<vmem>>)
      %scan3A_192 = arith.constant 0 : i32
      %scan3A_193 = arith.constant 0 : i32
      %scan3A_194 = arith.constant 128 : i32
      %scan3A_195 = arith.addi %scan3A_193, %scan3A_194 : i32
      %scan3A_196 = arith.constant 1 : i32
      %scan3A_197 = scf.for %scan3A_200 = %scan3A_193 to %scan3A_195 step %scan3A_196 iter_args(%scan3A_201 = %scan3A_192) -> (i32)  : i32 {
        %broadcast_in_dim3A = vector.broadcast %scan3A_172 : i32 to vector<16xi32>
        %broadcast_in_dim3A_202 = vector.broadcast %scan3A_200 : i32 to vector<16xi32>
        %gather3A = tpu.vector_load_idx %arg10[%broadcast_in_dim3A, %broadcast_in_dim3A_202] : memref<79x128xf32, #tpu.memory_space<vmem>>[vector<16xi32>, vector<16xi32>], vector<16xf32>,
        %get3A = arith.index_cast %scan3A_200 : i32 to index
        %get3A_203 = arith.constant 0 : index
        %get3A_204 = tpu.vector_load %arg12[%get3A, %get3A_203] {strides = array<i32>} : memref<128x64xf32, #tpu.memory_space<vmem>>, vector<16xf32>,
        %mul3A_205 = arith.mulf %get3A_204, %gather3A : vector<16xf32>
        %swap3A = arith.index_cast %scan3A_200 : i32 to index
        %swap3A_206 = arith.constant 0 : index
        %swap3A_207 = tpu.vector_load %arg12[%swap3A, %swap3A_206] {strides = array<i32>} : memref<128x64xf32, #tpu.memory_space<vmem>>, vector<16xf32>,
        tpu.vector_store %arg12[%swap3A, %swap3A_206], %mul3A_205 {strides = array<i32>} : memref<128x64xf32, #tpu.memory_space<vmem>>, vector<16xf32>,
        %get3A_208 = arith.index_cast %scan3A_200 : i32 to index
        %get3A_209 = arith.constant 16 : index
        %get3A_210 = tpu.vector_load %arg12[%get3A_208, %get3A_209] {strides = array<i32>} : memref<128x64xf32, #tpu.memory_space<vmem>>, vector<16xf32>,
        %mul3A_211 = arith.mulf %get3A_210, %gather3A : vector<16xf32>
        %swap3A_212 = arith.index_cast %scan3A_200 : i32 to index
        %swap3A_213 = arith.constant 16 : index
        %swap3A_214 = tpu.vector_load %arg12[%swap3A_212, %swap3A_213] {strides = array<i32>} : memref<128x64xf32, #tpu.memory_space<vmem>>, vector<16xf32>,
        tpu.vector_store %arg12[%swap3A_212, %swap3A_213], %mul3A_211 {strides = array<i32>} : memref<128x64xf32, #tpu.memory_space<vmem>>, vector<16xf32>,
        %get3A_215 = arith.index_cast %scan3A_200 : i32 to index
        %get3A_216 = arith.constant 32 : index
        %get3A_217 = tpu.vector_load %arg12[%get3A_215, %get3A_216] {strides = array<i32>} : memref<128x64xf32, #tpu.memory_space<vmem>>, vector<16xf32>,
        %mul3A_218 = arith.mulf %get3A_217, %gather3A : vector<16xf32>
        %swap3A_219 = arith.index_cast %scan3A_200 : i32 to index
        %swap3A_220 = arith.constant 32 : index
        %swap3A_221 = tpu.vector_load %arg12[%swap3A_219, %swap3A_220] {strides = array<i32>} : memref<128x64xf32, #tpu.memory_space<vmem>>, vector<16xf32>,
        tpu.vector_store %arg12[%swap3A_219, %swap3A_220], %mul3A_218 {strides = array<i32>} : memref<128x64xf32, #tpu.memory_space<vmem>>, vector<16xf32>,
        %get3A_222 = arith.index_cast %scan3A_200 : i32 to index
        %get3A_223 = arith.constant 48 : index
        %get3A_224 = tpu.vector_load %arg12[%get3A_222, %get3A_223] {strides = array<i32>} : memref<128x64xf32, #tpu.memory_space<vmem>>, vector<16xf32>,
        %mul3A_225 = arith.mulf %get3A_224, %gather3A : vector<16xf32>
        %swap3A_226 = arith.index_cast %scan3A_200 : i32 to index
        %swap3A_227 = arith.constant 48 : index
        %swap3A_228 = tpu.vector_load %arg12[%swap3A_226, %swap3A_227] {strides = array<i32>} : memref<128x64xf32, #tpu.memory_space<vmem>>, vector<16xf32>,
        tpu.vector_store %arg12[%swap3A_226, %swap3A_227], %mul3A_225 {strides = array<i32>} : memref<128x64xf32, #tpu.memory_space<vmem>>, vector<16xf32>,
        %scan3A_229 = arith.constant 0 : i32
        scf.yield %scan3A_229 : i32
      }
      %scan3A_198 = arith.constant 128 : i32
      "tpu.region"() ({
        %run_scoped3A_200 = tpu.sem_alloc : memref<!tpu.dma_semaphore, #tpu.memory_space<semaphore_mem>>
        %dma_start3A_201 = arith.constant 0 : i32
        %dma_start3A_202 = tpu.memref_slice %arg8[%scan3A_172, %dma_start3A_201] : memref<79x128xi32, #tpu.memory_space<vmem>> -> memref<1x128xi32, #tpu.memory_space<vmem>>
        %dma_start3A_203 = tpu.memref_squeeze %dma_start3A_202 : memref<1x128xi32, #tpu.memory_space<vmem>> -> memref<128xi32, #tpu.memory_space<vmem>>
        %dma_start3A_204 = arith.constant 0 : i32
        %dma_start3A_205 = arith.constant 0 : i32
        %dma_start3A_206 = tpu.memref_slice %arg14[%dma_start3A_204, %dma_start3A_205] : memref<10240x64xf32, #tpu.memory_space<vmem_shared>> -> memref<10240x64xf32, #tpu.memory_space<vmem_shared>>
        tpu.enqueue_indirect_dma source(%arg12 : memref<128x64xf32, #tpu.memory_space<vmem>>) target(%dma_start3A_206 : memref<10240x64xf32, #tpu.memory_space<vmem_shared>>) offsets(%dma_start3A_203 : memref<128xi32, #tpu.memory_space<vmem>>) semaphore(%run_scoped3A_200 : memref<!tpu.dma_semaphore, #tpu.memory_space<semaphore_mem>>) {add = true}
        %dma_wait3A_207 = arith.constant 0 : i32
        %dma_wait3A_208 = tpu.memref_slice %arg8[%scan3A_172, %dma_wait3A_207] : memref<79x128xi32, #tpu.memory_space<vmem>> -> memref<1x128xi32, #tpu.memory_space<vmem>>
        %dma_wait3A_209 = tpu.memref_squeeze %dma_wait3A_208 : memref<1x128xi32, #tpu.memory_space<vmem>> -> memref<128xi32, #tpu.memory_space<vmem>>
        %dma_wait3A_210 = arith.constant 0 : i32
        %dma_wait3A_211 = arith.constant 0 : i32
        %dma_wait3A_212 = tpu.memref_slice %arg14[%dma_wait3A_210, %dma_wait3A_211] : memref<10240x64xf32, #tpu.memory_space<vmem_shared>> -> memref<10240x64xf32, #tpu.memory_space<vmem_shared>>
        tpu.wait_indirect_dma semaphore(%run_scoped3A_200 : memref<!tpu.dma_semaphore, #tpu.memory_space<semaphore_mem>>) src(%arg12 : memref<128x64xf32, #tpu.memory_space<vmem>>) dst(%dma_wait3A_212 : memref<10240x64xf32, #tpu.memory_space<vmem_shared>>)
        tpu.yield
      }) : () -> ()
      %scan3A_199 = arith.constant 0 : i32
      scf.yield %scan3A_199 : i32
    }
    %scan3A_56 = arith.constant 79 : i32
    %barrier3A_57 = arith.constant 0 : index
    tpu.barrier barrier_id(%barrier3A_57)
    %run_scoped3A = arith.constant 0 : i32
    "tpu.region"() ({
      %run_scoped3A_172 = tpu.sem_alloc : memref<!tpu.dma_semaphore, #tpu.memory_space<semaphore_mem>>
      %dma_start3A = arith.constant 0 : i32
      %dma_start3A_173 = tpu.memref_slice %arg6[%run_scoped3A, %add3A_38, %mul3A_13, %dma_start3A] : memref<3x4x10240x64xf32, #tpu.memory_space<hbm>> -> memref<1x1x640x64xf32, #tpu.memory_space<hbm>>
      %dma_start3A_174 = tpu.memref_squeeze %dma_start3A_173 : memref<1x1x640x64xf32, #tpu.memory_space<hbm>> -> memref<640x64xf32, #tpu.memory_space<hbm>>
      %dma_start3A_175 = arith.constant 0 : i32
      %dma_start3A_176 = tpu.memref_slice %arg14[%mul3A_13, %dma_start3A_175] : memref<10240x64xf32, #tpu.memory_space<vmem_shared>> -> memref<640x64xf32, #tpu.memory_space<vmem_shared>>
      tpu.enqueue_dma source(%dma_start3A_176 : memref<640x64xf32, #tpu.memory_space<vmem_shared>>) target(%dma_start3A_174 : memref<640x64xf32, #tpu.memory_space<hbm>>) target_semaphore(%run_scoped3A_172 : memref<!tpu.dma_semaphore, #tpu.memory_space<semaphore_mem>>)
      %dma_wait3A = arith.constant 0 : i32
      %dma_wait3A_177 = tpu.memref_slice %arg6[%run_scoped3A, %add3A_38, %mul3A_13, %dma_wait3A] : memref<3x4x10240x64xf32, #tpu.memory_space<hbm>> -> memref<1x1x640x64xf32, #tpu.memory_space<hbm>>
      %dma_wait3A_178 = tpu.memref_squeeze %dma_wait3A_177 : memref<1x1x640x64xf32, #tpu.memory_space<hbm>> -> memref<640x64xf32, #tpu.memory_space<hbm>>
      %dma_wait3A_179 = arith.constant 0 : i32
      %dma_wait3A_180 = tpu.memref_slice %arg14[%mul3A_13, %dma_wait3A_179] : memref<10240x64xf32, #tpu.memory_space<vmem_shared>> -> memref<640x64xf32, #tpu.memory_space<vmem_shared>>
      tpu.wait_dma2 semaphore(%run_scoped3A_172 : memref<!tpu.dma_semaphore, #tpu.memory_space<semaphore_mem>>) src(%dma_wait3A_180 : memref<640x64xf32, #tpu.memory_space<vmem_shared>>) dst(%dma_wait3A_178 : memref<640x64xf32, #tpu.memory_space<hbm>>)
      tpu.yield
    }) : () -> ()
    %barrier3A_58 = arith.constant 0 : index
    tpu.barrier barrier_id(%barrier3A_58)
    %add3A_59 = arith.constant 0 : i32
    %add3A_60 = arith.addi %mul3A_13, %add3A_59 : i32
    "tpu.region"() ({
      %run_scoped3A_172 = tpu.sem_alloc : memref<!tpu.dma_semaphore, #tpu.memory_space<semaphore_mem>>
      %dma_start3A = arith.constant 0 : i32
      %dma_start3A_173 = tpu.memref_slice %arg14[%add3A_60, %dma_start3A] : memref<10240x64xf32, #tpu.memory_space<vmem_shared>> -> memref<128x64xf32, #tpu.memory_space<vmem_shared>>
      %dma_start3A_174 = arith.constant 0 : i32
      %dma_start3A_175 = tpu.memref_slice %arg14[%add3A_60, %dma_start3A_174] : memref<10240x64xf32, #tpu.memory_space<vmem_shared>> -> memref<128x64xf32, #tpu.memory_space<vmem_shared>>
      tpu.enqueue_dma source(%arg13 : memref<128x64xf32, #tpu.memory_space<vmem>>) target(%dma_start3A_175 : memref<128x64xf32, #tpu.memory_space<vmem_shared>>) target_semaphore(%run_scoped3A_172 : memref<!tpu.dma_semaphore, #tpu.memory_space<semaphore_mem>>)
      %dma_wait3A = arith.constant 0 : i32
      %dma_wait3A_176 = tpu.memref_slice %arg14[%add3A_60, %dma_wait3A] : memref<10240x64xf32, #tpu.memory_space<vmem_shared>> -> memref<128x64xf32, #tpu.memory_space<vmem_shared>>
      %dma_wait3A_177 = arith.constant 0 : i32
      %dma_wait3A_178 = tpu.memref_slice %arg14[%add3A_60, %dma_wait3A_177] : memref<10240x64xf32, #tpu.memory_space<vmem_shared>> -> memref<128x64xf32, #tpu.memory_space<vmem_shared>>
      tpu.wait_dma2 semaphore(%run_scoped3A_172 : memref<!tpu.dma_semaphore, #tpu.memory_space<semaphore_mem>>) src(%arg13 : memref<128x64xf32, #tpu.memory_space<vmem>>) dst(%dma_wait3A_178 : memref<128x64xf32, #tpu.memory_space<vmem_shared>>)
      tpu.yield
    }) : () -> ()
    %add3A_61 = arith.constant 128 : i32
    %add3A_62 = arith.addi %mul3A_13, %add3A_61 : i32
    "tpu.region"() ({
      %run_scoped3A_172 = tpu.sem_alloc : memref<!tpu.dma_semaphore, #tpu.memory_space<semaphore_mem>>
      %dma_start3A = arith.constant 0 : i32
      %dma_start3A_173 = tpu.memref_slice %arg14[%add3A_62, %dma_start3A] : memref<10240x64xf32, #tpu.memory_space<vmem_shared>> -> memref<128x64xf32, #tpu.memory_space<vmem_shared>>
      %dma_start3A_174 = arith.constant 0 : i32
      %dma_start3A_175 = tpu.memref_slice %arg14[%add3A_62, %dma_start3A_174] : memref<10240x64xf32, #tpu.memory_space<vmem_shared>> -> memref<128x64xf32, #tpu.memory_space<vmem_shared>>
      tpu.enqueue_dma source(%arg13 : memref<128x64xf32, #tpu.memory_space<vmem>>) target(%dma_start3A_175 : memref<128x64xf32, #tpu.memory_space<vmem_shared>>) target_semaphore(%run_scoped3A_172 : memref<!tpu.dma_semaphore, #tpu.memory_space<semaphore_mem>>)
      %dma_wait3A = arith.constant 0 : i32
      %dma_wait3A_176 = tpu.memref_slice %arg14[%add3A_62, %dma_wait3A] : memref<10240x64xf32, #tpu.memory_space<vmem_shared>> -> memref<128x64xf32, #tpu.memory_space<vmem_shared>>
      %dma_wait3A_177 = arith.constant 0 : i32
      %dma_wait3A_178 = tpu.memref_slice %arg14[%add3A_62, %dma_wait3A_177] : memref<10240x64xf32, #tpu.memory_space<vmem_shared>> -> memref<128x64xf32, #tpu.memory_space<vmem_shared>>
      tpu.wait_dma2 semaphore(%run_scoped3A_172 : memref<!tpu.dma_semaphore, #tpu.memory_space<semaphore_mem>>) src(%arg13 : memref<128x64xf32, #tpu.memory_space<vmem>>) dst(%dma_wait3A_178 : memref<128x64xf32, #tpu.memory_space<vmem_shared>>)
      tpu.yield
    }) : () -> ()
    %add3A_63 = arith.constant 256 : i32
    %add3A_64 = arith.addi %mul3A_13, %add3A_63 : i32
    "tpu.region"() ({
      %run_scoped3A_172 = tpu.sem_alloc : memref<!tpu.dma_semaphore, #tpu.memory_space<semaphore_mem>>
      %dma_start3A = arith.constant 0 : i32
      %dma_start3A_173 = tpu.memref_slice %arg14[%add3A_64, %dma_start3A] : memref<10240x64xf32, #tpu.memory_space<vmem_shared>> -> memref<128x64xf32, #tpu.memory_space<vmem_shared>>
      %dma_start3A_174 = arith.constant 0 : i32
      %dma_start3A_175 = tpu.memref_slice %arg14[%add3A_64, %dma_start3A_174] : memref<10240x64xf32, #tpu.memory_space<vmem_shared>> -> memref<128x64xf32, #tpu.memory_space<vmem_shared>>
      tpu.enqueue_dma source(%arg13 : memref<128x64xf32, #tpu.memory_space<vmem>>) target(%dma_start3A_175 : memref<128x64xf32, #tpu.memory_space<vmem_shared>>) target_semaphore(%run_scoped3A_172 : memref<!tpu.dma_semaphore, #tpu.memory_space<semaphore_mem>>)
      %dma_wait3A = arith.constant 0 : i32
      %dma_wait3A_176 = tpu.memref_slice %arg14[%add3A_64, %dma_wait3A] : memref<10240x64xf32, #tpu.memory_space<vmem_shared>> -> memref<128x64xf32, #tpu.memory_space<vmem_shared>>
      %dma_wait3A_177 = arith.constant 0 : i32
      %dma_wait3A_178 = tpu.memref_slice %arg14[%add3A_64, %dma_wait3A_177] : memref<10240x64xf32, #tpu.memory_space<vmem_shared>> -> memref<128x64xf32, #tpu.memory_space<vmem_shared>>
      tpu.wait_dma2 semaphore(%run_scoped3A_172 : memref<!tpu.dma_semaphore, #tpu.memory_space<semaphore_mem>>) src(%arg13 : memref<128x64xf32, #tpu.memory_space<vmem>>) dst(%dma_wait3A_178 : memref<128x64xf32, #tpu.memory_space<vmem_shared>>)
      tpu.yield
    }) : () -> ()
    %add3A_65 = arith.constant 384 : i32
    %add3A_66 = arith.addi %mul3A_13, %add3A_65 : i32
    "tpu.region"() ({
      %run_scoped3A_172 = tpu.sem_alloc : memref<!tpu.dma_semaphore, #tpu.memory_space<semaphore_mem>>
      %dma_start3A = arith.constant 0 : i32
      %dma_start3A_173 = tpu.memref_slice %arg14[%add3A_66, %dma_start3A] : memref<10240x64xf32, #tpu.memory_space<vmem_shared>> -> memref<128x64xf32, #tpu.memory_space<vmem_shared>>
      %dma_start3A_174 = arith.constant 0 : i32
      %dma_start3A_175 = tpu.memref_slice %arg14[%add3A_66, %dma_start3A_174] : memref<10240x64xf32, #tpu.memory_space<vmem_shared>> -> memref<128x64xf32, #tpu.memory_space<vmem_shared>>
      tpu.enqueue_dma source(%arg13 : memref<128x64xf32, #tpu.memory_space<vmem>>) target(%dma_start3A_175 : memref<128x64xf32, #tpu.memory_space<vmem_shared>>) target_semaphore(%run_scoped3A_172 : memref<!tpu.dma_semaphore, #tpu.memory_space<semaphore_mem>>)
      %dma_wait3A = arith.constant 0 : i32
      %dma_wait3A_176 = tpu.memref_slice %arg14[%add3A_66, %dma_wait3A] : memref<10240x64xf32, #tpu.memory_space<vmem_shared>> -> memref<128x64xf32, #tpu.memory_space<vmem_shared>>
      %dma_wait3A_177 = arith.constant 0 : i32
      %dma_wait3A_178 = tpu.memref_slice %arg14[%add3A_66, %dma_wait3A_177] : memref<10240x64xf32, #tpu.memory_space<vmem_shared>> -> memref<128x64xf32, #tpu.memory_space<vmem_shared>>
      tpu.wait_dma2 semaphore(%run_scoped3A_172 : memref<!tpu.dma_semaphore, #tpu.memory_space<semaphore_mem>>) src(%arg13 : memref<128x64xf32, #tpu.memory_space<vmem>>) dst(%dma_wait3A_178 : memref<128x64xf32, #tpu.memory_space<vmem_shared>>)
      tpu.yield
    }) : () -> ()
    %add3A_67 = arith.constant 512 : i32
    %add3A_68 = arith.addi %mul3A_13, %add3A_67 : i32
    "tpu.region"() ({
      %run_scoped3A_172 = tpu.sem_alloc : memref<!tpu.dma_semaphore, #tpu.memory_space<semaphore_mem>>
      %dma_start3A = arith.constant 0 : i32
      %dma_start3A_173 = tpu.memref_slice %arg14[%add3A_68, %dma_start3A] : memref<10240x64xf32, #tpu.memory_space<vmem_shared>> -> memref<128x64xf32, #tpu.memory_space<vmem_shared>>
      %dma_start3A_174 = arith.constant 0 : i32
      %dma_start3A_175 = tpu.memref_slice %arg14[%add3A_68, %dma_start3A_174] : memref<10240x64xf32, #tpu.memory_space<vmem_shared>> -> memref<128x64xf32, #tpu.memory_space<vmem_shared>>
      tpu.enqueue_dma source(%arg13 : memref<128x64xf32, #tpu.memory_space<vmem>>) target(%dma_start3A_175 : memref<128x64xf32, #tpu.memory_space<vmem_shared>>) target_semaphore(%run_scoped3A_172 : memref<!tpu.dma_semaphore, #tpu.memory_space<semaphore_mem>>)
      %dma_wait3A = arith.constant 0 : i32
      %dma_wait3A_176 = tpu.memref_slice %arg14[%add3A_68, %dma_wait3A] : memref<10240x64xf32, #tpu.memory_space<vmem_shared>> -> memref<128x64xf32, #tpu.memory_space<vmem_shared>>
      %dma_wait3A_177 = arith.constant 0 : i32
      %dma_wait3A_178 = tpu.memref_slice %arg14[%add3A_68, %dma_wait3A_177] : memref<10240x64xf32, #tpu.memory_space<vmem_shared>> -> memref<128x64xf32, #tpu.memory_space<vmem_shared>>
      tpu.wait_dma2 semaphore(%run_scoped3A_172 : memref<!tpu.dma_semaphore, #tpu.memory_space<semaphore_mem>>) src(%arg13 : memref<128x64xf32, #tpu.memory_space<vmem>>) dst(%dma_wait3A_178 : memref<128x64xf32, #tpu.memory_space<vmem_shared>>)
      tpu.yield
    }) : () -> ()
    %barrier3A_69 = arith.constant 0 : index
    tpu.barrier barrier_id(%barrier3A_69)
    %scan3A_70 = arith.constant 0 : i32
    %scan3A_71 = arith.constant 0 : i32
    %scan3A_72 = arith.constant 0 : i32
    %scan3A_73 = arith.constant 79 : i32
    %scan3A_74 = arith.addi %scan3A_72, %scan3A_73 : i32
    %scan3A_75 = arith.constant 1 : i32
    %scan3A_76 = scf.for %scan3A_172 = %scan3A_72 to %scan3A_74 step %scan3A_75 iter_args(%scan3A_173 = %scan3A_71) -> (i32)  : i32 {
      %dma_start3A = arith.constant 0 : i32
      %dma_start3A_174 = tpu.memref_slice %arg7[%scan3A_172, %dma_start3A] : memref<79x128xi32, #tpu.memory_space<vmem>> -> memref<1x128xi32, #tpu.memory_space<vmem>>
      %dma_start3A_175 = tpu.memref_squeeze %dma_start3A_174 : memref<1x128xi32, #tpu.memory_space<vmem>> -> memref<128xi32, #tpu.memory_space<vmem>>
      %dma_start3A_176 = arith.constant 0 : i32
      %dma_start3A_177 = arith.constant 0 : i32
      %dma_start3A_178 = tpu.memref_slice %arg6[%scan3A_70, %add3A_38, %dma_start3A_176, %dma_start3A_177] : memref<3x4x10240x64xf32, #tpu.memory_space<hbm>> -> memref<1x1x10240x64xf32, #tpu.memory_space<hbm>>
      %dma_start3A_179 = tpu.memref_squeeze %dma_start3A_178 : memref<1x1x10240x64xf32, #tpu.memory_space<hbm>> -> memref<10240x64xf32, #tpu.memory_space<hbm>>
      %dma_start3A_180 = arith.constant 0 : i32
      %dma_start3A_181 = arith.constant 0 : i32
      %dma_start3A_182 = tpu.memref_slice %dma_start3A_179[%dma_start3A_180, %dma_start3A_181] : memref<10240x64xf32, #tpu.memory_space<hbm>> -> memref<10240x64xf32, #tpu.memory_space<hbm>>
      tpu.enqueue_indirect_dma source(%dma_start3A_182 : memref<10240x64xf32, #tpu.memory_space<hbm>>) target(%arg12 : memref<128x64xf32, #tpu.memory_space<vmem>>) offsets(%dma_start3A_175 : memref<128xi32, #tpu.memory_space<vmem>>) semaphore(%arg16 : memref<!tpu.dma_semaphore, #tpu.memory_space<semaphore_mem>>)
      %dma_wait3A = arith.constant 0 : i32
      %dma_wait3A_183 = tpu.memref_slice %arg7[%scan3A_172, %dma_wait3A] : memref<79x128xi32, #tpu.memory_space<vmem>> -> memref<1x128xi32, #tpu.memory_space<vmem>>
      %dma_wait3A_184 = tpu.memref_squeeze %dma_wait3A_183 : memref<1x128xi32, #tpu.memory_space<vmem>> -> memref<128xi32, #tpu.memory_space<vmem>>
      %dma_wait3A_185 = arith.constant 0 : i32
      %dma_wait3A_186 = arith.constant 0 : i32
      %dma_wait3A_187 = tpu.memref_slice %arg6[%scan3A_70, %add3A_38, %dma_wait3A_185, %dma_wait3A_186] : memref<3x4x10240x64xf32, #tpu.memory_space<hbm>> -> memref<1x1x10240x64xf32, #tpu.memory_space<hbm>>
      %dma_wait3A_188 = tpu.memref_squeeze %dma_wait3A_187 : memref<1x1x10240x64xf32, #tpu.memory_space<hbm>> -> memref<10240x64xf32, #tpu.memory_space<hbm>>
      %dma_wait3A_189 = arith.constant 0 : i32
      %dma_wait3A_190 = arith.constant 0 : i32
      %dma_wait3A_191 = tpu.memref_slice %dma_wait3A_188[%dma_wait3A_189, %dma_wait3A_190] : memref<10240x64xf32, #tpu.memory_space<hbm>> -> memref<10240x64xf32, #tpu.memory_space<hbm>>
      tpu.wait_indirect_dma semaphore(%arg16 : memref<!tpu.dma_semaphore, #tpu.memory_space<semaphore_mem>>) src(%dma_wait3A_191 : memref<10240x64xf32, #tpu.memory_space<hbm>>) dst(%arg12 : memref<128x64xf32, #tpu.memory_space<vmem>>)
      %scan3A_192 = arith.constant 0 : i32
      %scan3A_193 = arith.constant 0 : i32
      %scan3A_194 = arith.constant 128 : i32
      %scan3A_195 = arith.addi %scan3A_193, %scan3A_194 : i32
      %scan3A_196 = arith.constant 1 : i32
      %scan3A_197 = scf.for %scan3A_200 = %scan3A_193 to %scan3A_195 step %scan3A_196 iter_args(%scan3A_201 = %scan3A_192) -> (i32)  : i32 {
        %broadcast_in_dim3A = vector.broadcast %scan3A_172 : i32 to vector<16xi32>
        %broadcast_in_dim3A_202 = vector.broadcast %scan3A_200 : i32 to vector<16xi32>
        %gather3A = tpu.vector_load_idx %arg10[%broadcast_in_dim3A, %broadcast_in_dim3A_202] : memref<79x128xf32, #tpu.memory_space<vmem>>[vector<16xi32>, vector<16xi32>], vector<16xf32>,
        %get3A = arith.index_cast %scan3A_200 : i32 to index
        %get3A_203 = arith.constant 0 : index
        %get3A_204 = tpu.vector_load %arg12[%get3A, %get3A_203] {strides = array<i32>} : memref<128x64xf32, #tpu.memory_space<vmem>>, vector<16xf32>,
        %mul3A_205 = arith.mulf %get3A_204, %gather3A : vector<16xf32>
        %swap3A = arith.index_cast %scan3A_200 : i32 to index
        %swap3A_206 = arith.constant 0 : index
        %swap3A_207 = tpu.vector_load %arg12[%swap3A, %swap3A_206] {strides = array<i32>} : memref<128x64xf32, #tpu.memory_space<vmem>>, vector<16xf32>,
        tpu.vector_store %arg12[%swap3A, %swap3A_206], %mul3A_205 {strides = array<i32>} : memref<128x64xf32, #tpu.memory_space<vmem>>, vector<16xf32>,
        %get3A_208 = arith.index_cast %scan3A_200 : i32 to index
        %get3A_209 = arith.constant 16 : index
        %get3A_210 = tpu.vector_load %arg12[%get3A_208, %get3A_209] {strides = array<i32>} : memref<128x64xf32, #tpu.memory_space<vmem>>, vector<16xf32>,
        %mul3A_211 = arith.mulf %get3A_210, %gather3A : vector<16xf32>
        %swap3A_212 = arith.index_cast %scan3A_200 : i32 to index
        %swap3A_213 = arith.constant 16 : index
        %swap3A_214 = tpu.vector_load %arg12[%swap3A_212, %swap3A_213] {strides = array<i32>} : memref<128x64xf32, #tpu.memory_space<vmem>>, vector<16xf32>,
        tpu.vector_store %arg12[%swap3A_212, %swap3A_213], %mul3A_211 {strides = array<i32>} : memref<128x64xf32, #tpu.memory_space<vmem>>, vector<16xf32>,
        %get3A_215 = arith.index_cast %scan3A_200 : i32 to index
        %get3A_216 = arith.constant 32 : index
        %get3A_217 = tpu.vector_load %arg12[%get3A_215, %get3A_216] {strides = array<i32>} : memref<128x64xf32, #tpu.memory_space<vmem>>, vector<16xf32>,
        %mul3A_218 = arith.mulf %get3A_217, %gather3A : vector<16xf32>
        %swap3A_219 = arith.index_cast %scan3A_200 : i32 to index
        %swap3A_220 = arith.constant 32 : index
        %swap3A_221 = tpu.vector_load %arg12[%swap3A_219, %swap3A_220] {strides = array<i32>} : memref<128x64xf32, #tpu.memory_space<vmem>>, vector<16xf32>,
        tpu.vector_store %arg12[%swap3A_219, %swap3A_220], %mul3A_218 {strides = array<i32>} : memref<128x64xf32, #tpu.memory_space<vmem>>, vector<16xf32>,
        %get3A_222 = arith.index_cast %scan3A_200 : i32 to index
        %get3A_223 = arith.constant 48 : index
        %get3A_224 = tpu.vector_load %arg12[%get3A_222, %get3A_223] {strides = array<i32>} : memref<128x64xf32, #tpu.memory_space<vmem>>, vector<16xf32>,
        %mul3A_225 = arith.mulf %get3A_224, %gather3A : vector<16xf32>
        %swap3A_226 = arith.index_cast %scan3A_200 : i32 to index
        %swap3A_227 = arith.constant 48 : index
        %swap3A_228 = tpu.vector_load %arg12[%swap3A_226, %swap3A_227] {strides = array<i32>} : memref<128x64xf32, #tpu.memory_space<vmem>>, vector<16xf32>,
        tpu.vector_store %arg12[%swap3A_226, %swap3A_227], %mul3A_225 {strides = array<i32>} : memref<128x64xf32, #tpu.memory_space<vmem>>, vector<16xf32>,
        %scan3A_229 = arith.constant 0 : i32
        scf.yield %scan3A_229 : i32
      }
      %scan3A_198 = arith.constant 128 : i32
      "tpu.region"() ({
        %run_scoped3A_200 = tpu.sem_alloc : memref<!tpu.dma_semaphore, #tpu.memory_space<semaphore_mem>>
        %dma_start3A_201 = arith.constant 0 : i32
        %dma_start3A_202 = tpu.memref_slice %arg8[%scan3A_172, %dma_start3A_201] : memref<79x128xi32, #tpu.memory_space<vmem>> -> memref<1x128xi32, #tpu.memory_space<vmem>>
        %dma_start3A_203 = tpu.memref_squeeze %dma_start3A_202 : memref<1x128xi32, #tpu.memory_space<vmem>> -> memref<128xi32, #tpu.memory_space<vmem>>
        %dma_start3A_204 = arith.constant 0 : i32
        %dma_start3A_205 = arith.constant 0 : i32
        %dma_start3A_206 = tpu.memref_slice %arg14[%dma_start3A_204, %dma_start3A_205] : memref<10240x64xf32, #tpu.memory_space<vmem_shared>> -> memref<10240x64xf32, #tpu.memory_space<vmem_shared>>
        tpu.enqueue_indirect_dma source(%arg12 : memref<128x64xf32, #tpu.memory_space<vmem>>) target(%dma_start3A_206 : memref<10240x64xf32, #tpu.memory_space<vmem_shared>>) offsets(%dma_start3A_203 : memref<128xi32, #tpu.memory_space<vmem>>) semaphore(%run_scoped3A_200 : memref<!tpu.dma_semaphore, #tpu.memory_space<semaphore_mem>>) {add = true}
        %dma_wait3A_207 = arith.constant 0 : i32
        %dma_wait3A_208 = tpu.memref_slice %arg8[%scan3A_172, %dma_wait3A_207] : memref<79x128xi32, #tpu.memory_space<vmem>> -> memref<1x128xi32, #tpu.memory_space<vmem>>
        %dma_wait3A_209 = tpu.memref_squeeze %dma_wait3A_208 : memref<1x128xi32, #tpu.memory_space<vmem>> -> memref<128xi32, #tpu.memory_space<vmem>>
        %dma_wait3A_210 = arith.constant 0 : i32
        %dma_wait3A_211 = arith.constant 0 : i32
        %dma_wait3A_212 = tpu.memref_slice %arg14[%dma_wait3A_210, %dma_wait3A_211] : memref<10240x64xf32, #tpu.memory_space<vmem_shared>> -> memref<10240x64xf32, #tpu.memory_space<vmem_shared>>
        tpu.wait_indirect_dma semaphore(%run_scoped3A_200 : memref<!tpu.dma_semaphore, #tpu.memory_space<semaphore_mem>>) src(%arg12 : memref<128x64xf32, #tpu.memory_space<vmem>>) dst(%dma_wait3A_212 : memref<10240x64xf32, #tpu.memory_space<vmem_shared>>)
        tpu.yield
      }) : () -> ()
      %scan3A_199 = arith.constant 0 : i32
      scf.yield %scan3A_199 : i32
    }
    %scan3A_77 = arith.constant 79 : i32
    %barrier3A_78 = arith.constant 0 : index
    tpu.barrier barrier_id(%barrier3A_78)
    %run_scoped3A_79 = arith.constant 1 : i32
    "tpu.region"() ({
      %run_scoped3A_172 = tpu.sem_alloc : memref<!tpu.dma_semaphore, #tpu.memory_space<semaphore_mem>>
      %dma_start3A = arith.constant 0 : i32
      %dma_start3A_173 = tpu.memref_slice %arg6[%run_scoped3A_79, %add3A_38, %mul3A_13, %dma_start3A] : memref<3x4x10240x64xf32, #tpu.memory_space<hbm>> -> memref<1x1x640x64xf32, #tpu.memory_space<hbm>>
      %dma_start3A_174 = tpu.memref_squeeze %dma_start3A_173 : memref<1x1x640x64xf32, #tpu.memory_space<hbm>> -> memref<640x64xf32, #tpu.memory_space<hbm>>
      %dma_start3A_175 = arith.constant 0 : i32
      %dma_start3A_176 = tpu.memref_slice %arg14[%mul3A_13, %dma_start3A_175] : memref<10240x64xf32, #tpu.memory_space<vmem_shared>> -> memref<640x64xf32, #tpu.memory_space<vmem_shared>>
      tpu.enqueue_dma source(%dma_start3A_176 : memref<640x64xf32, #tpu.memory_space<vmem_shared>>) target(%dma_start3A_174 : memref<640x64xf32, #tpu.memory_space<hbm>>) target_semaphore(%run_scoped3A_172 : memref<!tpu.dma_semaphore, #tpu.memory_space<semaphore_mem>>)
      %dma_wait3A = arith.constant 0 : i32
      %dma_wait3A_177 = tpu.memref_slice %arg6[%run_scoped3A_79, %add3A_38, %mul3A_13, %dma_wait3A] : memref<3x4x10240x64xf32, #tpu.memory_space<hbm>> -> memref<1x1x640x64xf32, #tpu.memory_space<hbm>>
      %dma_wait3A_178 = tpu.memref_squeeze %dma_wait3A_177 : memref<1x1x640x64xf32, #tpu.memory_space<hbm>> -> memref<640x64xf32, #tpu.memory_space<hbm>>
      %dma_wait3A_179 = arith.constant 0 : i32
      %dma_wait3A_180 = tpu.memref_slice %arg14[%mul3A_13, %dma_wait3A_179] : memref<10240x64xf32, #tpu.memory_space<vmem_shared>> -> memref<640x64xf32, #tpu.memory_space<vmem_shared>>
      tpu.wait_dma2 semaphore(%run_scoped3A_172 : memref<!tpu.dma_semaphore, #tpu.memory_space<semaphore_mem>>) src(%dma_wait3A_180 : memref<640x64xf32, #tpu.memory_space<vmem_shared>>) dst(%dma_wait3A_178 : memref<640x64xf32, #tpu.memory_space<hbm>>)
      tpu.yield
    }) : () -> ()
    %barrier3A_80 = arith.constant 0 : index
    tpu.barrier barrier_id(%barrier3A_80)
    %add3A_81 = arith.constant 0 : i32
    %add3A_82 = arith.addi %mul3A_13, %add3A_81 : i32
    "tpu.region"() ({
      %run_scoped3A_172 = tpu.sem_alloc : memref<!tpu.dma_semaphore, #tpu.memory_space<semaphore_mem>>
      %dma_start3A = arith.constant 0 : i32
      %dma_start3A_173 = tpu.memref_slice %arg14[%add3A_82, %dma_start3A] : memref<10240x64xf32, #tpu.memory_space<vmem_shared>> -> memref<128x64xf32, #tpu.memory_space<vmem_shared>>
      %dma_start3A_174 = arith.constant 0 : i32
      %dma_start3A_175 = tpu.memref_slice %arg14[%add3A_82, %dma_start3A_174] : memref<10240x64xf32, #tpu.memory_space<vmem_shared>> -> memref<128x64xf32, #tpu.memory_space<vmem_shared>>
      tpu.enqueue_dma source(%arg13 : memref<128x64xf32, #tpu.memory_space<vmem>>) target(%dma_start3A_175 : memref<128x64xf32, #tpu.memory_space<vmem_shared>>) target_semaphore(%run_scoped3A_172 : memref<!tpu.dma_semaphore, #tpu.memory_space<semaphore_mem>>)
      %dma_wait3A = arith.constant 0 : i32
      %dma_wait3A_176 = tpu.memref_slice %arg14[%add3A_82, %dma_wait3A] : memref<10240x64xf32, #tpu.memory_space<vmem_shared>> -> memref<128x64xf32, #tpu.memory_space<vmem_shared>>
      %dma_wait3A_177 = arith.constant 0 : i32
      %dma_wait3A_178 = tpu.memref_slice %arg14[%add3A_82, %dma_wait3A_177] : memref<10240x64xf32, #tpu.memory_space<vmem_shared>> -> memref<128x64xf32, #tpu.memory_space<vmem_shared>>
      tpu.wait_dma2 semaphore(%run_scoped3A_172 : memref<!tpu.dma_semaphore, #tpu.memory_space<semaphore_mem>>) src(%arg13 : memref<128x64xf32, #tpu.memory_space<vmem>>) dst(%dma_wait3A_178 : memref<128x64xf32, #tpu.memory_space<vmem_shared>>)
      tpu.yield
    }) : () -> ()
    %add3A_83 = arith.constant 128 : i32
    %add3A_84 = arith.addi %mul3A_13, %add3A_83 : i32
    "tpu.region"() ({
      %run_scoped3A_172 = tpu.sem_alloc : memref<!tpu.dma_semaphore, #tpu.memory_space<semaphore_mem>>
      %dma_start3A = arith.constant 0 : i32
      %dma_start3A_173 = tpu.memref_slice %arg14[%add3A_84, %dma_start3A] : memref<10240x64xf32, #tpu.memory_space<vmem_shared>> -> memref<128x64xf32, #tpu.memory_space<vmem_shared>>
      %dma_start3A_174 = arith.constant 0 : i32
      %dma_start3A_175 = tpu.memref_slice %arg14[%add3A_84, %dma_start3A_174] : memref<10240x64xf32, #tpu.memory_space<vmem_shared>> -> memref<128x64xf32, #tpu.memory_space<vmem_shared>>
      tpu.enqueue_dma source(%arg13 : memref<128x64xf32, #tpu.memory_space<vmem>>) target(%dma_start3A_175 : memref<128x64xf32, #tpu.memory_space<vmem_shared>>) target_semaphore(%run_scoped3A_172 : memref<!tpu.dma_semaphore, #tpu.memory_space<semaphore_mem>>)
      %dma_wait3A = arith.constant 0 : i32
      %dma_wait3A_176 = tpu.memref_slice %arg14[%add3A_84, %dma_wait3A] : memref<10240x64xf32, #tpu.memory_space<vmem_shared>> -> memref<128x64xf32, #tpu.memory_space<vmem_shared>>
      %dma_wait3A_177 = arith.constant 0 : i32
      %dma_wait3A_178 = tpu.memref_slice %arg14[%add3A_84, %dma_wait3A_177] : memref<10240x64xf32, #tpu.memory_space<vmem_shared>> -> memref<128x64xf32, #tpu.memory_space<vmem_shared>>
      tpu.wait_dma2 semaphore(%run_scoped3A_172 : memref<!tpu.dma_semaphore, #tpu.memory_space<semaphore_mem>>) src(%arg13 : memref<128x64xf32, #tpu.memory_space<vmem>>) dst(%dma_wait3A_178 : memref<128x64xf32, #tpu.memory_space<vmem_shared>>)
      tpu.yield
    }) : () -> ()
    %add3A_85 = arith.constant 256 : i32
    %add3A_86 = arith.addi %mul3A_13, %add3A_85 : i32
    "tpu.region"() ({
      %run_scoped3A_172 = tpu.sem_alloc : memref<!tpu.dma_semaphore, #tpu.memory_space<semaphore_mem>>
      %dma_start3A = arith.constant 0 : i32
      %dma_start3A_173 = tpu.memref_slice %arg14[%add3A_86, %dma_start3A] : memref<10240x64xf32, #tpu.memory_space<vmem_shared>> -> memref<128x64xf32, #tpu.memory_space<vmem_shared>>
      %dma_start3A_174 = arith.constant 0 : i32
      %dma_start3A_175 = tpu.memref_slice %arg14[%add3A_86, %dma_start3A_174] : memref<10240x64xf32, #tpu.memory_space<vmem_shared>> -> memref<128x64xf32, #tpu.memory_space<vmem_shared>>
      tpu.enqueue_dma source(%arg13 : memref<128x64xf32, #tpu.memory_space<vmem>>) target(%dma_start3A_175 : memref<128x64xf32, #tpu.memory_space<vmem_shared>>) target_semaphore(%run_scoped3A_172 : memref<!tpu.dma_semaphore, #tpu.memory_space<semaphore_mem>>)
      %dma_wait3A = arith.constant 0 : i32
      %dma_wait3A_176 = tpu.memref_slice %arg14[%add3A_86, %dma_wait3A] : memref<10240x64xf32, #tpu.memory_space<vmem_shared>> -> memref<128x64xf32, #tpu.memory_space<vmem_shared>>
      %dma_wait3A_177 = arith.constant 0 : i32
      %dma_wait3A_178 = tpu.memref_slice %arg14[%add3A_86, %dma_wait3A_177] : memref<10240x64xf32, #tpu.memory_space<vmem_shared>> -> memref<128x64xf32, #tpu.memory_space<vmem_shared>>
      tpu.wait_dma2 semaphore(%run_scoped3A_172 : memref<!tpu.dma_semaphore, #tpu.memory_space<semaphore_mem>>) src(%arg13 : memref<128x64xf32, #tpu.memory_space<vmem>>) dst(%dma_wait3A_178 : memref<128x64xf32, #tpu.memory_space<vmem_shared>>)
      tpu.yield
    }) : () -> ()
    %add3A_87 = arith.constant 384 : i32
    %add3A_88 = arith.addi %mul3A_13, %add3A_87 : i32
    "tpu.region"() ({
      %run_scoped3A_172 = tpu.sem_alloc : memref<!tpu.dma_semaphore, #tpu.memory_space<semaphore_mem>>
      %dma_start3A = arith.constant 0 : i32
      %dma_start3A_173 = tpu.memref_slice %arg14[%add3A_88, %dma_start3A] : memref<10240x64xf32, #tpu.memory_space<vmem_shared>> -> memref<128x64xf32, #tpu.memory_space<vmem_shared>>
      %dma_start3A_174 = arith.constant 0 : i32
      %dma_start3A_175 = tpu.memref_slice %arg14[%add3A_88, %dma_start3A_174] : memref<10240x64xf32, #tpu.memory_space<vmem_shared>> -> memref<128x64xf32, #tpu.memory_space<vmem_shared>>
      tpu.enqueue_dma source(%arg13 : memref<128x64xf32, #tpu.memory_space<vmem>>) target(%dma_start3A_175 : memref<128x64xf32, #tpu.memory_space<vmem_shared>>) target_semaphore(%run_scoped3A_172 : memref<!tpu.dma_semaphore, #tpu.memory_space<semaphore_mem>>)
      %dma_wait3A = arith.constant 0 : i32
      %dma_wait3A_176 = tpu.memref_slice %arg14[%add3A_88, %dma_wait3A] : memref<10240x64xf32, #tpu.memory_space<vmem_shared>> -> memref<128x64xf32, #tpu.memory_space<vmem_shared>>
      %dma_wait3A_177 = arith.constant 0 : i32
      %dma_wait3A_178 = tpu.memref_slice %arg14[%add3A_88, %dma_wait3A_177] : memref<10240x64xf32, #tpu.memory_space<vmem_shared>> -> memref<128x64xf32, #tpu.memory_space<vmem_shared>>
      tpu.wait_dma2 semaphore(%run_scoped3A_172 : memref<!tpu.dma_semaphore, #tpu.memory_space<semaphore_mem>>) src(%arg13 : memref<128x64xf32, #tpu.memory_space<vmem>>) dst(%dma_wait3A_178 : memref<128x64xf32, #tpu.memory_space<vmem_shared>>)
      tpu.yield
    }) : () -> ()
    %add3A_89 = arith.constant 512 : i32
    %add3A_90 = arith.addi %mul3A_13, %add3A_89 : i32
    "tpu.region"() ({
      %run_scoped3A_172 = tpu.sem_alloc : memref<!tpu.dma_semaphore, #tpu.memory_space<semaphore_mem>>
      %dma_start3A = arith.constant 0 : i32
      %dma_start3A_173 = tpu.memref_slice %arg14[%add3A_90, %dma_start3A] : memref<10240x64xf32, #tpu.memory_space<vmem_shared>> -> memref<128x64xf32, #tpu.memory_space<vmem_shared>>
      %dma_start3A_174 = arith.constant 0 : i32
      %dma_start3A_175 = tpu.memref_slice %arg14[%add3A_90, %dma_start3A_174] : memref<10240x64xf32, #tpu.memory_space<vmem_shared>> -> memref<128x64xf32, #tpu.memory_space<vmem_shared>>
      tpu.enqueue_dma source(%arg13 : memref<128x64xf32, #tpu.memory_space<vmem>>) target(%dma_start3A_175 : memref<128x64xf32, #tpu.memory_space<vmem_shared>>) target_semaphore(%run_scoped3A_172 : memref<!tpu.dma_semaphore, #tpu.memory_space<semaphore_mem>>)
      %dma_wait3A = arith.constant 0 : i32
      %dma_wait3A_176 = tpu.memref_slice %arg14[%add3A_90, %dma_wait3A] : memref<10240x64xf32, #tpu.memory_space<vmem_shared>> -> memref<128x64xf32, #tpu.memory_space<vmem_shared>>
      %dma_wait3A_177 = arith.constant 0 : i32
      %dma_wait3A_178 = tpu.memref_slice %arg14[%add3A_90, %dma_wait3A_177] : memref<10240x64xf32, #tpu.memory_space<vmem_shared>> -> memref<128x64xf32, #tpu.memory_space<vmem_shared>>
      tpu.wait_dma2 semaphore(%run_scoped3A_172 : memref<!tpu.dma_semaphore, #tpu.memory_space<semaphore_mem>>) src(%arg13 : memref<128x64xf32, #tpu.memory_space<vmem>>) dst(%dma_wait3A_178 : memref<128x64xf32, #tpu.memory_space<vmem_shared>>)
      tpu.yield
    }) : () -> ()
    %barrier3A_91 = arith.constant 0 : index
    tpu.barrier barrier_id(%barrier3A_91)
    %scan3A_92 = arith.constant 1 : i32
    %scan3A_93 = arith.constant 0 : i32
    %scan3A_94 = arith.constant 0 : i32
    %scan3A_95 = arith.constant 79 : i32
    %scan3A_96 = arith.addi %scan3A_94, %scan3A_95 : i32
    %scan3A_97 = arith.constant 1 : i32
    %scan3A_98 = scf.for %scan3A_172 = %scan3A_94 to %scan3A_96 step %scan3A_97 iter_args(%scan3A_173 = %scan3A_93) -> (i32)  : i32 {
      %dma_start3A = arith.constant 0 : i32
      %dma_start3A_174 = tpu.memref_slice %arg7[%scan3A_172, %dma_start3A] : memref<79x128xi32, #tpu.memory_space<vmem>> -> memref<1x128xi32, #tpu.memory_space<vmem>>
      %dma_start3A_175 = tpu.memref_squeeze %dma_start3A_174 : memref<1x128xi32, #tpu.memory_space<vmem>> -> memref<128xi32, #tpu.memory_space<vmem>>
      %dma_start3A_176 = arith.constant 0 : i32
      %dma_start3A_177 = arith.constant 0 : i32
      %dma_start3A_178 = tpu.memref_slice %arg6[%scan3A_92, %add3A_38, %dma_start3A_176, %dma_start3A_177] : memref<3x4x10240x64xf32, #tpu.memory_space<hbm>> -> memref<1x1x10240x64xf32, #tpu.memory_space<hbm>>
      %dma_start3A_179 = tpu.memref_squeeze %dma_start3A_178 : memref<1x1x10240x64xf32, #tpu.memory_space<hbm>> -> memref<10240x64xf32, #tpu.memory_space<hbm>>
      %dma_start3A_180 = arith.constant 0 : i32
      %dma_start3A_181 = arith.constant 0 : i32
      %dma_start3A_182 = tpu.memref_slice %dma_start3A_179[%dma_start3A_180, %dma_start3A_181] : memref<10240x64xf32, #tpu.memory_space<hbm>> -> memref<10240x64xf32, #tpu.memory_space<hbm>>
      tpu.enqueue_indirect_dma source(%dma_start3A_182 : memref<10240x64xf32, #tpu.memory_space<hbm>>) target(%arg12 : memref<128x64xf32, #tpu.memory_space<vmem>>) offsets(%dma_start3A_175 : memref<128xi32, #tpu.memory_space<vmem>>) semaphore(%arg16 : memref<!tpu.dma_semaphore, #tpu.memory_space<semaphore_mem>>)
      %dma_wait3A = arith.constant 0 : i32
      %dma_wait3A_183 = tpu.memref_slice %arg7[%scan3A_172, %dma_wait3A] : memref<79x128xi32, #tpu.memory_space<vmem>> -> memref<1x128xi32, #tpu.memory_space<vmem>>
      %dma_wait3A_184 = tpu.memref_squeeze %dma_wait3A_183 : memref<1x128xi32, #tpu.memory_space<vmem>> -> memref<128xi32, #tpu.memory_space<vmem>>
      %dma_wait3A_185 = arith.constant 0 : i32
      %dma_wait3A_186 = arith.constant 0 : i32
      %dma_wait3A_187 = tpu.memref_slice %arg6[%scan3A_92, %add3A_38, %dma_wait3A_185, %dma_wait3A_186] : memref<3x4x10240x64xf32, #tpu.memory_space<hbm>> -> memref<1x1x10240x64xf32, #tpu.memory_space<hbm>>
      %dma_wait3A_188 = tpu.memref_squeeze %dma_wait3A_187 : memref<1x1x10240x64xf32, #tpu.memory_space<hbm>> -> memref<10240x64xf32, #tpu.memory_space<hbm>>
      %dma_wait3A_189 = arith.constant 0 : i32
      %dma_wait3A_190 = arith.constant 0 : i32
      %dma_wait3A_191 = tpu.memref_slice %dma_wait3A_188[%dma_wait3A_189, %dma_wait3A_190] : memref<10240x64xf32, #tpu.memory_space<hbm>> -> memref<10240x64xf32, #tpu.memory_space<hbm>>
      tpu.wait_indirect_dma semaphore(%arg16 : memref<!tpu.dma_semaphore, #tpu.memory_space<semaphore_mem>>) src(%dma_wait3A_191 : memref<10240x64xf32, #tpu.memory_space<hbm>>) dst(%arg12 : memref<128x64xf32, #tpu.memory_space<vmem>>)
      %scan3A_192 = arith.constant 0 : i32
      %scan3A_193 = arith.constant 0 : i32
      %scan3A_194 = arith.constant 128 : i32
      %scan3A_195 = arith.addi %scan3A_193, %scan3A_194 : i32
      %scan3A_196 = arith.constant 1 : i32
      %scan3A_197 = scf.for %scan3A_200 = %scan3A_193 to %scan3A_195 step %scan3A_196 iter_args(%scan3A_201 = %scan3A_192) -> (i32)  : i32 {
        %broadcast_in_dim3A = vector.broadcast %scan3A_172 : i32 to vector<16xi32>
        %broadcast_in_dim3A_202 = vector.broadcast %scan3A_200 : i32 to vector<16xi32>
        %gather3A = tpu.vector_load_idx %arg10[%broadcast_in_dim3A, %broadcast_in_dim3A_202] : memref<79x128xf32, #tpu.memory_space<vmem>>[vector<16xi32>, vector<16xi32>], vector<16xf32>,
        %get3A = arith.index_cast %scan3A_200 : i32 to index
        %get3A_203 = arith.constant 0 : index
        %get3A_204 = tpu.vector_load %arg12[%get3A, %get3A_203] {strides = array<i32>} : memref<128x64xf32, #tpu.memory_space<vmem>>, vector<16xf32>,
        %mul3A_205 = arith.mulf %get3A_204, %gather3A : vector<16xf32>
        %swap3A = arith.index_cast %scan3A_200 : i32 to index
        %swap3A_206 = arith.constant 0 : index
        %swap3A_207 = tpu.vector_load %arg12[%swap3A, %swap3A_206] {strides = array<i32>} : memref<128x64xf32, #tpu.memory_space<vmem>>, vector<16xf32>,
        tpu.vector_store %arg12[%swap3A, %swap3A_206], %mul3A_205 {strides = array<i32>} : memref<128x64xf32, #tpu.memory_space<vmem>>, vector<16xf32>,
        %get3A_208 = arith.index_cast %scan3A_200 : i32 to index
        %get3A_209 = arith.constant 16 : index
        %get3A_210 = tpu.vector_load %arg12[%get3A_208, %get3A_209] {strides = array<i32>} : memref<128x64xf32, #tpu.memory_space<vmem>>, vector<16xf32>,
        %mul3A_211 = arith.mulf %get3A_210, %gather3A : vector<16xf32>
        %swap3A_212 = arith.index_cast %scan3A_200 : i32 to index
        %swap3A_213 = arith.constant 16 : index
        %swap3A_214 = tpu.vector_load %arg12[%swap3A_212, %swap3A_213] {strides = array<i32>} : memref<128x64xf32, #tpu.memory_space<vmem>>, vector<16xf32>,
        tpu.vector_store %arg12[%swap3A_212, %swap3A_213], %mul3A_211 {strides = array<i32>} : memref<128x64xf32, #tpu.memory_space<vmem>>, vector<16xf32>,
        %get3A_215 = arith.index_cast %scan3A_200 : i32 to index
        %get3A_216 = arith.constant 32 : index
        %get3A_217 = tpu.vector_load %arg12[%get3A_215, %get3A_216] {strides = array<i32>} : memref<128x64xf32, #tpu.memory_space<vmem>>, vector<16xf32>,
        %mul3A_218 = arith.mulf %get3A_217, %gather3A : vector<16xf32>
        %swap3A_219 = arith.index_cast %scan3A_200 : i32 to index
        %swap3A_220 = arith.constant 32 : index
        %swap3A_221 = tpu.vector_load %arg12[%swap3A_219, %swap3A_220] {strides = array<i32>} : memref<128x64xf32, #tpu.memory_space<vmem>>, vector<16xf32>,
        tpu.vector_store %arg12[%swap3A_219, %swap3A_220], %mul3A_218 {strides = array<i32>} : memref<128x64xf32, #tpu.memory_space<vmem>>, vector<16xf32>,
        %get3A_222 = arith.index_cast %scan3A_200 : i32 to index
        %get3A_223 = arith.constant 48 : index
        %get3A_224 = tpu.vector_load %arg12[%get3A_222, %get3A_223] {strides = array<i32>} : memref<128x64xf32, #tpu.memory_space<vmem>>, vector<16xf32>,
        %mul3A_225 = arith.mulf %get3A_224, %gather3A : vector<16xf32>
        %swap3A_226 = arith.index_cast %scan3A_200 : i32 to index
        %swap3A_227 = arith.constant 48 : index
        %swap3A_228 = tpu.vector_load %arg12[%swap3A_226, %swap3A_227] {strides = array<i32>} : memref<128x64xf32, #tpu.memory_space<vmem>>, vector<16xf32>,
        tpu.vector_store %arg12[%swap3A_226, %swap3A_227], %mul3A_225 {strides = array<i32>} : memref<128x64xf32, #tpu.memory_space<vmem>>, vector<16xf32>,
        %scan3A_229 = arith.constant 0 : i32
        scf.yield %scan3A_229 : i32
      }
      %scan3A_198 = arith.constant 128 : i32
      "tpu.region"() ({
        %run_scoped3A_200 = tpu.sem_alloc : memref<!tpu.dma_semaphore, #tpu.memory_space<semaphore_mem>>
        %dma_start3A_201 = arith.constant 0 : i32
        %dma_start3A_202 = tpu.memref_slice %arg8[%scan3A_172, %dma_start3A_201] : memref<79x128xi32, #tpu.memory_space<vmem>> -> memref<1x128xi32, #tpu.memory_space<vmem>>
        %dma_start3A_203 = tpu.memref_squeeze %dma_start3A_202 : memref<1x128xi32, #tpu.memory_space<vmem>> -> memref<128xi32, #tpu.memory_space<vmem>>
        %dma_start3A_204 = arith.constant 0 : i32
        %dma_start3A_205 = arith.constant 0 : i32
        %dma_start3A_206 = tpu.memref_slice %arg14[%dma_start3A_204, %dma_start3A_205] : memref<10240x64xf32, #tpu.memory_space<vmem_shared>> -> memref<10240x64xf32, #tpu.memory_space<vmem_shared>>
        tpu.enqueue_indirect_dma source(%arg12 : memref<128x64xf32, #tpu.memory_space<vmem>>) target(%dma_start3A_206 : memref<10240x64xf32, #tpu.memory_space<vmem_shared>>) offsets(%dma_start3A_203 : memref<128xi32, #tpu.memory_space<vmem>>) semaphore(%run_scoped3A_200 : memref<!tpu.dma_semaphore, #tpu.memory_space<semaphore_mem>>) {add = true}
        %dma_wait3A_207 = arith.constant 0 : i32
        %dma_wait3A_208 = tpu.memref_slice %arg8[%scan3A_172, %dma_wait3A_207] : memref<79x128xi32, #tpu.memory_space<vmem>> -> memref<1x128xi32, #tpu.memory_space<vmem>>
        %dma_wait3A_209 = tpu.memref_squeeze %dma_wait3A_208 : memref<1x128xi32, #tpu.memory_space<vmem>> -> memref<128xi32, #tpu.memory_space<vmem>>
        %dma_wait3A_210 = arith.constant 0 : i32
        %dma_wait3A_211 = arith.constant 0 : i32
        %dma_wait3A_212 = tpu.memref_slice %arg14[%dma_wait3A_210, %dma_wait3A_211] : memref<10240x64xf32, #tpu.memory_space<vmem_shared>> -> memref<10240x64xf32, #tpu.memory_space<vmem_shared>>
        tpu.wait_indirect_dma semaphore(%run_scoped3A_200 : memref<!tpu.dma_semaphore, #tpu.memory_space<semaphore_mem>>) src(%arg12 : memref<128x64xf32, #tpu.memory_space<vmem>>) dst(%dma_wait3A_212 : memref<10240x64xf32, #tpu.memory_space<vmem_shared>>)
        tpu.yield
      }) : () -> ()
      %scan3A_199 = arith.constant 0 : i32
      scf.yield %scan3A_199 : i32
    }
    %scan3A_99 = arith.constant 79 : i32
    %barrier3A_100 = arith.constant 0 : index
    tpu.barrier barrier_id(%barrier3A_100)
    %run_scoped3A_101 = arith.constant 2 : i32
    "tpu.region"() ({
      %run_scoped3A_172 = tpu.sem_alloc : memref<!tpu.dma_semaphore, #tpu.memory_space<semaphore_mem>>
      %dma_start3A = arith.constant 0 : i32
      %dma_start3A_173 = tpu.memref_slice %arg6[%run_scoped3A_101, %add3A_38, %mul3A_13, %dma_start3A] : memref<3x4x10240x64xf32, #tpu.memory_space<hbm>> -> memref<1x1x640x64xf32, #tpu.memory_space<hbm>>
      %dma_start3A_174 = tpu.memref_squeeze %dma_start3A_173 : memref<1x1x640x64xf32, #tpu.memory_space<hbm>> -> memref<640x64xf32, #tpu.memory_space<hbm>>
      %dma_start3A_175 = arith.constant 0 : i32
      %dma_start3A_176 = tpu.memref_slice %arg14[%mul3A_13, %dma_start3A_175] : memref<10240x64xf32, #tpu.memory_space<vmem_shared>> -> memref<640x64xf32, #tpu.memory_space<vmem_shared>>
      tpu.enqueue_dma source(%dma_start3A_176 : memref<640x64xf32, #tpu.memory_space<vmem_shared>>) target(%dma_start3A_174 : memref<640x64xf32, #tpu.memory_space<hbm>>) target_semaphore(%run_scoped3A_172 : memref<!tpu.dma_semaphore, #tpu.memory_space<semaphore_mem>>)
      %dma_wait3A = arith.constant 0 : i32
      %dma_wait3A_177 = tpu.memref_slice %arg6[%run_scoped3A_101, %add3A_38, %mul3A_13, %dma_wait3A] : memref<3x4x10240x64xf32, #tpu.memory_space<hbm>> -> memref<1x1x640x64xf32, #tpu.memory_space<hbm>>
      %dma_wait3A_178 = tpu.memref_squeeze %dma_wait3A_177 : memref<1x1x640x64xf32, #tpu.memory_space<hbm>> -> memref<640x64xf32, #tpu.memory_space<hbm>>
      %dma_wait3A_179 = arith.constant 0 : i32
      %dma_wait3A_180 = tpu.memref_slice %arg14[%mul3A_13, %dma_wait3A_179] : memref<10240x64xf32, #tpu.memory_space<vmem_shared>> -> memref<640x64xf32, #tpu.memory_space<vmem_shared>>
      tpu.wait_dma2 semaphore(%run_scoped3A_172 : memref<!tpu.dma_semaphore, #tpu.memory_space<semaphore_mem>>) src(%dma_wait3A_180 : memref<640x64xf32, #tpu.memory_space<vmem_shared>>) dst(%dma_wait3A_178 : memref<640x64xf32, #tpu.memory_space<hbm>>)
      tpu.yield
    }) : () -> ()
    %barrier3A_102 = arith.constant 0 : index
    tpu.barrier barrier_id(%barrier3A_102)
    %mul3A_103 = arith.constant 2 : i32
    %mul3A_104 = arith.muli %mul3A_103, %arg0 : i32
    %add3A_105 = arith.constant 1 : i32
    %add3A_106 = arith.addi %mul3A_104, %add3A_105 : i32
    %add3A_107 = arith.constant 0 : i32
    %add3A_108 = arith.addi %mul3A_13, %add3A_107 : i32
    "tpu.region"() ({
      %run_scoped3A_172 = tpu.sem_alloc : memref<!tpu.dma_semaphore, #tpu.memory_space<semaphore_mem>>
      %dma_start3A = arith.constant 0 : i32
      %dma_start3A_173 = tpu.memref_slice %arg14[%add3A_108, %dma_start3A] : memref<10240x64xf32, #tpu.memory_space<vmem_shared>> -> memref<128x64xf32, #tpu.memory_space<vmem_shared>>
      %dma_start3A_174 = arith.constant 0 : i32
      %dma_start3A_175 = tpu.memref_slice %arg14[%add3A_108, %dma_start3A_174] : memref<10240x64xf32, #tpu.memory_space<vmem_shared>> -> memref<128x64xf32, #tpu.memory_space<vmem_shared>>
      tpu.enqueue_dma source(%arg13 : memref<128x64xf32, #tpu.memory_space<vmem>>) target(%dma_start3A_175 : memref<128x64xf32, #tpu.memory_space<vmem_shared>>) target_semaphore(%run_scoped3A_172 : memref<!tpu.dma_semaphore, #tpu.memory_space<semaphore_mem>>)
      %dma_wait3A = arith.constant 0 : i32
      %dma_wait3A_176 = tpu.memref_slice %arg14[%add3A_108, %dma_wait3A] : memref<10240x64xf32, #tpu.memory_space<vmem_shared>> -> memref<128x64xf32, #tpu.memory_space<vmem_shared>>
      %dma_wait3A_177 = arith.constant 0 : i32
      %dma_wait3A_178 = tpu.memref_slice %arg14[%add3A_108, %dma_wait3A_177] : memref<10240x64xf32, #tpu.memory_space<vmem_shared>> -> memref<128x64xf32, #tpu.memory_space<vmem_shared>>
      tpu.wait_dma2 semaphore(%run_scoped3A_172 : memref<!tpu.dma_semaphore, #tpu.memory_space<semaphore_mem>>) src(%arg13 : memref<128x64xf32, #tpu.memory_space<vmem>>) dst(%dma_wait3A_178 : memref<128x64xf32, #tpu.memory_space<vmem_shared>>)
      tpu.yield
    }) : () -> ()
    %add3A_109 = arith.constant 128 : i32
    %add3A_110 = arith.addi %mul3A_13, %add3A_109 : i32
    "tpu.region"() ({
      %run_scoped3A_172 = tpu.sem_alloc : memref<!tpu.dma_semaphore, #tpu.memory_space<semaphore_mem>>
      %dma_start3A = arith.constant 0 : i32
      %dma_start3A_173 = tpu.memref_slice %arg14[%add3A_110, %dma_start3A] : memref<10240x64xf32, #tpu.memory_space<vmem_shared>> -> memref<128x64xf32, #tpu.memory_space<vmem_shared>>
      %dma_start3A_174 = arith.constant 0 : i32
      %dma_start3A_175 = tpu.memref_slice %arg14[%add3A_110, %dma_start3A_174] : memref<10240x64xf32, #tpu.memory_space<vmem_shared>> -> memref<128x64xf32, #tpu.memory_space<vmem_shared>>
      tpu.enqueue_dma source(%arg13 : memref<128x64xf32, #tpu.memory_space<vmem>>) target(%dma_start3A_175 : memref<128x64xf32, #tpu.memory_space<vmem_shared>>) target_semaphore(%run_scoped3A_172 : memref<!tpu.dma_semaphore, #tpu.memory_space<semaphore_mem>>)
      %dma_wait3A = arith.constant 0 : i32
      %dma_wait3A_176 = tpu.memref_slice %arg14[%add3A_110, %dma_wait3A] : memref<10240x64xf32, #tpu.memory_space<vmem_shared>> -> memref<128x64xf32, #tpu.memory_space<vmem_shared>>
      %dma_wait3A_177 = arith.constant 0 : i32
      %dma_wait3A_178 = tpu.memref_slice %arg14[%add3A_110, %dma_wait3A_177] : memref<10240x64xf32, #tpu.memory_space<vmem_shared>> -> memref<128x64xf32, #tpu.memory_space<vmem_shared>>
      tpu.wait_dma2 semaphore(%run_scoped3A_172 : memref<!tpu.dma_semaphore, #tpu.memory_space<semaphore_mem>>) src(%arg13 : memref<128x64xf32, #tpu.memory_space<vmem>>) dst(%dma_wait3A_178 : memref<128x64xf32, #tpu.memory_space<vmem_shared>>)
      tpu.yield
    }) : () -> ()
    %add3A_111 = arith.constant 256 : i32
    %add3A_112 = arith.addi %mul3A_13, %add3A_111 : i32
    "tpu.region"() ({
      %run_scoped3A_172 = tpu.sem_alloc : memref<!tpu.dma_semaphore, #tpu.memory_space<semaphore_mem>>
      %dma_start3A = arith.constant 0 : i32
      %dma_start3A_173 = tpu.memref_slice %arg14[%add3A_112, %dma_start3A] : memref<10240x64xf32, #tpu.memory_space<vmem_shared>> -> memref<128x64xf32, #tpu.memory_space<vmem_shared>>
      %dma_start3A_174 = arith.constant 0 : i32
      %dma_start3A_175 = tpu.memref_slice %arg14[%add3A_112, %dma_start3A_174] : memref<10240x64xf32, #tpu.memory_space<vmem_shared>> -> memref<128x64xf32, #tpu.memory_space<vmem_shared>>
      tpu.enqueue_dma source(%arg13 : memref<128x64xf32, #tpu.memory_space<vmem>>) target(%dma_start3A_175 : memref<128x64xf32, #tpu.memory_space<vmem_shared>>) target_semaphore(%run_scoped3A_172 : memref<!tpu.dma_semaphore, #tpu.memory_space<semaphore_mem>>)
      %dma_wait3A = arith.constant 0 : i32
      %dma_wait3A_176 = tpu.memref_slice %arg14[%add3A_112, %dma_wait3A] : memref<10240x64xf32, #tpu.memory_space<vmem_shared>> -> memref<128x64xf32, #tpu.memory_space<vmem_shared>>
      %dma_wait3A_177 = arith.constant 0 : i32
      %dma_wait3A_178 = tpu.memref_slice %arg14[%add3A_112, %dma_wait3A_177] : memref<10240x64xf32, #tpu.memory_space<vmem_shared>> -> memref<128x64xf32, #tpu.memory_space<vmem_shared>>
      tpu.wait_dma2 semaphore(%run_scoped3A_172 : memref<!tpu.dma_semaphore, #tpu.memory_space<semaphore_mem>>) src(%arg13 : memref<128x64xf32, #tpu.memory_space<vmem>>) dst(%dma_wait3A_178 : memref<128x64xf32, #tpu.memory_space<vmem_shared>>)
      tpu.yield
    }) : () -> ()
    %add3A_113 = arith.constant 384 : i32
    %add3A_114 = arith.addi %mul3A_13, %add3A_113 : i32
    "tpu.region"() ({
      %run_scoped3A_172 = tpu.sem_alloc : memref<!tpu.dma_semaphore, #tpu.memory_space<semaphore_mem>>
      %dma_start3A = arith.constant 0 : i32
      %dma_start3A_173 = tpu.memref_slice %arg14[%add3A_114, %dma_start3A] : memref<10240x64xf32, #tpu.memory_space<vmem_shared>> -> memref<128x64xf32, #tpu.memory_space<vmem_shared>>
      %dma_start3A_174 = arith.constant 0 : i32
      %dma_start3A_175 = tpu.memref_slice %arg14[%add3A_114, %dma_start3A_174] : memref<10240x64xf32, #tpu.memory_space<vmem_shared>> -> memref<128x64xf32, #tpu.memory_space<vmem_shared>>
      tpu.enqueue_dma source(%arg13 : memref<128x64xf32, #tpu.memory_space<vmem>>) target(%dma_start3A_175 : memref<128x64xf32, #tpu.memory_space<vmem_shared>>) target_semaphore(%run_scoped3A_172 : memref<!tpu.dma_semaphore, #tpu.memory_space<semaphore_mem>>)
      %dma_wait3A = arith.constant 0 : i32
      %dma_wait3A_176 = tpu.memref_slice %arg14[%add3A_114, %dma_wait3A] : memref<10240x64xf32, #tpu.memory_space<vmem_shared>> -> memref<128x64xf32, #tpu.memory_space<vmem_shared>>
      %dma_wait3A_177 = arith.constant 0 : i32
      %dma_wait3A_178 = tpu.memref_slice %arg14[%add3A_114, %dma_wait3A_177] : memref<10240x64xf32, #tpu.memory_space<vmem_shared>> -> memref<128x64xf32, #tpu.memory_space<vmem_shared>>
      tpu.wait_dma2 semaphore(%run_scoped3A_172 : memref<!tpu.dma_semaphore, #tpu.memory_space<semaphore_mem>>) src(%arg13 : memref<128x64xf32, #tpu.memory_space<vmem>>) dst(%dma_wait3A_178 : memref<128x64xf32, #tpu.memory_space<vmem_shared>>)
      tpu.yield
    }) : () -> ()
    %add3A_115 = arith.constant 512 : i32
    %add3A_116 = arith.addi %mul3A_13, %add3A_115 : i32
    "tpu.region"() ({
      %run_scoped3A_172 = tpu.sem_alloc : memref<!tpu.dma_semaphore, #tpu.memory_space<semaphore_mem>>
      %dma_start3A = arith.constant 0 : i32
      %dma_start3A_173 = tpu.memref_slice %arg14[%add3A_116, %dma_start3A] : memref<10240x64xf32, #tpu.memory_space<vmem_shared>> -> memref<128x64xf32, #tpu.memory_space<vmem_shared>>
      %dma_start3A_174 = arith.constant 0 : i32
      %dma_start3A_175 = tpu.memref_slice %arg14[%add3A_116, %dma_start3A_174] : memref<10240x64xf32, #tpu.memory_space<vmem_shared>> -> memref<128x64xf32, #tpu.memory_space<vmem_shared>>
      tpu.enqueue_dma source(%arg13 : memref<128x64xf32, #tpu.memory_space<vmem>>) target(%dma_start3A_175 : memref<128x64xf32, #tpu.memory_space<vmem_shared>>) target_semaphore(%run_scoped3A_172 : memref<!tpu.dma_semaphore, #tpu.memory_space<semaphore_mem>>)
      %dma_wait3A = arith.constant 0 : i32
      %dma_wait3A_176 = tpu.memref_slice %arg14[%add3A_116, %dma_wait3A] : memref<10240x64xf32, #tpu.memory_space<vmem_shared>> -> memref<128x64xf32, #tpu.memory_space<vmem_shared>>
      %dma_wait3A_177 = arith.constant 0 : i32
      %dma_wait3A_178 = tpu.memref_slice %arg14[%add3A_116, %dma_wait3A_177] : memref<10240x64xf32, #tpu.memory_space<vmem_shared>> -> memref<128x64xf32, #tpu.memory_space<vmem_shared>>
      tpu.wait_dma2 semaphore(%run_scoped3A_172 : memref<!tpu.dma_semaphore, #tpu.memory_space<semaphore_mem>>) src(%arg13 : memref<128x64xf32, #tpu.memory_space<vmem>>) dst(%dma_wait3A_178 : memref<128x64xf32, #tpu.memory_space<vmem_shared>>)
      tpu.yield
    }) : () -> ()
    %barrier3A_117 = arith.constant 0 : index
    tpu.barrier barrier_id(%barrier3A_117)
    %scan3A_118 = arith.constant 0 : i32
    %scan3A_119 = arith.constant 0 : i32
    %scan3A_120 = arith.constant 79 : i32
    %scan3A_121 = arith.addi %scan3A_119, %scan3A_120 : i32
    %scan3A_122 = arith.constant 1 : i32
    %scan3A_123 = scf.for %scan3A_172 = %scan3A_119 to %scan3A_121 step %scan3A_122 iter_args(%scan3A_173 = %scan3A_118) -> (i32)  : i32 {
      %dma_start3A = arith.constant 0 : i32
      %dma_start3A_174 = tpu.memref_slice %arg7[%scan3A_172, %dma_start3A] : memref<79x128xi32, #tpu.memory_space<vmem>> -> memref<1x128xi32, #tpu.memory_space<vmem>>
      %dma_start3A_175 = tpu.memref_squeeze %dma_start3A_174 : memref<1x128xi32, #tpu.memory_space<vmem>> -> memref<128xi32, #tpu.memory_space<vmem>>
      %dma_start3A_176 = arith.constant 0 : i32
      %dma_start3A_177 = arith.constant 0 : i32
      %dma_start3A_178 = tpu.memref_slice %arg2[%add3A_106, %dma_start3A_176, %dma_start3A_177] : memref<4x10000x64xf32, #tpu.memory_space<hbm>> -> memref<1x10000x64xf32, #tpu.memory_space<hbm>>
      %dma_start3A_179 = tpu.memref_squeeze %dma_start3A_178 : memref<1x10000x64xf32, #tpu.memory_space<hbm>> -> memref<10000x64xf32, #tpu.memory_space<hbm>>
      %dma_start3A_180 = arith.constant 0 : i32
      %dma_start3A_181 = arith.constant 0 : i32
      %dma_start3A_182 = tpu.memref_slice %dma_start3A_179[%dma_start3A_180, %dma_start3A_181] : memref<10000x64xf32, #tpu.memory_space<hbm>> -> memref<10000x64xf32, #tpu.memory_space<hbm>>
      tpu.enqueue_indirect_dma source(%dma_start3A_182 : memref<10000x64xf32, #tpu.memory_space<hbm>>) target(%arg12 : memref<128x64xf32, #tpu.memory_space<vmem>>) offsets(%dma_start3A_175 : memref<128xi32, #tpu.memory_space<vmem>>) semaphore(%arg16 : memref<!tpu.dma_semaphore, #tpu.memory_space<semaphore_mem>>)
      %dma_wait3A = arith.constant 0 : i32
      %dma_wait3A_183 = tpu.memref_slice %arg7[%scan3A_172, %dma_wait3A] : memref<79x128xi32, #tpu.memory_space<vmem>> -> memref<1x128xi32, #tpu.memory_space<vmem>>
      %dma_wait3A_184 = tpu.memref_squeeze %dma_wait3A_183 : memref<1x128xi32, #tpu.memory_space<vmem>> -> memref<128xi32, #tpu.memory_space<vmem>>
      %dma_wait3A_185 = arith.constant 0 : i32
      %dma_wait3A_186 = arith.constant 0 : i32
      %dma_wait3A_187 = tpu.memref_slice %arg2[%add3A_106, %dma_wait3A_185, %dma_wait3A_186] : memref<4x10000x64xf32, #tpu.memory_space<hbm>> -> memref<1x10000x64xf32, #tpu.memory_space<hbm>>
      %dma_wait3A_188 = tpu.memref_squeeze %dma_wait3A_187 : memref<1x10000x64xf32, #tpu.memory_space<hbm>> -> memref<10000x64xf32, #tpu.memory_space<hbm>>
      %dma_wait3A_189 = arith.constant 0 : i32
      %dma_wait3A_190 = arith.constant 0 : i32
      %dma_wait3A_191 = tpu.memref_slice %dma_wait3A_188[%dma_wait3A_189, %dma_wait3A_190] : memref<10000x64xf32, #tpu.memory_space<hbm>> -> memref<10000x64xf32, #tpu.memory_space<hbm>>
      tpu.wait_indirect_dma semaphore(%arg16 : memref<!tpu.dma_semaphore, #tpu.memory_space<semaphore_mem>>) src(%dma_wait3A_191 : memref<10000x64xf32, #tpu.memory_space<hbm>>) dst(%arg12 : memref<128x64xf32, #tpu.memory_space<vmem>>)
      %scan3A_192 = arith.constant 0 : i32
      %scan3A_193 = arith.constant 0 : i32
      %scan3A_194 = arith.constant 128 : i32
      %scan3A_195 = arith.addi %scan3A_193, %scan3A_194 : i32
      %scan3A_196 = arith.constant 1 : i32
      %scan3A_197 = scf.for %scan3A_200 = %scan3A_193 to %scan3A_195 step %scan3A_196 iter_args(%scan3A_201 = %scan3A_192) -> (i32)  : i32 {
        %broadcast_in_dim3A = vector.broadcast %scan3A_172 : i32 to vector<16xi32>
        %broadcast_in_dim3A_202 = vector.broadcast %scan3A_200 : i32 to vector<16xi32>
        %gather3A = tpu.vector_load_idx %arg10[%broadcast_in_dim3A, %broadcast_in_dim3A_202] : memref<79x128xf32, #tpu.memory_space<vmem>>[vector<16xi32>, vector<16xi32>], vector<16xf32>,
        %get3A = arith.index_cast %scan3A_200 : i32 to index
        %get3A_203 = arith.constant 0 : index
        %get3A_204 = tpu.vector_load %arg12[%get3A, %get3A_203] {strides = array<i32>} : memref<128x64xf32, #tpu.memory_space<vmem>>, vector<16xf32>,
        %mul3A_205 = arith.mulf %get3A_204, %gather3A : vector<16xf32>
        %swap3A = arith.index_cast %scan3A_200 : i32 to index
        %swap3A_206 = arith.constant 0 : index
        %swap3A_207 = tpu.vector_load %arg12[%swap3A, %swap3A_206] {strides = array<i32>} : memref<128x64xf32, #tpu.memory_space<vmem>>, vector<16xf32>,
        tpu.vector_store %arg12[%swap3A, %swap3A_206], %mul3A_205 {strides = array<i32>} : memref<128x64xf32, #tpu.memory_space<vmem>>, vector<16xf32>,
        %get3A_208 = arith.index_cast %scan3A_200 : i32 to index
        %get3A_209 = arith.constant 16 : index
        %get3A_210 = tpu.vector_load %arg12[%get3A_208, %get3A_209] {strides = array<i32>} : memref<128x64xf32, #tpu.memory_space<vmem>>, vector<16xf32>,
        %mul3A_211 = arith.mulf %get3A_210, %gather3A : vector<16xf32>
        %swap3A_212 = arith.index_cast %scan3A_200 : i32 to index
        %swap3A_213 = arith.constant 16 : index
        %swap3A_214 = tpu.vector_load %arg12[%swap3A_212, %swap3A_213] {strides = array<i32>} : memref<128x64xf32, #tpu.memory_space<vmem>>, vector<16xf32>,
        tpu.vector_store %arg12[%swap3A_212, %swap3A_213], %mul3A_211 {strides = array<i32>} : memref<128x64xf32, #tpu.memory_space<vmem>>, vector<16xf32>,
        %get3A_215 = arith.index_cast %scan3A_200 : i32 to index
        %get3A_216 = arith.constant 32 : index
        %get3A_217 = tpu.vector_load %arg12[%get3A_215, %get3A_216] {strides = array<i32>} : memref<128x64xf32, #tpu.memory_space<vmem>>, vector<16xf32>,
        %mul3A_218 = arith.mulf %get3A_217, %gather3A : vector<16xf32>
        %swap3A_219 = arith.index_cast %scan3A_200 : i32 to index
        %swap3A_220 = arith.constant 32 : index
        %swap3A_221 = tpu.vector_load %arg12[%swap3A_219, %swap3A_220] {strides = array<i32>} : memref<128x64xf32, #tpu.memory_space<vmem>>, vector<16xf32>,
        tpu.vector_store %arg12[%swap3A_219, %swap3A_220], %mul3A_218 {strides = array<i32>} : memref<128x64xf32, #tpu.memory_space<vmem>>, vector<16xf32>,
        %get3A_222 = arith.index_cast %scan3A_200 : i32 to index
        %get3A_223 = arith.constant 48 : index
        %get3A_224 = tpu.vector_load %arg12[%get3A_222, %get3A_223] {strides = array<i32>} : memref<128x64xf32, #tpu.memory_space<vmem>>, vector<16xf32>,
        %mul3A_225 = arith.mulf %get3A_224, %gather3A : vector<16xf32>
        %swap3A_226 = arith.index_cast %scan3A_200 : i32 to index
        %swap3A_227 = arith.constant 48 : index
        %swap3A_228 = tpu.vector_load %arg12[%swap3A_226, %swap3A_227] {strides = array<i32>} : memref<128x64xf32, #tpu.memory_space<vmem>>, vector<16xf32>,
        tpu.vector_store %arg12[%swap3A_226, %swap3A_227], %mul3A_225 {strides = array<i32>} : memref<128x64xf32, #tpu.memory_space<vmem>>, vector<16xf32>,
        %scan3A_229 = arith.constant 0 : i32
        scf.yield %scan3A_229 : i32
      }
      %scan3A_198 = arith.constant 128 : i32
      "tpu.region"() ({
        %run_scoped3A_200 = tpu.sem_alloc : memref<!tpu.dma_semaphore, #tpu.memory_space<semaphore_mem>>
        %dma_start3A_201 = arith.constant 0 : i32
        %dma_start3A_202 = tpu.memref_slice %arg8[%scan3A_172, %dma_start3A_201] : memref<79x128xi32, #tpu.memory_space<vmem>> -> memref<1x128xi32, #tpu.memory_space<vmem>>
        %dma_start3A_203 = tpu.memref_squeeze %dma_start3A_202 : memref<1x128xi32, #tpu.memory_space<vmem>> -> memref<128xi32, #tpu.memory_space<vmem>>
        %dma_start3A_204 = arith.constant 0 : i32
        %dma_start3A_205 = arith.constant 0 : i32
        %dma_start3A_206 = tpu.memref_slice %arg14[%dma_start3A_204, %dma_start3A_205] : memref<10240x64xf32, #tpu.memory_space<vmem_shared>> -> memref<10240x64xf32, #tpu.memory_space<vmem_shared>>
        tpu.enqueue_indirect_dma source(%arg12 : memref<128x64xf32, #tpu.memory_space<vmem>>) target(%dma_start3A_206 : memref<10240x64xf32, #tpu.memory_space<vmem_shared>>) offsets(%dma_start3A_203 : memref<128xi32, #tpu.memory_space<vmem>>) semaphore(%run_scoped3A_200 : memref<!tpu.dma_semaphore, #tpu.memory_space<semaphore_mem>>) {add = true}
        %dma_wait3A_207 = arith.constant 0 : i32
        %dma_wait3A_208 = tpu.memref_slice %arg8[%scan3A_172, %dma_wait3A_207] : memref<79x128xi32, #tpu.memory_space<vmem>> -> memref<1x128xi32, #tpu.memory_space<vmem>>
        %dma_wait3A_209 = tpu.memref_squeeze %dma_wait3A_208 : memref<1x128xi32, #tpu.memory_space<vmem>> -> memref<128xi32, #tpu.memory_space<vmem>>
        %dma_wait3A_210 = arith.constant 0 : i32
        %dma_wait3A_211 = arith.constant 0 : i32
        %dma_wait3A_212 = tpu.memref_slice %arg14[%dma_wait3A_210, %dma_wait3A_211] : memref<10240x64xf32, #tpu.memory_space<vmem_shared>> -> memref<10240x64xf32, #tpu.memory_space<vmem_shared>>
        tpu.wait_indirect_dma semaphore(%run_scoped3A_200 : memref<!tpu.dma_semaphore, #tpu.memory_space<semaphore_mem>>) src(%arg12 : memref<128x64xf32, #tpu.memory_space<vmem>>) dst(%dma_wait3A_212 : memref<10240x64xf32, #tpu.memory_space<vmem_shared>>)
        tpu.yield
      }) : () -> ()
      %scan3A_199 = arith.constant 0 : i32
      scf.yield %scan3A_199 : i32
    }
    %scan3A_124 = arith.constant 79 : i32
    %barrier3A_125 = arith.constant 0 : index
    tpu.barrier barrier_id(%barrier3A_125)
    %run_scoped3A_126 = arith.constant 0 : i32
    "tpu.region"() ({
      %run_scoped3A_172 = tpu.sem_alloc : memref<!tpu.dma_semaphore, #tpu.memory_space<semaphore_mem>>
      %dma_start3A = arith.constant 0 : i32
      %dma_start3A_173 = tpu.memref_slice %arg6[%run_scoped3A_126, %add3A_106, %mul3A_13, %dma_start3A] : memref<3x4x10240x64xf32, #tpu.memory_space<hbm>> -> memref<1x1x640x64xf32, #tpu.memory_space<hbm>>
      %dma_start3A_174 = tpu.memref_squeeze %dma_start3A_173 : memref<1x1x640x64xf32, #tpu.memory_space<hbm>> -> memref<640x64xf32, #tpu.memory_space<hbm>>
      %dma_start3A_175 = arith.constant 0 : i32
      %dma_start3A_176 = tpu.memref_slice %arg14[%mul3A_13, %dma_start3A_175] : memref<10240x64xf32, #tpu.memory_space<vmem_shared>> -> memref<640x64xf32, #tpu.memory_space<vmem_shared>>
      tpu.enqueue_dma source(%dma_start3A_176 : memref<640x64xf32, #tpu.memory_space<vmem_shared>>) target(%dma_start3A_174 : memref<640x64xf32, #tpu.memory_space<hbm>>) target_semaphore(%run_scoped3A_172 : memref<!tpu.dma_semaphore, #tpu.memory_space<semaphore_mem>>)
      %dma_wait3A = arith.constant 0 : i32
      %dma_wait3A_177 = tpu.memref_slice %arg6[%run_scoped3A_126, %add3A_106, %mul3A_13, %dma_wait3A] : memref<3x4x10240x64xf32, #tpu.memory_space<hbm>> -> memref<1x1x640x64xf32, #tpu.memory_space<hbm>>
      %dma_wait3A_178 = tpu.memref_squeeze %dma_wait3A_177 : memref<1x1x640x64xf32, #tpu.memory_space<hbm>> -> memref<640x64xf32, #tpu.memory_space<hbm>>
      %dma_wait3A_179 = arith.constant 0 : i32
      %dma_wait3A_180 = tpu.memref_slice %arg14[%mul3A_13, %dma_wait3A_179] : memref<10240x64xf32, #tpu.memory_space<vmem_shared>> -> memref<640x64xf32, #tpu.memory_space<vmem_shared>>
      tpu.wait_dma2 semaphore(%run_scoped3A_172 : memref<!tpu.dma_semaphore, #tpu.memory_space<semaphore_mem>>) src(%dma_wait3A_180 : memref<640x64xf32, #tpu.memory_space<vmem_shared>>) dst(%dma_wait3A_178 : memref<640x64xf32, #tpu.memory_space<hbm>>)
      tpu.yield
    }) : () -> ()
    %barrier3A_127 = arith.constant 0 : index
    tpu.barrier barrier_id(%barrier3A_127)
    %add3A_128 = arith.constant 0 : i32
    %add3A_129 = arith.addi %mul3A_13, %add3A_128 : i32
    "tpu.region"() ({
      %run_scoped3A_172 = tpu.sem_alloc : memref<!tpu.dma_semaphore, #tpu.memory_space<semaphore_mem>>
      %dma_start3A = arith.constant 0 : i32
      %dma_start3A_173 = tpu.memref_slice %arg14[%add3A_129, %dma_start3A] : memref<10240x64xf32, #tpu.memory_space<vmem_shared>> -> memref<128x64xf32, #tpu.memory_space<vmem_shared>>
      %dma_start3A_174 = arith.constant 0 : i32
      %dma_start3A_175 = tpu.memref_slice %arg14[%add3A_129, %dma_start3A_174] : memref<10240x64xf32, #tpu.memory_space<vmem_shared>> -> memref<128x64xf32, #tpu.memory_space<vmem_shared>>
      tpu.enqueue_dma source(%arg13 : memref<128x64xf32, #tpu.memory_space<vmem>>) target(%dma_start3A_175 : memref<128x64xf32, #tpu.memory_space<vmem_shared>>) target_semaphore(%run_scoped3A_172 : memref<!tpu.dma_semaphore, #tpu.memory_space<semaphore_mem>>)
      %dma_wait3A = arith.constant 0 : i32
      %dma_wait3A_176 = tpu.memref_slice %arg14[%add3A_129, %dma_wait3A] : memref<10240x64xf32, #tpu.memory_space<vmem_shared>> -> memref<128x64xf32, #tpu.memory_space<vmem_shared>>
      %dma_wait3A_177 = arith.constant 0 : i32
      %dma_wait3A_178 = tpu.memref_slice %arg14[%add3A_129, %dma_wait3A_177] : memref<10240x64xf32, #tpu.memory_space<vmem_shared>> -> memref<128x64xf32, #tpu.memory_space<vmem_shared>>
      tpu.wait_dma2 semaphore(%run_scoped3A_172 : memref<!tpu.dma_semaphore, #tpu.memory_space<semaphore_mem>>) src(%arg13 : memref<128x64xf32, #tpu.memory_space<vmem>>) dst(%dma_wait3A_178 : memref<128x64xf32, #tpu.memory_space<vmem_shared>>)
      tpu.yield
    }) : () -> ()
    %add3A_130 = arith.constant 128 : i32
    %add3A_131 = arith.addi %mul3A_13, %add3A_130 : i32
    "tpu.region"() ({
      %run_scoped3A_172 = tpu.sem_alloc : memref<!tpu.dma_semaphore, #tpu.memory_space<semaphore_mem>>
      %dma_start3A = arith.constant 0 : i32
      %dma_start3A_173 = tpu.memref_slice %arg14[%add3A_131, %dma_start3A] : memref<10240x64xf32, #tpu.memory_space<vmem_shared>> -> memref<128x64xf32, #tpu.memory_space<vmem_shared>>
      %dma_start3A_174 = arith.constant 0 : i32
      %dma_start3A_175 = tpu.memref_slice %arg14[%add3A_131, %dma_start3A_174] : memref<10240x64xf32, #tpu.memory_space<vmem_shared>> -> memref<128x64xf32, #tpu.memory_space<vmem_shared>>
      tpu.enqueue_dma source(%arg13 : memref<128x64xf32, #tpu.memory_space<vmem>>) target(%dma_start3A_175 : memref<128x64xf32, #tpu.memory_space<vmem_shared>>) target_semaphore(%run_scoped3A_172 : memref<!tpu.dma_semaphore, #tpu.memory_space<semaphore_mem>>)
      %dma_wait3A = arith.constant 0 : i32
      %dma_wait3A_176 = tpu.memref_slice %arg14[%add3A_131, %dma_wait3A] : memref<10240x64xf32, #tpu.memory_space<vmem_shared>> -> memref<128x64xf32, #tpu.memory_space<vmem_shared>>
      %dma_wait3A_177 = arith.constant 0 : i32
      %dma_wait3A_178 = tpu.memref_slice %arg14[%add3A_131, %dma_wait3A_177] : memref<10240x64xf32, #tpu.memory_space<vmem_shared>> -> memref<128x64xf32, #tpu.memory_space<vmem_shared>>
      tpu.wait_dma2 semaphore(%run_scoped3A_172 : memref<!tpu.dma_semaphore, #tpu.memory_space<semaphore_mem>>) src(%arg13 : memref<128x64xf32, #tpu.memory_space<vmem>>) dst(%dma_wait3A_178 : memref<128x64xf32, #tpu.memory_space<vmem_shared>>)
      tpu.yield
    }) : () -> ()
    %add3A_132 = arith.constant 256 : i32
    %add3A_133 = arith.addi %mul3A_13, %add3A_132 : i32
    "tpu.region"() ({
      %run_scoped3A_172 = tpu.sem_alloc : memref<!tpu.dma_semaphore, #tpu.memory_space<semaphore_mem>>
      %dma_start3A = arith.constant 0 : i32
      %dma_start3A_173 = tpu.memref_slice %arg14[%add3A_133, %dma_start3A] : memref<10240x64xf32, #tpu.memory_space<vmem_shared>> -> memref<128x64xf32, #tpu.memory_space<vmem_shared>>
      %dma_start3A_174 = arith.constant 0 : i32
      %dma_start3A_175 = tpu.memref_slice %arg14[%add3A_133, %dma_start3A_174] : memref<10240x64xf32, #tpu.memory_space<vmem_shared>> -> memref<128x64xf32, #tpu.memory_space<vmem_shared>>
      tpu.enqueue_dma source(%arg13 : memref<128x64xf32, #tpu.memory_space<vmem>>) target(%dma_start3A_175 : memref<128x64xf32, #tpu.memory_space<vmem_shared>>) target_semaphore(%run_scoped3A_172 : memref<!tpu.dma_semaphore, #tpu.memory_space<semaphore_mem>>)
      %dma_wait3A = arith.constant 0 : i32
      %dma_wait3A_176 = tpu.memref_slice %arg14[%add3A_133, %dma_wait3A] : memref<10240x64xf32, #tpu.memory_space<vmem_shared>> -> memref<128x64xf32, #tpu.memory_space<vmem_shared>>
      %dma_wait3A_177 = arith.constant 0 : i32
      %dma_wait3A_178 = tpu.memref_slice %arg14[%add3A_133, %dma_wait3A_177] : memref<10240x64xf32, #tpu.memory_space<vmem_shared>> -> memref<128x64xf32, #tpu.memory_space<vmem_shared>>
      tpu.wait_dma2 semaphore(%run_scoped3A_172 : memref<!tpu.dma_semaphore, #tpu.memory_space<semaphore_mem>>) src(%arg13 : memref<128x64xf32, #tpu.memory_space<vmem>>) dst(%dma_wait3A_178 : memref<128x64xf32, #tpu.memory_space<vmem_shared>>)
      tpu.yield
    }) : () -> ()
    %add3A_134 = arith.constant 384 : i32
    %add3A_135 = arith.addi %mul3A_13, %add3A_134 : i32
    "tpu.region"() ({
      %run_scoped3A_172 = tpu.sem_alloc : memref<!tpu.dma_semaphore, #tpu.memory_space<semaphore_mem>>
      %dma_start3A = arith.constant 0 : i32
      %dma_start3A_173 = tpu.memref_slice %arg14[%add3A_135, %dma_start3A] : memref<10240x64xf32, #tpu.memory_space<vmem_shared>> -> memref<128x64xf32, #tpu.memory_space<vmem_shared>>
      %dma_start3A_174 = arith.constant 0 : i32
      %dma_start3A_175 = tpu.memref_slice %arg14[%add3A_135, %dma_start3A_174] : memref<10240x64xf32, #tpu.memory_space<vmem_shared>> -> memref<128x64xf32, #tpu.memory_space<vmem_shared>>
      tpu.enqueue_dma source(%arg13 : memref<128x64xf32, #tpu.memory_space<vmem>>) target(%dma_start3A_175 : memref<128x64xf32, #tpu.memory_space<vmem_shared>>) target_semaphore(%run_scoped3A_172 : memref<!tpu.dma_semaphore, #tpu.memory_space<semaphore_mem>>)
      %dma_wait3A = arith.constant 0 : i32
      %dma_wait3A_176 = tpu.memref_slice %arg14[%add3A_135, %dma_wait3A] : memref<10240x64xf32, #tpu.memory_space<vmem_shared>> -> memref<128x64xf32, #tpu.memory_space<vmem_shared>>
      %dma_wait3A_177 = arith.constant 0 : i32
      %dma_wait3A_178 = tpu.memref_slice %arg14[%add3A_135, %dma_wait3A_177] : memref<10240x64xf32, #tpu.memory_space<vmem_shared>> -> memref<128x64xf32, #tpu.memory_space<vmem_shared>>
      tpu.wait_dma2 semaphore(%run_scoped3A_172 : memref<!tpu.dma_semaphore, #tpu.memory_space<semaphore_mem>>) src(%arg13 : memref<128x64xf32, #tpu.memory_space<vmem>>) dst(%dma_wait3A_178 : memref<128x64xf32, #tpu.memory_space<vmem_shared>>)
      tpu.yield
    }) : () -> ()
    %add3A_136 = arith.constant 512 : i32
    %add3A_137 = arith.addi %mul3A_13, %add3A_136 : i32
    "tpu.region"() ({
      %run_scoped3A_172 = tpu.sem_alloc : memref<!tpu.dma_semaphore, #tpu.memory_space<semaphore_mem>>
      %dma_start3A = arith.constant 0 : i32
      %dma_start3A_173 = tpu.memref_slice %arg14[%add3A_137, %dma_start3A] : memref<10240x64xf32, #tpu.memory_space<vmem_shared>> -> memref<128x64xf32, #tpu.memory_space<vmem_shared>>
      %dma_start3A_174 = arith.constant 0 : i32
      %dma_start3A_175 = tpu.memref_slice %arg14[%add3A_137, %dma_start3A_174] : memref<10240x64xf32, #tpu.memory_space<vmem_shared>> -> memref<128x64xf32, #tpu.memory_space<vmem_shared>>
      tpu.enqueue_dma source(%arg13 : memref<128x64xf32, #tpu.memory_space<vmem>>) target(%dma_start3A_175 : memref<128x64xf32, #tpu.memory_space<vmem_shared>>) target_semaphore(%run_scoped3A_172 : memref<!tpu.dma_semaphore, #tpu.memory_space<semaphore_mem>>)
      %dma_wait3A = arith.constant 0 : i32
      %dma_wait3A_176 = tpu.memref_slice %arg14[%add3A_137, %dma_wait3A] : memref<10240x64xf32, #tpu.memory_space<vmem_shared>> -> memref<128x64xf32, #tpu.memory_space<vmem_shared>>
      %dma_wait3A_177 = arith.constant 0 : i32
      %dma_wait3A_178 = tpu.memref_slice %arg14[%add3A_137, %dma_wait3A_177] : memref<10240x64xf32, #tpu.memory_space<vmem_shared>> -> memref<128x64xf32, #tpu.memory_space<vmem_shared>>
      tpu.wait_dma2 semaphore(%run_scoped3A_172 : memref<!tpu.dma_semaphore, #tpu.memory_space<semaphore_mem>>) src(%arg13 : memref<128x64xf32, #tpu.memory_space<vmem>>) dst(%dma_wait3A_178 : memref<128x64xf32, #tpu.memory_space<vmem_shared>>)
      tpu.yield
    }) : () -> ()
    %barrier3A_138 = arith.constant 0 : index
    tpu.barrier barrier_id(%barrier3A_138)
    %scan3A_139 = arith.constant 0 : i32
    %scan3A_140 = arith.constant 0 : i32
    %scan3A_141 = arith.constant 0 : i32
    %scan3A_142 = arith.constant 79 : i32
    %scan3A_143 = arith.addi %scan3A_141, %scan3A_142 : i32
    %scan3A_144 = arith.constant 1 : i32
    %scan3A_145 = scf.for %scan3A_172 = %scan3A_141 to %scan3A_143 step %scan3A_144 iter_args(%scan3A_173 = %scan3A_140) -> (i32)  : i32 {
      %dma_start3A = arith.constant 0 : i32
      %dma_start3A_174 = tpu.memref_slice %arg7[%scan3A_172, %dma_start3A] : memref<79x128xi32, #tpu.memory_space<vmem>> -> memref<1x128xi32, #tpu.memory_space<vmem>>
      %dma_start3A_175 = tpu.memref_squeeze %dma_start3A_174 : memref<1x128xi32, #tpu.memory_space<vmem>> -> memref<128xi32, #tpu.memory_space<vmem>>
      %dma_start3A_176 = arith.constant 0 : i32
      %dma_start3A_177 = arith.constant 0 : i32
      %dma_start3A_178 = tpu.memref_slice %arg6[%scan3A_139, %add3A_106, %dma_start3A_176, %dma_start3A_177] : memref<3x4x10240x64xf32, #tpu.memory_space<hbm>> -> memref<1x1x10240x64xf32, #tpu.memory_space<hbm>>
      %dma_start3A_179 = tpu.memref_squeeze %dma_start3A_178 : memref<1x1x10240x64xf32, #tpu.memory_space<hbm>> -> memref<10240x64xf32, #tpu.memory_space<hbm>>
      %dma_start3A_180 = arith.constant 0 : i32
      %dma_start3A_181 = arith.constant 0 : i32
      %dma_start3A_182 = tpu.memref_slice %dma_start3A_179[%dma_start3A_180, %dma_start3A_181] : memref<10240x64xf32, #tpu.memory_space<hbm>> -> memref<10240x64xf32, #tpu.memory_space<hbm>>
      tpu.enqueue_indirect_dma source(%dma_start3A_182 : memref<10240x64xf32, #tpu.memory_space<hbm>>) target(%arg12 : memref<128x64xf32, #tpu.memory_space<vmem>>) offsets(%dma_start3A_175 : memref<128xi32, #tpu.memory_space<vmem>>) semaphore(%arg16 : memref<!tpu.dma_semaphore, #tpu.memory_space<semaphore_mem>>)
      %dma_wait3A = arith.constant 0 : i32
      %dma_wait3A_183 = tpu.memref_slice %arg7[%scan3A_172, %dma_wait3A] : memref<79x128xi32, #tpu.memory_space<vmem>> -> memref<1x128xi32, #tpu.memory_space<vmem>>
      %dma_wait3A_184 = tpu.memref_squeeze %dma_wait3A_183 : memref<1x128xi32, #tpu.memory_space<vmem>> -> memref<128xi32, #tpu.memory_space<vmem>>
      %dma_wait3A_185 = arith.constant 0 : i32
      %dma_wait3A_186 = arith.constant 0 : i32
      %dma_wait3A_187 = tpu.memref_slice %arg6[%scan3A_139, %add3A_106, %dma_wait3A_185, %dma_wait3A_186] : memref<3x4x10240x64xf32, #tpu.memory_space<hbm>> -> memref<1x1x10240x64xf32, #tpu.memory_space<hbm>>
      %dma_wait3A_188 = tpu.memref_squeeze %dma_wait3A_187 : memref<1x1x10240x64xf32, #tpu.memory_space<hbm>> -> memref<10240x64xf32, #tpu.memory_space<hbm>>
      %dma_wait3A_189 = arith.constant 0 : i32
      %dma_wait3A_190 = arith.constant 0 : i32
      %dma_wait3A_191 = tpu.memref_slice %dma_wait3A_188[%dma_wait3A_189, %dma_wait3A_190] : memref<10240x64xf32, #tpu.memory_space<hbm>> -> memref<10240x64xf32, #tpu.memory_space<hbm>>
      tpu.wait_indirect_dma semaphore(%arg16 : memref<!tpu.dma_semaphore, #tpu.memory_space<semaphore_mem>>) src(%dma_wait3A_191 : memref<10240x64xf32, #tpu.memory_space<hbm>>) dst(%arg12 : memref<128x64xf32, #tpu.memory_space<vmem>>)
      %scan3A_192 = arith.constant 0 : i32
      %scan3A_193 = arith.constant 0 : i32
      %scan3A_194 = arith.constant 128 : i32
      %scan3A_195 = arith.addi %scan3A_193, %scan3A_194 : i32
      %scan3A_196 = arith.constant 1 : i32
      %scan3A_197 = scf.for %scan3A_200 = %scan3A_193 to %scan3A_195 step %scan3A_196 iter_args(%scan3A_201 = %scan3A_192) -> (i32)  : i32 {
        %broadcast_in_dim3A = vector.broadcast %scan3A_172 : i32 to vector<16xi32>
        %broadcast_in_dim3A_202 = vector.broadcast %scan3A_200 : i32 to vector<16xi32>
        %gather3A = tpu.vector_load_idx %arg10[%broadcast_in_dim3A, %broadcast_in_dim3A_202] : memref<79x128xf32, #tpu.memory_space<vmem>>[vector<16xi32>, vector<16xi32>], vector<16xf32>,
        %get3A = arith.index_cast %scan3A_200 : i32 to index
        %get3A_203 = arith.constant 0 : index
        %get3A_204 = tpu.vector_load %arg12[%get3A, %get3A_203] {strides = array<i32>} : memref<128x64xf32, #tpu.memory_space<vmem>>, vector<16xf32>,
        %mul3A_205 = arith.mulf %get3A_204, %gather3A : vector<16xf32>
        %swap3A = arith.index_cast %scan3A_200 : i32 to index
        %swap3A_206 = arith.constant 0 : index
        %swap3A_207 = tpu.vector_load %arg12[%swap3A, %swap3A_206] {strides = array<i32>} : memref<128x64xf32, #tpu.memory_space<vmem>>, vector<16xf32>,
        tpu.vector_store %arg12[%swap3A, %swap3A_206], %mul3A_205 {strides = array<i32>} : memref<128x64xf32, #tpu.memory_space<vmem>>, vector<16xf32>,
        %get3A_208 = arith.index_cast %scan3A_200 : i32 to index
        %get3A_209 = arith.constant 16 : index
        %get3A_210 = tpu.vector_load %arg12[%get3A_208, %get3A_209] {strides = array<i32>} : memref<128x64xf32, #tpu.memory_space<vmem>>, vector<16xf32>,
        %mul3A_211 = arith.mulf %get3A_210, %gather3A : vector<16xf32>
        %swap3A_212 = arith.index_cast %scan3A_200 : i32 to index
        %swap3A_213 = arith.constant 16 : index
        %swap3A_214 = tpu.vector_load %arg12[%swap3A_212, %swap3A_213] {strides = array<i32>} : memref<128x64xf32, #tpu.memory_space<vmem>>, vector<16xf32>,
        tpu.vector_store %arg12[%swap3A_212, %swap3A_213], %mul3A_211 {strides = array<i32>} : memref<128x64xf32, #tpu.memory_space<vmem>>, vector<16xf32>,
        %get3A_215 = arith.index_cast %scan3A_200 : i32 to index
        %get3A_216 = arith.constant 32 : index
        %get3A_217 = tpu.vector_load %arg12[%get3A_215, %get3A_216] {strides = array<i32>} : memref<128x64xf32, #tpu.memory_space<vmem>>, vector<16xf32>,
        %mul3A_218 = arith.mulf %get3A_217, %gather3A : vector<16xf32>
        %swap3A_219 = arith.index_cast %scan3A_200 : i32 to index
        %swap3A_220 = arith.constant 32 : index
        %swap3A_221 = tpu.vector_load %arg12[%swap3A_219, %swap3A_220] {strides = array<i32>} : memref<128x64xf32, #tpu.memory_space<vmem>>, vector<16xf32>,
        tpu.vector_store %arg12[%swap3A_219, %swap3A_220], %mul3A_218 {strides = array<i32>} : memref<128x64xf32, #tpu.memory_space<vmem>>, vector<16xf32>,
        %get3A_222 = arith.index_cast %scan3A_200 : i32 to index
        %get3A_223 = arith.constant 48 : index
        %get3A_224 = tpu.vector_load %arg12[%get3A_222, %get3A_223] {strides = array<i32>} : memref<128x64xf32, #tpu.memory_space<vmem>>, vector<16xf32>,
        %mul3A_225 = arith.mulf %get3A_224, %gather3A : vector<16xf32>
        %swap3A_226 = arith.index_cast %scan3A_200 : i32 to index
        %swap3A_227 = arith.constant 48 : index
        %swap3A_228 = tpu.vector_load %arg12[%swap3A_226, %swap3A_227] {strides = array<i32>} : memref<128x64xf32, #tpu.memory_space<vmem>>, vector<16xf32>,
        tpu.vector_store %arg12[%swap3A_226, %swap3A_227], %mul3A_225 {strides = array<i32>} : memref<128x64xf32, #tpu.memory_space<vmem>>, vector<16xf32>,
        %scan3A_229 = arith.constant 0 : i32
        scf.yield %scan3A_229 : i32
      }
      %scan3A_198 = arith.constant 128 : i32
      "tpu.region"() ({
        %run_scoped3A_200 = tpu.sem_alloc : memref<!tpu.dma_semaphore, #tpu.memory_space<semaphore_mem>>
        %dma_start3A_201 = arith.constant 0 : i32
        %dma_start3A_202 = tpu.memref_slice %arg8[%scan3A_172, %dma_start3A_201] : memref<79x128xi32, #tpu.memory_space<vmem>> -> memref<1x128xi32, #tpu.memory_space<vmem>>
        %dma_start3A_203 = tpu.memref_squeeze %dma_start3A_202 : memref<1x128xi32, #tpu.memory_space<vmem>> -> memref<128xi32, #tpu.memory_space<vmem>>
        %dma_start3A_204 = arith.constant 0 : i32
        %dma_start3A_205 = arith.constant 0 : i32
        %dma_start3A_206 = tpu.memref_slice %arg14[%dma_start3A_204, %dma_start3A_205] : memref<10240x64xf32, #tpu.memory_space<vmem_shared>> -> memref<10240x64xf32, #tpu.memory_space<vmem_shared>>
        tpu.enqueue_indirect_dma source(%arg12 : memref<128x64xf32, #tpu.memory_space<vmem>>) target(%dma_start3A_206 : memref<10240x64xf32, #tpu.memory_space<vmem_shared>>) offsets(%dma_start3A_203 : memref<128xi32, #tpu.memory_space<vmem>>) semaphore(%run_scoped3A_200 : memref<!tpu.dma_semaphore, #tpu.memory_space<semaphore_mem>>) {add = true}
        %dma_wait3A_207 = arith.constant 0 : i32
        %dma_wait3A_208 = tpu.memref_slice %arg8[%scan3A_172, %dma_wait3A_207] : memref<79x128xi32, #tpu.memory_space<vmem>> -> memref<1x128xi32, #tpu.memory_space<vmem>>
        %dma_wait3A_209 = tpu.memref_squeeze %dma_wait3A_208 : memref<1x128xi32, #tpu.memory_space<vmem>> -> memref<128xi32, #tpu.memory_space<vmem>>
        %dma_wait3A_210 = arith.constant 0 : i32
        %dma_wait3A_211 = arith.constant 0 : i32
        %dma_wait3A_212 = tpu.memref_slice %arg14[%dma_wait3A_210, %dma_wait3A_211] : memref<10240x64xf32, #tpu.memory_space<vmem_shared>> -> memref<10240x64xf32, #tpu.memory_space<vmem_shared>>
        tpu.wait_indirect_dma semaphore(%run_scoped3A_200 : memref<!tpu.dma_semaphore, #tpu.memory_space<semaphore_mem>>) src(%arg12 : memref<128x64xf32, #tpu.memory_space<vmem>>) dst(%dma_wait3A_212 : memref<10240x64xf32, #tpu.memory_space<vmem_shared>>)
        tpu.yield
      }) : () -> ()
      %scan3A_199 = arith.constant 0 : i32
      scf.yield %scan3A_199 : i32
    }
    %scan3A_146 = arith.constant 79 : i32
    %barrier3A_147 = arith.constant 0 : index
    tpu.barrier barrier_id(%barrier3A_147)
    %run_scoped3A_148 = arith.constant 1 : i32
    "tpu.region"() ({
      %run_scoped3A_172 = tpu.sem_alloc : memref<!tpu.dma_semaphore, #tpu.memory_space<semaphore_mem>>
      %dma_start3A = arith.constant 0 : i32
      %dma_start3A_173 = tpu.memref_slice %arg6[%run_scoped3A_148, %add3A_106, %mul3A_13, %dma_start3A] : memref<3x4x10240x64xf32, #tpu.memory_space<hbm>> -> memref<1x1x640x64xf32, #tpu.memory_space<hbm>>
      %dma_start3A_174 = tpu.memref_squeeze %dma_start3A_173 : memref<1x1x640x64xf32, #tpu.memory_space<hbm>> -> memref<640x64xf32, #tpu.memory_space<hbm>>
      %dma_start3A_175 = arith.constant 0 : i32
      %dma_start3A_176 = tpu.memref_slice %arg14[%mul3A_13, %dma_start3A_175] : memref<10240x64xf32, #tpu.memory_space<vmem_shared>> -> memref<640x64xf32, #tpu.memory_space<vmem_shared>>
      tpu.enqueue_dma source(%dma_start3A_176 : memref<640x64xf32, #tpu.memory_space<vmem_shared>>) target(%dma_start3A_174 : memref<640x64xf32, #tpu.memory_space<hbm>>) target_semaphore(%run_scoped3A_172 : memref<!tpu.dma_semaphore, #tpu.memory_space<semaphore_mem>>)
      %dma_wait3A = arith.constant 0 : i32
      %dma_wait3A_177 = tpu.memref_slice %arg6[%run_scoped3A_148, %add3A_106, %mul3A_13, %dma_wait3A] : memref<3x4x10240x64xf32, #tpu.memory_space<hbm>> -> memref<1x1x640x64xf32, #tpu.memory_space<hbm>>
      %dma_wait3A_178 = tpu.memref_squeeze %dma_wait3A_177 : memref<1x1x640x64xf32, #tpu.memory_space<hbm>> -> memref<640x64xf32, #tpu.memory_space<hbm>>
      %dma_wait3A_179 = arith.constant 0 : i32
      %dma_wait3A_180 = tpu.memref_slice %arg14[%mul3A_13, %dma_wait3A_179] : memref<10240x64xf32, #tpu.memory_space<vmem_shared>> -> memref<640x64xf32, #tpu.memory_space<vmem_shared>>
      tpu.wait_dma2 semaphore(%run_scoped3A_172 : memref<!tpu.dma_semaphore, #tpu.memory_space<semaphore_mem>>) src(%dma_wait3A_180 : memref<640x64xf32, #tpu.memory_space<vmem_shared>>) dst(%dma_wait3A_178 : memref<640x64xf32, #tpu.memory_space<hbm>>)
      tpu.yield
    }) : () -> ()
    %barrier3A_149 = arith.constant 0 : index
    tpu.barrier barrier_id(%barrier3A_149)
    %add3A_150 = arith.constant 0 : i32
    %add3A_151 = arith.addi %mul3A_13, %add3A_150 : i32
    "tpu.region"() ({
      %run_scoped3A_172 = tpu.sem_alloc : memref<!tpu.dma_semaphore, #tpu.memory_space<semaphore_mem>>
      %dma_start3A = arith.constant 0 : i32
      %dma_start3A_173 = tpu.memref_slice %arg14[%add3A_151, %dma_start3A] : memref<10240x64xf32, #tpu.memory_space<vmem_shared>> -> memref<128x64xf32, #tpu.memory_space<vmem_shared>>
      %dma_start3A_174 = arith.constant 0 : i32
      %dma_start3A_175 = tpu.memref_slice %arg14[%add3A_151, %dma_start3A_174] : memref<10240x64xf32, #tpu.memory_space<vmem_shared>> -> memref<128x64xf32, #tpu.memory_space<vmem_shared>>
      tpu.enqueue_dma source(%arg13 : memref<128x64xf32, #tpu.memory_space<vmem>>) target(%dma_start3A_175 : memref<128x64xf32, #tpu.memory_space<vmem_shared>>) target_semaphore(%run_scoped3A_172 : memref<!tpu.dma_semaphore, #tpu.memory_space<semaphore_mem>>)
      %dma_wait3A = arith.constant 0 : i32
      %dma_wait3A_176 = tpu.memref_slice %arg14[%add3A_151, %dma_wait3A] : memref<10240x64xf32, #tpu.memory_space<vmem_shared>> -> memref<128x64xf32, #tpu.memory_space<vmem_shared>>
      %dma_wait3A_177 = arith.constant 0 : i32
      %dma_wait3A_178 = tpu.memref_slice %arg14[%add3A_151, %dma_wait3A_177] : memref<10240x64xf32, #tpu.memory_space<vmem_shared>> -> memref<128x64xf32, #tpu.memory_space<vmem_shared>>
      tpu.wait_dma2 semaphore(%run_scoped3A_172 : memref<!tpu.dma_semaphore, #tpu.memory_space<semaphore_mem>>) src(%arg13 : memref<128x64xf32, #tpu.memory_space<vmem>>) dst(%dma_wait3A_178 : memref<128x64xf32, #tpu.memory_space<vmem_shared>>)
      tpu.yield
    }) : () -> ()
    %add3A_152 = arith.constant 128 : i32
    %add3A_153 = arith.addi %mul3A_13, %add3A_152 : i32
    "tpu.region"() ({
      %run_scoped3A_172 = tpu.sem_alloc : memref<!tpu.dma_semaphore, #tpu.memory_space<semaphore_mem>>
      %dma_start3A = arith.constant 0 : i32
      %dma_start3A_173 = tpu.memref_slice %arg14[%add3A_153, %dma_start3A] : memref<10240x64xf32, #tpu.memory_space<vmem_shared>> -> memref<128x64xf32, #tpu.memory_space<vmem_shared>>
      %dma_start3A_174 = arith.constant 0 : i32
      %dma_start3A_175 = tpu.memref_slice %arg14[%add3A_153, %dma_start3A_174] : memref<10240x64xf32, #tpu.memory_space<vmem_shared>> -> memref<128x64xf32, #tpu.memory_space<vmem_shared>>
      tpu.enqueue_dma source(%arg13 : memref<128x64xf32, #tpu.memory_space<vmem>>) target(%dma_start3A_175 : memref<128x64xf32, #tpu.memory_space<vmem_shared>>) target_semaphore(%run_scoped3A_172 : memref<!tpu.dma_semaphore, #tpu.memory_space<semaphore_mem>>)
      %dma_wait3A = arith.constant 0 : i32
      %dma_wait3A_176 = tpu.memref_slice %arg14[%add3A_153, %dma_wait3A] : memref<10240x64xf32, #tpu.memory_space<vmem_shared>> -> memref<128x64xf32, #tpu.memory_space<vmem_shared>>
      %dma_wait3A_177 = arith.constant 0 : i32
      %dma_wait3A_178 = tpu.memref_slice %arg14[%add3A_153, %dma_wait3A_177] : memref<10240x64xf32, #tpu.memory_space<vmem_shared>> -> memref<128x64xf32, #tpu.memory_space<vmem_shared>>
      tpu.wait_dma2 semaphore(%run_scoped3A_172 : memref<!tpu.dma_semaphore, #tpu.memory_space<semaphore_mem>>) src(%arg13 : memref<128x64xf32, #tpu.memory_space<vmem>>) dst(%dma_wait3A_178 : memref<128x64xf32, #tpu.memory_space<vmem_shared>>)
      tpu.yield
    }) : () -> ()
    %add3A_154 = arith.constant 256 : i32
    %add3A_155 = arith.addi %mul3A_13, %add3A_154 : i32
    "tpu.region"() ({
      %run_scoped3A_172 = tpu.sem_alloc : memref<!tpu.dma_semaphore, #tpu.memory_space<semaphore_mem>>
      %dma_start3A = arith.constant 0 : i32
      %dma_start3A_173 = tpu.memref_slice %arg14[%add3A_155, %dma_start3A] : memref<10240x64xf32, #tpu.memory_space<vmem_shared>> -> memref<128x64xf32, #tpu.memory_space<vmem_shared>>
      %dma_start3A_174 = arith.constant 0 : i32
      %dma_start3A_175 = tpu.memref_slice %arg14[%add3A_155, %dma_start3A_174] : memref<10240x64xf32, #tpu.memory_space<vmem_shared>> -> memref<128x64xf32, #tpu.memory_space<vmem_shared>>
      tpu.enqueue_dma source(%arg13 : memref<128x64xf32, #tpu.memory_space<vmem>>) target(%dma_start3A_175 : memref<128x64xf32, #tpu.memory_space<vmem_shared>>) target_semaphore(%run_scoped3A_172 : memref<!tpu.dma_semaphore, #tpu.memory_space<semaphore_mem>>)
      %dma_wait3A = arith.constant 0 : i32
      %dma_wait3A_176 = tpu.memref_slice %arg14[%add3A_155, %dma_wait3A] : memref<10240x64xf32, #tpu.memory_space<vmem_shared>> -> memref<128x64xf32, #tpu.memory_space<vmem_shared>>
      %dma_wait3A_177 = arith.constant 0 : i32
      %dma_wait3A_178 = tpu.memref_slice %arg14[%add3A_155, %dma_wait3A_177] : memref<10240x64xf32, #tpu.memory_space<vmem_shared>> -> memref<128x64xf32, #tpu.memory_space<vmem_shared>>
      tpu.wait_dma2 semaphore(%run_scoped3A_172 : memref<!tpu.dma_semaphore, #tpu.memory_space<semaphore_mem>>) src(%arg13 : memref<128x64xf32, #tpu.memory_space<vmem>>) dst(%dma_wait3A_178 : memref<128x64xf32, #tpu.memory_space<vmem_shared>>)
      tpu.yield
    }) : () -> ()
    %add3A_156 = arith.constant 384 : i32
    %add3A_157 = arith.addi %mul3A_13, %add3A_156 : i32
    "tpu.region"() ({
      %run_scoped3A_172 = tpu.sem_alloc : memref<!tpu.dma_semaphore, #tpu.memory_space<semaphore_mem>>
      %dma_start3A = arith.constant 0 : i32
      %dma_start3A_173 = tpu.memref_slice %arg14[%add3A_157, %dma_start3A] : memref<10240x64xf32, #tpu.memory_space<vmem_shared>> -> memref<128x64xf32, #tpu.memory_space<vmem_shared>>
      %dma_start3A_174 = arith.constant 0 : i32
      %dma_start3A_175 = tpu.memref_slice %arg14[%add3A_157, %dma_start3A_174] : memref<10240x64xf32, #tpu.memory_space<vmem_shared>> -> memref<128x64xf32, #tpu.memory_space<vmem_shared>>
      tpu.enqueue_dma source(%arg13 : memref<128x64xf32, #tpu.memory_space<vmem>>) target(%dma_start3A_175 : memref<128x64xf32, #tpu.memory_space<vmem_shared>>) target_semaphore(%run_scoped3A_172 : memref<!tpu.dma_semaphore, #tpu.memory_space<semaphore_mem>>)
      %dma_wait3A = arith.constant 0 : i32
      %dma_wait3A_176 = tpu.memref_slice %arg14[%add3A_157, %dma_wait3A] : memref<10240x64xf32, #tpu.memory_space<vmem_shared>> -> memref<128x64xf32, #tpu.memory_space<vmem_shared>>
      %dma_wait3A_177 = arith.constant 0 : i32
      %dma_wait3A_178 = tpu.memref_slice %arg14[%add3A_157, %dma_wait3A_177] : memref<10240x64xf32, #tpu.memory_space<vmem_shared>> -> memref<128x64xf32, #tpu.memory_space<vmem_shared>>
      tpu.wait_dma2 semaphore(%run_scoped3A_172 : memref<!tpu.dma_semaphore, #tpu.memory_space<semaphore_mem>>) src(%arg13 : memref<128x64xf32, #tpu.memory_space<vmem>>) dst(%dma_wait3A_178 : memref<128x64xf32, #tpu.memory_space<vmem_shared>>)
      tpu.yield
    }) : () -> ()
    %add3A_158 = arith.constant 512 : i32
    %add3A_159 = arith.addi %mul3A_13, %add3A_158 : i32
    "tpu.region"() ({
      %run_scoped3A_172 = tpu.sem_alloc : memref<!tpu.dma_semaphore, #tpu.memory_space<semaphore_mem>>
      %dma_start3A = arith.constant 0 : i32
      %dma_start3A_173 = tpu.memref_slice %arg14[%add3A_159, %dma_start3A] : memref<10240x64xf32, #tpu.memory_space<vmem_shared>> -> memref<128x64xf32, #tpu.memory_space<vmem_shared>>
      %dma_start3A_174 = arith.constant 0 : i32
      %dma_start3A_175 = tpu.memref_slice %arg14[%add3A_159, %dma_start3A_174] : memref<10240x64xf32, #tpu.memory_space<vmem_shared>> -> memref<128x64xf32, #tpu.memory_space<vmem_shared>>
      tpu.enqueue_dma source(%arg13 : memref<128x64xf32, #tpu.memory_space<vmem>>) target(%dma_start3A_175 : memref<128x64xf32, #tpu.memory_space<vmem_shared>>) target_semaphore(%run_scoped3A_172 : memref<!tpu.dma_semaphore, #tpu.memory_space<semaphore_mem>>)
      %dma_wait3A = arith.constant 0 : i32
      %dma_wait3A_176 = tpu.memref_slice %arg14[%add3A_159, %dma_wait3A] : memref<10240x64xf32, #tpu.memory_space<vmem_shared>> -> memref<128x64xf32, #tpu.memory_space<vmem_shared>>
      %dma_wait3A_177 = arith.constant 0 : i32
      %dma_wait3A_178 = tpu.memref_slice %arg14[%add3A_159, %dma_wait3A_177] : memref<10240x64xf32, #tpu.memory_space<vmem_shared>> -> memref<128x64xf32, #tpu.memory_space<vmem_shared>>
      tpu.wait_dma2 semaphore(%run_scoped3A_172 : memref<!tpu.dma_semaphore, #tpu.memory_space<semaphore_mem>>) src(%arg13 : memref<128x64xf32, #tpu.memory_space<vmem>>) dst(%dma_wait3A_178 : memref<128x64xf32, #tpu.memory_space<vmem_shared>>)
      tpu.yield
    }) : () -> ()
    %barrier3A_160 = arith.constant 0 : index
    tpu.barrier barrier_id(%barrier3A_160)
    %scan3A_161 = arith.constant 1 : i32
    %scan3A_162 = arith.constant 0 : i32
    %scan3A_163 = arith.constant 0 : i32
    %scan3A_164 = arith.constant 79 : i32
    %scan3A_165 = arith.addi %scan3A_163, %scan3A_164 : i32
    %scan3A_166 = arith.constant 1 : i32
    %scan3A_167 = scf.for %scan3A_172 = %scan3A_163 to %scan3A_165 step %scan3A_166 iter_args(%scan3A_173 = %scan3A_162) -> (i32)  : i32 {
      %dma_start3A = arith.constant 0 : i32
      %dma_start3A_174 = tpu.memref_slice %arg7[%scan3A_172, %dma_start3A] : memref<79x128xi32, #tpu.memory_space<vmem>> -> memref<1x128xi32, #tpu.memory_space<vmem>>
      %dma_start3A_175 = tpu.memref_squeeze %dma_start3A_174 : memref<1x128xi32, #tpu.memory_space<vmem>> -> memref<128xi32, #tpu.memory_space<vmem>>
      %dma_start3A_176 = arith.constant 0 : i32
      %dma_start3A_177 = arith.constant 0 : i32
      %dma_start3A_178 = tpu.memref_slice %arg6[%scan3A_161, %add3A_106, %dma_start3A_176, %dma_start3A_177] : memref<3x4x10240x64xf32, #tpu.memory_space<hbm>> -> memref<1x1x10240x64xf32, #tpu.memory_space<hbm>>
      %dma_start3A_179 = tpu.memref_squeeze %dma_start3A_178 : memref<1x1x10240x64xf32, #tpu.memory_space<hbm>> -> memref<10240x64xf32, #tpu.memory_space<hbm>>
      %dma_start3A_180 = arith.constant 0 : i32
      %dma_start3A_181 = arith.constant 0 : i32
      %dma_start3A_182 = tpu.memref_slice %dma_start3A_179[%dma_start3A_180, %dma_start3A_181] : memref<10240x64xf32, #tpu.memory_space<hbm>> -> memref<10240x64xf32, #tpu.memory_space<hbm>>
      tpu.enqueue_indirect_dma source(%dma_start3A_182 : memref<10240x64xf32, #tpu.memory_space<hbm>>) target(%arg12 : memref<128x64xf32, #tpu.memory_space<vmem>>) offsets(%dma_start3A_175 : memref<128xi32, #tpu.memory_space<vmem>>) semaphore(%arg16 : memref<!tpu.dma_semaphore, #tpu.memory_space<semaphore_mem>>)
      %dma_wait3A = arith.constant 0 : i32
      %dma_wait3A_183 = tpu.memref_slice %arg7[%scan3A_172, %dma_wait3A] : memref<79x128xi32, #tpu.memory_space<vmem>> -> memref<1x128xi32, #tpu.memory_space<vmem>>
      %dma_wait3A_184 = tpu.memref_squeeze %dma_wait3A_183 : memref<1x128xi32, #tpu.memory_space<vmem>> -> memref<128xi32, #tpu.memory_space<vmem>>
      %dma_wait3A_185 = arith.constant 0 : i32
      %dma_wait3A_186 = arith.constant 0 : i32
      %dma_wait3A_187 = tpu.memref_slice %arg6[%scan3A_161, %add3A_106, %dma_wait3A_185, %dma_wait3A_186] : memref<3x4x10240x64xf32, #tpu.memory_space<hbm>> -> memref<1x1x10240x64xf32, #tpu.memory_space<hbm>>
      %dma_wait3A_188 = tpu.memref_squeeze %dma_wait3A_187 : memref<1x1x10240x64xf32, #tpu.memory_space<hbm>> -> memref<10240x64xf32, #tpu.memory_space<hbm>>
      %dma_wait3A_189 = arith.constant 0 : i32
      %dma_wait3A_190 = arith.constant 0 : i32
      %dma_wait3A_191 = tpu.memref_slice %dma_wait3A_188[%dma_wait3A_189, %dma_wait3A_190] : memref<10240x64xf32, #tpu.memory_space<hbm>> -> memref<10240x64xf32, #tpu.memory_space<hbm>>
      tpu.wait_indirect_dma semaphore(%arg16 : memref<!tpu.dma_semaphore, #tpu.memory_space<semaphore_mem>>) src(%dma_wait3A_191 : memref<10240x64xf32, #tpu.memory_space<hbm>>) dst(%arg12 : memref<128x64xf32, #tpu.memory_space<vmem>>)
      %scan3A_192 = arith.constant 0 : i32
      %scan3A_193 = arith.constant 0 : i32
      %scan3A_194 = arith.constant 128 : i32
      %scan3A_195 = arith.addi %scan3A_193, %scan3A_194 : i32
      %scan3A_196 = arith.constant 1 : i32
      %scan3A_197 = scf.for %scan3A_200 = %scan3A_193 to %scan3A_195 step %scan3A_196 iter_args(%scan3A_201 = %scan3A_192) -> (i32)  : i32 {
        %broadcast_in_dim3A = vector.broadcast %scan3A_172 : i32 to vector<16xi32>
        %broadcast_in_dim3A_202 = vector.broadcast %scan3A_200 : i32 to vector<16xi32>
        %gather3A = tpu.vector_load_idx %arg10[%broadcast_in_dim3A, %broadcast_in_dim3A_202] : memref<79x128xf32, #tpu.memory_space<vmem>>[vector<16xi32>, vector<16xi32>], vector<16xf32>,
        %get3A = arith.index_cast %scan3A_200 : i32 to index
        %get3A_203 = arith.constant 0 : index
        %get3A_204 = tpu.vector_load %arg12[%get3A, %get3A_203] {strides = array<i32>} : memref<128x64xf32, #tpu.memory_space<vmem>>, vector<16xf32>,
        %mul3A_205 = arith.mulf %get3A_204, %gather3A : vector<16xf32>
        %swap3A = arith.index_cast %scan3A_200 : i32 to index
        %swap3A_206 = arith.constant 0 : index
        %swap3A_207 = tpu.vector_load %arg12[%swap3A, %swap3A_206] {strides = array<i32>} : memref<128x64xf32, #tpu.memory_space<vmem>>, vector<16xf32>,
        tpu.vector_store %arg12[%swap3A, %swap3A_206], %mul3A_205 {strides = array<i32>} : memref<128x64xf32, #tpu.memory_space<vmem>>, vector<16xf32>,
        %get3A_208 = arith.index_cast %scan3A_200 : i32 to index
        %get3A_209 = arith.constant 16 : index
        %get3A_210 = tpu.vector_load %arg12[%get3A_208, %get3A_209] {strides = array<i32>} : memref<128x64xf32, #tpu.memory_space<vmem>>, vector<16xf32>,
        %mul3A_211 = arith.mulf %get3A_210, %gather3A : vector<16xf32>
        %swap3A_212 = arith.index_cast %scan3A_200 : i32 to index
        %swap3A_213 = arith.constant 16 : index
        %swap3A_214 = tpu.vector_load %arg12[%swap3A_212, %swap3A_213] {strides = array<i32>} : memref<128x64xf32, #tpu.memory_space<vmem>>, vector<16xf32>,
        tpu.vector_store %arg12[%swap3A_212, %swap3A_213], %mul3A_211 {strides = array<i32>} : memref<128x64xf32, #tpu.memory_space<vmem>>, vector<16xf32>,
        %get3A_215 = arith.index_cast %scan3A_200 : i32 to index
        %get3A_216 = arith.constant 32 : index
        %get3A_217 = tpu.vector_load %arg12[%get3A_215, %get3A_216] {strides = array<i32>} : memref<128x64xf32, #tpu.memory_space<vmem>>, vector<16xf32>,
        %mul3A_218 = arith.mulf %get3A_217, %gather3A : vector<16xf32>
        %swap3A_219 = arith.index_cast %scan3A_200 : i32 to index
        %swap3A_220 = arith.constant 32 : index
        %swap3A_221 = tpu.vector_load %arg12[%swap3A_219, %swap3A_220] {strides = array<i32>} : memref<128x64xf32, #tpu.memory_space<vmem>>, vector<16xf32>,
        tpu.vector_store %arg12[%swap3A_219, %swap3A_220], %mul3A_218 {strides = array<i32>} : memref<128x64xf32, #tpu.memory_space<vmem>>, vector<16xf32>,
        %get3A_222 = arith.index_cast %scan3A_200 : i32 to index
        %get3A_223 = arith.constant 48 : index
        %get3A_224 = tpu.vector_load %arg12[%get3A_222, %get3A_223] {strides = array<i32>} : memref<128x64xf32, #tpu.memory_space<vmem>>, vector<16xf32>,
        %mul3A_225 = arith.mulf %get3A_224, %gather3A : vector<16xf32>
        %swap3A_226 = arith.index_cast %scan3A_200 : i32 to index
        %swap3A_227 = arith.constant 48 : index
        %swap3A_228 = tpu.vector_load %arg12[%swap3A_226, %swap3A_227] {strides = array<i32>} : memref<128x64xf32, #tpu.memory_space<vmem>>, vector<16xf32>,
        tpu.vector_store %arg12[%swap3A_226, %swap3A_227], %mul3A_225 {strides = array<i32>} : memref<128x64xf32, #tpu.memory_space<vmem>>, vector<16xf32>,
        %scan3A_229 = arith.constant 0 : i32
        scf.yield %scan3A_229 : i32
      }
      %scan3A_198 = arith.constant 128 : i32
      "tpu.region"() ({
        %run_scoped3A_200 = tpu.sem_alloc : memref<!tpu.dma_semaphore, #tpu.memory_space<semaphore_mem>>
        %dma_start3A_201 = arith.constant 0 : i32
        %dma_start3A_202 = tpu.memref_slice %arg8[%scan3A_172, %dma_start3A_201] : memref<79x128xi32, #tpu.memory_space<vmem>> -> memref<1x128xi32, #tpu.memory_space<vmem>>
        %dma_start3A_203 = tpu.memref_squeeze %dma_start3A_202 : memref<1x128xi32, #tpu.memory_space<vmem>> -> memref<128xi32, #tpu.memory_space<vmem>>
        %dma_start3A_204 = arith.constant 0 : i32
        %dma_start3A_205 = arith.constant 0 : i32
        %dma_start3A_206 = tpu.memref_slice %arg14[%dma_start3A_204, %dma_start3A_205] : memref<10240x64xf32, #tpu.memory_space<vmem_shared>> -> memref<10240x64xf32, #tpu.memory_space<vmem_shared>>
        tpu.enqueue_indirect_dma source(%arg12 : memref<128x64xf32, #tpu.memory_space<vmem>>) target(%dma_start3A_206 : memref<10240x64xf32, #tpu.memory_space<vmem_shared>>) offsets(%dma_start3A_203 : memref<128xi32, #tpu.memory_space<vmem>>) semaphore(%run_scoped3A_200 : memref<!tpu.dma_semaphore, #tpu.memory_space<semaphore_mem>>) {add = true}
        %dma_wait3A_207 = arith.constant 0 : i32
        %dma_wait3A_208 = tpu.memref_slice %arg8[%scan3A_172, %dma_wait3A_207] : memref<79x128xi32, #tpu.memory_space<vmem>> -> memref<1x128xi32, #tpu.memory_space<vmem>>
        %dma_wait3A_209 = tpu.memref_squeeze %dma_wait3A_208 : memref<1x128xi32, #tpu.memory_space<vmem>> -> memref<128xi32, #tpu.memory_space<vmem>>
        %dma_wait3A_210 = arith.constant 0 : i32
        %dma_wait3A_211 = arith.constant 0 : i32
        %dma_wait3A_212 = tpu.memref_slice %arg14[%dma_wait3A_210, %dma_wait3A_211] : memref<10240x64xf32, #tpu.memory_space<vmem_shared>> -> memref<10240x64xf32, #tpu.memory_space<vmem_shared>>
        tpu.wait_indirect_dma semaphore(%run_scoped3A_200 : memref<!tpu.dma_semaphore, #tpu.memory_space<semaphore_mem>>) src(%arg12 : memref<128x64xf32, #tpu.memory_space<vmem>>) dst(%dma_wait3A_212 : memref<10240x64xf32, #tpu.memory_space<vmem_shared>>)
        tpu.yield
      }) : () -> ()
      %scan3A_199 = arith.constant 0 : i32
      scf.yield %scan3A_199 : i32
    }
    %scan3A_168 = arith.constant 79 : i32
    %barrier3A_169 = arith.constant 0 : index
    tpu.barrier barrier_id(%barrier3A_169)
    %run_scoped3A_170 = arith.constant 2 : i32
    "tpu.region"() ({
      %run_scoped3A_172 = tpu.sem_alloc : memref<!tpu.dma_semaphore, #tpu.memory_space<semaphore_mem>>
      %dma_start3A = arith.constant 0 : i32
      %dma_start3A_173 = tpu.memref_slice %arg6[%run_scoped3A_170, %add3A_106, %mul3A_13, %dma_start3A] : memref<3x4x10240x64xf32, #tpu.memory_space<hbm>> -> memref<1x1x640x64xf32, #tpu.memory_space<hbm>>
      %dma_start3A_174 = tpu.memref_squeeze %dma_start3A_173 : memref<1x1x640x64xf32, #tpu.memory_space<hbm>> -> memref<640x64xf32, #tpu.memory_space<hbm>>
      %dma_start3A_175 = arith.constant 0 : i32
      %dma_start3A_176 = tpu.memref_slice %arg14[%mul3A_13, %dma_start3A_175] : memref<10240x64xf32, #tpu.memory_space<vmem_shared>> -> memref<640x64xf32, #tpu.memory_space<vmem_shared>>
      tpu.enqueue_dma source(%dma_start3A_176 : memref<640x64xf32, #tpu.memory_space<vmem_shared>>) target(%dma_start3A_174 : memref<640x64xf32, #tpu.memory_space<hbm>>) target_semaphore(%run_scoped3A_172 : memref<!tpu.dma_semaphore, #tpu.memory_space<semaphore_mem>>)
      %dma_wait3A = arith.constant 0 : i32
      %dma_wait3A_177 = tpu.memref_slice %arg6[%run_scoped3A_170, %add3A_106, %mul3A_13, %dma_wait3A] : memref<3x4x10240x64xf32, #tpu.memory_space<hbm>> -> memref<1x1x640x64xf32, #tpu.memory_space<hbm>>
      %dma_wait3A_178 = tpu.memref_squeeze %dma_wait3A_177 : memref<1x1x640x64xf32, #tpu.memory_space<hbm>> -> memref<640x64xf32, #tpu.memory_space<hbm>>
      %dma_wait3A_179 = arith.constant 0 : i32
      %dma_wait3A_180 = tpu.memref_slice %arg14[%mul3A_13, %dma_wait3A_179] : memref<10240x64xf32, #tpu.memory_space<vmem_shared>> -> memref<640x64xf32, #tpu.memory_space<vmem_shared>>
      tpu.wait_dma2 semaphore(%run_scoped3A_172 : memref<!tpu.dma_semaphore, #tpu.memory_space<semaphore_mem>>) src(%dma_wait3A_180 : memref<640x64xf32, #tpu.memory_space<vmem_shared>>) dst(%dma_wait3A_178 : memref<640x64xf32, #tpu.memory_space<hbm>>)
      tpu.yield
    }) : () -> ()
    %barrier3A_171 = arith.constant 0 : index
    tpu.barrier barrier_id(%barrier3A_171)
    return
  }
}

module attributes {stable_mosaic.version = 14 : i64} {
  func.func @body(%arg0: i32, %arg1: memref<2000x256xf32, #tpu.memory_space<vmem>>, %arg2: memref<2000x64xf32, #tpu.memory_space<vmem>>, %arg3: memref<2000x64xf32, #tpu.memory_space<vmem>>, %arg4: memref<2000x64xf32, #tpu.memory_space<vmem>>, %arg5: memref<2000x64xf32, #tpu.memory_space<vmem>>, %arg6: memref<2000x64xf32, #tpu.memory_space<vmem>>, %arg7: memref<2000x64xf32, #tpu.memory_space<vmem>>, %arg8: memref<2000x64xf32, #tpu.memory_space<vmem>>, %arg9: memref<2000x64xf32, #tpu.memory_space<vmem>>, %arg10: memref<2000x64xf32, #tpu.memory_space<vmem>>, %arg11: memref<2000x64xf32, #tpu.memory_space<vmem>>, %arg12: memref<2000x64xf32, #tpu.memory_space<vmem>>, %arg13: memref<2000x64xf32, #tpu.memory_space<vmem>>, %arg14: memref<256x256xf32, #tpu.memory_space<vmem>>, %arg15: memref<12x64x256xf32, #tpu.memory_space<vmem>>, %arg16: memref<1x256xf32, #tpu.memory_space<vmem>>, %arg17: memref<1x256xf32, #tpu.memory_space<vmem>>, %arg18: memref<1x256xf32, #tpu.memory_space<vmem>>, %arg19: memref<2000x256xf32, #tpu.memory_space<vmem>>) attributes {dimension_semantics = [#tpu.dimension_semantics<arbitrary>], iteration_bounds = array<i64: 5>, scalar_prefetch = 0 : i64, scratch_operands = 0 : i64, tpu.core_type = #tpu.core_type<tc>, window_params = [{transform_indices = @transform_0, window_bounds = array<i64: 2000, 256>}, {transform_indices = @transform_1, window_bounds = array<i64: 2000, 64>}, {transform_indices = @transform_2, window_bounds = array<i64: 2000, 64>}, {transform_indices = @transform_3, window_bounds = array<i64: 2000, 64>}, {transform_indices = @transform_4, window_bounds = array<i64: 2000, 64>}, {transform_indices = @transform_5, window_bounds = array<i64: 2000, 64>}, {transform_indices = @transform_6, window_bounds = array<i64: 2000, 64>}, {transform_indices = @transform_7, window_bounds = array<i64: 2000, 64>}, {transform_indices = @transform_8, window_bounds = array<i64: 2000, 64>}, {transform_indices = @transform_9, window_bounds = array<i64: 2000, 64>}, {transform_indices = @transform_10, window_bounds = array<i64: 2000, 64>}, {transform_indices = @transform_11, window_bounds = array<i64: 2000, 64>}, {transform_indices = @transform_12, window_bounds = array<i64: 2000, 64>}, {pipeline_mode = #tpu.pipeline_mode<synchronous>, transform_indices = @transform_13, window_bounds = array<i64: 256, 256>}, {pipeline_mode = #tpu.pipeline_mode<synchronous>, transform_indices = @transform_14, window_bounds = array<i64: 12, 64, 256>}, {pipeline_mode = #tpu.pipeline_mode<synchronous>, transform_indices = @transform_15, window_bounds = array<i64: 1, 256>}, {pipeline_mode = #tpu.pipeline_mode<synchronous>, transform_indices = @transform_16, window_bounds = array<i64: 1, 256>}, {pipeline_mode = #tpu.pipeline_mode<synchronous>, transform_indices = @transform_17, window_bounds = array<i64: 1, 256>}, {transform_indices = @transform_18, window_bounds = array<i64: 2000, 256>}]} {
    %get3A = arith.constant 0 : index
    %get3A_0 = arith.constant 0 : index
    %get3A_1 = vector.load %arg1[%get3A, %get3A_0] : memref<2000x256xf32, #tpu.memory_space<vmem>>, vector<2000x256xf32>
    %get3A_2 = arith.constant 0 : index
    %get3A_3 = arith.constant 0 : index
    %get3A_4 = vector.load %arg14[%get3A_2, %get3A_3] : memref<256x256xf32, #tpu.memory_space<vmem>>, vector<256x256xf32>
    %dot_general3A = arith.constant dense<0.000000e+00> : vector<2000x256xf32>
    %dot_general3A_5 = tpu.matmul %get3A_1, %get3A_4, %dot_general3A {dimension_numbers = #tpu.dot_dimension_numbers<[1], [0], [0], [1], [0, 0, 1, 1], [], []>, transpose_lhs_hint = false} : vector<2000x256xf32>, vector<256x256xf32>, vector<2000x256xf32> -> vector<2000x256xf32>
    %get3A_6 = arith.constant 0 : index
    %get3A_7 = arith.constant 0 : index
    %get3A_8 = vector.load %arg2[%get3A_6, %get3A_7] : memref<2000x64xf32, #tpu.memory_space<vmem>>, vector<2000x64xf32>
    %get3A_9 = arith.constant 0 : index
    %get3A_10 = arith.constant 0 : index
    %get3A_11 = arith.constant 0 : index
    %get3A_12 = vector.load %arg15[%get3A_9, %get3A_10, %get3A_11] : memref<12x64x256xf32, #tpu.memory_space<vmem>>, vector<1x64x256xf32>
    %get3A_13 = vector.shape_cast %get3A_12 : vector<1x64x256xf32> to vector<64x256xf32>
    %dot_general3A_14 = arith.constant dense<0.000000e+00> : vector<2000x256xf32>
    %dot_general3A_15 = tpu.matmul %get3A_8, %get3A_13, %dot_general3A_14 {dimension_numbers = #tpu.dot_dimension_numbers<[1], [0], [0], [1], [0, 0, 1, 1], [], []>, transpose_lhs_hint = false} : vector<2000x64xf32>, vector<64x256xf32>, vector<2000x256xf32> -> vector<2000x256xf32>
    %add3A = arith.addf %dot_general3A_5, %dot_general3A_15 : vector<2000x256xf32>
    %get3A_16 = arith.constant 0 : index
    %get3A_17 = arith.constant 0 : index
    %get3A_18 = vector.load %arg3[%get3A_16, %get3A_17] : memref<2000x64xf32, #tpu.memory_space<vmem>>, vector<2000x64xf32>
    %get3A_19 = arith.constant 1 : index
    %get3A_20 = arith.constant 0 : index
    %get3A_21 = arith.constant 0 : index
    %get3A_22 = vector.load %arg15[%get3A_19, %get3A_20, %get3A_21] : memref<12x64x256xf32, #tpu.memory_space<vmem>>, vector<1x64x256xf32>
    %get3A_23 = vector.shape_cast %get3A_22 : vector<1x64x256xf32> to vector<64x256xf32>
    %dot_general3A_24 = arith.constant dense<0.000000e+00> : vector<2000x256xf32>
    %dot_general3A_25 = tpu.matmul %get3A_18, %get3A_23, %dot_general3A_24 {dimension_numbers = #tpu.dot_dimension_numbers<[1], [0], [0], [1], [0, 0, 1, 1], [], []>, transpose_lhs_hint = false} : vector<2000x64xf32>, vector<64x256xf32>, vector<2000x256xf32> -> vector<2000x256xf32>
    %add3A_26 = arith.addf %add3A, %dot_general3A_25 : vector<2000x256xf32>
    %get3A_27 = arith.constant 0 : index
    %get3A_28 = arith.constant 0 : index
    %get3A_29 = vector.load %arg4[%get3A_27, %get3A_28] : memref<2000x64xf32, #tpu.memory_space<vmem>>, vector<2000x64xf32>
    %get3A_30 = arith.constant 2 : index
    %get3A_31 = arith.constant 0 : index
    %get3A_32 = arith.constant 0 : index
    %get3A_33 = vector.load %arg15[%get3A_30, %get3A_31, %get3A_32] : memref<12x64x256xf32, #tpu.memory_space<vmem>>, vector<1x64x256xf32>
    %get3A_34 = vector.shape_cast %get3A_33 : vector<1x64x256xf32> to vector<64x256xf32>
    %dot_general3A_35 = arith.constant dense<0.000000e+00> : vector<2000x256xf32>
    %dot_general3A_36 = tpu.matmul %get3A_29, %get3A_34, %dot_general3A_35 {dimension_numbers = #tpu.dot_dimension_numbers<[1], [0], [0], [1], [0, 0, 1, 1], [], []>, transpose_lhs_hint = false} : vector<2000x64xf32>, vector<64x256xf32>, vector<2000x256xf32> -> vector<2000x256xf32>
    %add3A_37 = arith.addf %add3A_26, %dot_general3A_36 : vector<2000x256xf32>
    %get3A_38 = arith.constant 0 : index
    %get3A_39 = arith.constant 0 : index
    %get3A_40 = vector.load %arg5[%get3A_38, %get3A_39] : memref<2000x64xf32, #tpu.memory_space<vmem>>, vector<2000x64xf32>
    %get3A_41 = arith.constant 3 : index
    %get3A_42 = arith.constant 0 : index
    %get3A_43 = arith.constant 0 : index
    %get3A_44 = vector.load %arg15[%get3A_41, %get3A_42, %get3A_43] : memref<12x64x256xf32, #tpu.memory_space<vmem>>, vector<1x64x256xf32>
    %get3A_45 = vector.shape_cast %get3A_44 : vector<1x64x256xf32> to vector<64x256xf32>
    %dot_general3A_46 = arith.constant dense<0.000000e+00> : vector<2000x256xf32>
    %dot_general3A_47 = tpu.matmul %get3A_40, %get3A_45, %dot_general3A_46 {dimension_numbers = #tpu.dot_dimension_numbers<[1], [0], [0], [1], [0, 0, 1, 1], [], []>, transpose_lhs_hint = false} : vector<2000x64xf32>, vector<64x256xf32>, vector<2000x256xf32> -> vector<2000x256xf32>
    %add3A_48 = arith.addf %add3A_37, %dot_general3A_47 : vector<2000x256xf32>
    %get3A_49 = arith.constant 0 : index
    %get3A_50 = arith.constant 0 : index
    %get3A_51 = vector.load %arg6[%get3A_49, %get3A_50] : memref<2000x64xf32, #tpu.memory_space<vmem>>, vector<2000x64xf32>
    %get3A_52 = arith.constant 4 : index
    %get3A_53 = arith.constant 0 : index
    %get3A_54 = arith.constant 0 : index
    %get3A_55 = vector.load %arg15[%get3A_52, %get3A_53, %get3A_54] : memref<12x64x256xf32, #tpu.memory_space<vmem>>, vector<1x64x256xf32>
    %get3A_56 = vector.shape_cast %get3A_55 : vector<1x64x256xf32> to vector<64x256xf32>
    %dot_general3A_57 = arith.constant dense<0.000000e+00> : vector<2000x256xf32>
    %dot_general3A_58 = tpu.matmul %get3A_51, %get3A_56, %dot_general3A_57 {dimension_numbers = #tpu.dot_dimension_numbers<[1], [0], [0], [1], [0, 0, 1, 1], [], []>, transpose_lhs_hint = false} : vector<2000x64xf32>, vector<64x256xf32>, vector<2000x256xf32> -> vector<2000x256xf32>
    %add3A_59 = arith.addf %add3A_48, %dot_general3A_58 : vector<2000x256xf32>
    %get3A_60 = arith.constant 0 : index
    %get3A_61 = arith.constant 0 : index
    %get3A_62 = vector.load %arg7[%get3A_60, %get3A_61] : memref<2000x64xf32, #tpu.memory_space<vmem>>, vector<2000x64xf32>
    %get3A_63 = arith.constant 5 : index
    %get3A_64 = arith.constant 0 : index
    %get3A_65 = arith.constant 0 : index
    %get3A_66 = vector.load %arg15[%get3A_63, %get3A_64, %get3A_65] : memref<12x64x256xf32, #tpu.memory_space<vmem>>, vector<1x64x256xf32>
    %get3A_67 = vector.shape_cast %get3A_66 : vector<1x64x256xf32> to vector<64x256xf32>
    %dot_general3A_68 = arith.constant dense<0.000000e+00> : vector<2000x256xf32>
    %dot_general3A_69 = tpu.matmul %get3A_62, %get3A_67, %dot_general3A_68 {dimension_numbers = #tpu.dot_dimension_numbers<[1], [0], [0], [1], [0, 0, 1, 1], [], []>, transpose_lhs_hint = false} : vector<2000x64xf32>, vector<64x256xf32>, vector<2000x256xf32> -> vector<2000x256xf32>
    %add3A_70 = arith.addf %add3A_59, %dot_general3A_69 : vector<2000x256xf32>
    %get3A_71 = arith.constant 0 : index
    %get3A_72 = arith.constant 0 : index
    %get3A_73 = vector.load %arg8[%get3A_71, %get3A_72] : memref<2000x64xf32, #tpu.memory_space<vmem>>, vector<2000x64xf32>
    %get3A_74 = arith.constant 6 : index
    %get3A_75 = arith.constant 0 : index
    %get3A_76 = arith.constant 0 : index
    %get3A_77 = vector.load %arg15[%get3A_74, %get3A_75, %get3A_76] : memref<12x64x256xf32, #tpu.memory_space<vmem>>, vector<1x64x256xf32>
    %get3A_78 = vector.shape_cast %get3A_77 : vector<1x64x256xf32> to vector<64x256xf32>
    %dot_general3A_79 = arith.constant dense<0.000000e+00> : vector<2000x256xf32>
    %dot_general3A_80 = tpu.matmul %get3A_73, %get3A_78, %dot_general3A_79 {dimension_numbers = #tpu.dot_dimension_numbers<[1], [0], [0], [1], [0, 0, 1, 1], [], []>, transpose_lhs_hint = false} : vector<2000x64xf32>, vector<64x256xf32>, vector<2000x256xf32> -> vector<2000x256xf32>
    %add3A_81 = arith.addf %add3A_70, %dot_general3A_80 : vector<2000x256xf32>
    %get3A_82 = arith.constant 0 : index
    %get3A_83 = arith.constant 0 : index
    %get3A_84 = vector.load %arg9[%get3A_82, %get3A_83] : memref<2000x64xf32, #tpu.memory_space<vmem>>, vector<2000x64xf32>
    %get3A_85 = arith.constant 7 : index
    %get3A_86 = arith.constant 0 : index
    %get3A_87 = arith.constant 0 : index
    %get3A_88 = vector.load %arg15[%get3A_85, %get3A_86, %get3A_87] : memref<12x64x256xf32, #tpu.memory_space<vmem>>, vector<1x64x256xf32>
    %get3A_89 = vector.shape_cast %get3A_88 : vector<1x64x256xf32> to vector<64x256xf32>
    %dot_general3A_90 = arith.constant dense<0.000000e+00> : vector<2000x256xf32>
    %dot_general3A_91 = tpu.matmul %get3A_84, %get3A_89, %dot_general3A_90 {dimension_numbers = #tpu.dot_dimension_numbers<[1], [0], [0], [1], [0, 0, 1, 1], [], []>, transpose_lhs_hint = false} : vector<2000x64xf32>, vector<64x256xf32>, vector<2000x256xf32> -> vector<2000x256xf32>
    %add3A_92 = arith.addf %add3A_81, %dot_general3A_91 : vector<2000x256xf32>
    %get3A_93 = arith.constant 0 : index
    %get3A_94 = arith.constant 0 : index
    %get3A_95 = vector.load %arg10[%get3A_93, %get3A_94] : memref<2000x64xf32, #tpu.memory_space<vmem>>, vector<2000x64xf32>
    %get3A_96 = arith.constant 8 : index
    %get3A_97 = arith.constant 0 : index
    %get3A_98 = arith.constant 0 : index
    %get3A_99 = vector.load %arg15[%get3A_96, %get3A_97, %get3A_98] : memref<12x64x256xf32, #tpu.memory_space<vmem>>, vector<1x64x256xf32>
    %get3A_100 = vector.shape_cast %get3A_99 : vector<1x64x256xf32> to vector<64x256xf32>
    %dot_general3A_101 = arith.constant dense<0.000000e+00> : vector<2000x256xf32>
    %dot_general3A_102 = tpu.matmul %get3A_95, %get3A_100, %dot_general3A_101 {dimension_numbers = #tpu.dot_dimension_numbers<[1], [0], [0], [1], [0, 0, 1, 1], [], []>, transpose_lhs_hint = false} : vector<2000x64xf32>, vector<64x256xf32>, vector<2000x256xf32> -> vector<2000x256xf32>
    %add3A_103 = arith.addf %add3A_92, %dot_general3A_102 : vector<2000x256xf32>
    %get3A_104 = arith.constant 0 : index
    %get3A_105 = arith.constant 0 : index
    %get3A_106 = vector.load %arg11[%get3A_104, %get3A_105] : memref<2000x64xf32, #tpu.memory_space<vmem>>, vector<2000x64xf32>
    %get3A_107 = arith.constant 9 : index
    %get3A_108 = arith.constant 0 : index
    %get3A_109 = arith.constant 0 : index
    %get3A_110 = vector.load %arg15[%get3A_107, %get3A_108, %get3A_109] : memref<12x64x256xf32, #tpu.memory_space<vmem>>, vector<1x64x256xf32>
    %get3A_111 = vector.shape_cast %get3A_110 : vector<1x64x256xf32> to vector<64x256xf32>
    %dot_general3A_112 = arith.constant dense<0.000000e+00> : vector<2000x256xf32>
    %dot_general3A_113 = tpu.matmul %get3A_106, %get3A_111, %dot_general3A_112 {dimension_numbers = #tpu.dot_dimension_numbers<[1], [0], [0], [1], [0, 0, 1, 1], [], []>, transpose_lhs_hint = false} : vector<2000x64xf32>, vector<64x256xf32>, vector<2000x256xf32> -> vector<2000x256xf32>
    %add3A_114 = arith.addf %add3A_103, %dot_general3A_113 : vector<2000x256xf32>
    %get3A_115 = arith.constant 0 : index
    %get3A_116 = arith.constant 0 : index
    %get3A_117 = vector.load %arg12[%get3A_115, %get3A_116] : memref<2000x64xf32, #tpu.memory_space<vmem>>, vector<2000x64xf32>
    %get3A_118 = arith.constant 10 : index
    %get3A_119 = arith.constant 0 : index
    %get3A_120 = arith.constant 0 : index
    %get3A_121 = vector.load %arg15[%get3A_118, %get3A_119, %get3A_120] : memref<12x64x256xf32, #tpu.memory_space<vmem>>, vector<1x64x256xf32>
    %get3A_122 = vector.shape_cast %get3A_121 : vector<1x64x256xf32> to vector<64x256xf32>
    %dot_general3A_123 = arith.constant dense<0.000000e+00> : vector<2000x256xf32>
    %dot_general3A_124 = tpu.matmul %get3A_117, %get3A_122, %dot_general3A_123 {dimension_numbers = #tpu.dot_dimension_numbers<[1], [0], [0], [1], [0, 0, 1, 1], [], []>, transpose_lhs_hint = false} : vector<2000x64xf32>, vector<64x256xf32>, vector<2000x256xf32> -> vector<2000x256xf32>
    %add3A_125 = arith.addf %add3A_114, %dot_general3A_124 : vector<2000x256xf32>
    %get3A_126 = arith.constant 0 : index
    %get3A_127 = arith.constant 0 : index
    %get3A_128 = vector.load %arg13[%get3A_126, %get3A_127] : memref<2000x64xf32, #tpu.memory_space<vmem>>, vector<2000x64xf32>
    %get3A_129 = arith.constant 11 : index
    %get3A_130 = arith.constant 0 : index
    %get3A_131 = arith.constant 0 : index
    %get3A_132 = vector.load %arg15[%get3A_129, %get3A_130, %get3A_131] : memref<12x64x256xf32, #tpu.memory_space<vmem>>, vector<1x64x256xf32>
    %get3A_133 = vector.shape_cast %get3A_132 : vector<1x64x256xf32> to vector<64x256xf32>
    %dot_general3A_134 = arith.constant dense<0.000000e+00> : vector<2000x256xf32>
    %dot_general3A_135 = tpu.matmul %get3A_128, %get3A_133, %dot_general3A_134 {dimension_numbers = #tpu.dot_dimension_numbers<[1], [0], [0], [1], [0, 0, 1, 1], [], []>, transpose_lhs_hint = false} : vector<2000x64xf32>, vector<64x256xf32>, vector<2000x256xf32> -> vector<2000x256xf32>
    %add3A_136 = arith.addf %add3A_125, %dot_general3A_135 : vector<2000x256xf32>
    %add3A_137 = arith.addf %get3A_1, %add3A_136 : vector<2000x256xf32>
    %get3A_138 = arith.constant 0 : index
    %get3A_139 = arith.constant 0 : index
    %get3A_140 = vector.load %arg16[%get3A_138, %get3A_139] : memref<1x256xf32, #tpu.memory_space<vmem>>, vector<1x256xf32>
    %add3A_141 = vector.broadcast %get3A_140 : vector<1x256xf32> to vector<2000x256xf32>
    %add3A_142 = arith.addf %add3A_137, %add3A_141 : vector<2000x256xf32>
    %reduce_sum3A = arith.constant dense<0.000000e+00> : vector<2000xf32>
    %reduce_sum3A_143 = vector.multi_reduction <add>, %add3A_142, %reduce_sum3A [1] : vector<2000x256xf32> to vector<2000xf32>
    %broadcast_in_dim3A = vector.shape_cast %reduce_sum3A_143 : vector<2000xf32> to vector<2000x1xf32>
    %div3A = arith.constant 2.560000e+02 : f32
    %div3A_144 = vector.broadcast %div3A : f32 to vector<2000x1xf32>
    %div3A_145 = arith.divf %broadcast_in_dim3A, %div3A_144 : vector<2000x1xf32>
    %sub3A = vector.broadcast %div3A_145 : vector<2000x1xf32> to vector<2000x256xf32>
    %sub3A_146 = arith.subf %add3A_142, %sub3A : vector<2000x256xf32>
    %sub3A_147 = vector.broadcast %div3A_145 : vector<2000x1xf32> to vector<2000x256xf32>
    %sub3A_148 = arith.subf %add3A_142, %sub3A_147 : vector<2000x256xf32>
    %mul3A = arith.mulf %sub3A_146, %sub3A_148 : vector<2000x256xf32>
    %reduce_sum3A_149 = arith.constant dense<0.000000e+00> : vector<2000xf32>
    %reduce_sum3A_150 = vector.multi_reduction <add>, %mul3A, %reduce_sum3A_149 [1] : vector<2000x256xf32> to vector<2000xf32>
    %broadcast_in_dim3A_151 = vector.shape_cast %reduce_sum3A_150 : vector<2000xf32> to vector<2000x1xf32>
    %div3A_152 = arith.constant 2.560000e+02 : f32
    %div3A_153 = vector.broadcast %div3A_152 : f32 to vector<2000x1xf32>
    %div3A_154 = arith.divf %broadcast_in_dim3A_151, %div3A_153 : vector<2000x1xf32>
    %sub3A_155 = vector.broadcast %div3A_145 : vector<2000x1xf32> to vector<2000x256xf32>
    %sub3A_156 = arith.subf %add3A_142, %sub3A_155 : vector<2000x256xf32>
    %add3A_157 = arith.constant 9.99999974E-6 : f32
    %add3A_158 = vector.broadcast %add3A_157 : f32 to vector<2000x1xf32>
    %add3A_159 = arith.addf %div3A_154, %add3A_158 : vector<2000x1xf32>
    %rsqrt3A = math.rsqrt %add3A_159 : vector<2000x1xf32>
    %mul3A_160 = vector.broadcast %rsqrt3A : vector<2000x1xf32> to vector<2000x256xf32>
    %mul3A_161 = arith.mulf %sub3A_156, %mul3A_160 : vector<2000x256xf32>
    %get3A_162 = arith.constant 0 : index
    %get3A_163 = arith.constant 0 : index
    %get3A_164 = vector.load %arg17[%get3A_162, %get3A_163] : memref<1x256xf32, #tpu.memory_space<vmem>>, vector<1x256xf32>
    %mul3A_165 = vector.broadcast %get3A_164 : vector<1x256xf32> to vector<2000x256xf32>
    %mul3A_166 = arith.mulf %mul3A_161, %mul3A_165 : vector<2000x256xf32>
    %get3A_167 = arith.constant 0 : index
    %get3A_168 = arith.constant 0 : index
    %get3A_169 = vector.load %arg18[%get3A_167, %get3A_168] : memref<1x256xf32, #tpu.memory_space<vmem>>, vector<1x256xf32>
    %add3A_170 = vector.broadcast %get3A_169 : vector<1x256xf32> to vector<2000x256xf32>
    %add3A_171 = arith.addf %mul3A_166, %add3A_170 : vector<2000x256xf32>
    %max3A = arith.constant 0.000000e+00 : f32
    %max3A_172 = vector.broadcast %max3A : f32 to vector<2000x256xf32>
    %max3A_173 = arith.maximumf %add3A_171, %max3A_172 : vector<2000x256xf32>
    %swap3A = arith.constant 0 : index
    %swap3A_174 = arith.constant 0 : index
    %swap3A_175 = vector.load %arg19[%swap3A, %swap3A_174] : memref<2000x256xf32, #tpu.memory_space<vmem>>, vector<2000x256xf32>
    tpu.vector_store %arg19[%swap3A, %swap3A_174], %max3A_173 {strides = array<i32>} : memref<2000x256xf32, #tpu.memory_space<vmem>>, vector<2000x256xf32>,
    return
  }
  func.func @transform_0(%arg0: i32) -> (i32, i32) {
    %c0_i32 = arith.constant 0 : i32
    %c0_i32_0 = arith.constant 0 : i32
    return %arg0, %c0_i32 : i32, i32
  }
  func.func @transform_1(%arg0: i32) -> (i32, i32) {
    %c0_i32 = arith.constant 0 : i32
    %c0_i32_0 = arith.constant 0 : i32
    return %arg0, %c0_i32 : i32, i32
  }
  func.func @transform_2(%arg0: i32) -> (i32, i32) {
    %c0_i32 = arith.constant 0 : i32
    %c0_i32_0 = arith.constant 0 : i32
    return %arg0, %c0_i32 : i32, i32
  }
  func.func @transform_3(%arg0: i32) -> (i32, i32) {
    %c0_i32 = arith.constant 0 : i32
    %c0_i32_0 = arith.constant 0 : i32
    return %arg0, %c0_i32 : i32, i32
  }
  func.func @transform_4(%arg0: i32) -> (i32, i32) {
    %c0_i32 = arith.constant 0 : i32
    %c0_i32_0 = arith.constant 0 : i32
    return %arg0, %c0_i32 : i32, i32
  }
  func.func @transform_5(%arg0: i32) -> (i32, i32) {
    %c0_i32 = arith.constant 0 : i32
    %c0_i32_0 = arith.constant 0 : i32
    return %arg0, %c0_i32 : i32, i32
  }
  func.func @transform_6(%arg0: i32) -> (i32, i32) {
    %c0_i32 = arith.constant 0 : i32
    %c0_i32_0 = arith.constant 0 : i32
    return %arg0, %c0_i32 : i32, i32
  }
  func.func @transform_7(%arg0: i32) -> (i32, i32) {
    %c0_i32 = arith.constant 0 : i32
    %c0_i32_0 = arith.constant 0 : i32
    return %arg0, %c0_i32 : i32, i32
  }
  func.func @transform_8(%arg0: i32) -> (i32, i32) {
    %c0_i32 = arith.constant 0 : i32
    %c0_i32_0 = arith.constant 0 : i32
    return %arg0, %c0_i32 : i32, i32
  }
  func.func @transform_9(%arg0: i32) -> (i32, i32) {
    %c0_i32 = arith.constant 0 : i32
    %c0_i32_0 = arith.constant 0 : i32
    return %arg0, %c0_i32 : i32, i32
  }
  func.func @transform_10(%arg0: i32) -> (i32, i32) {
    %c0_i32 = arith.constant 0 : i32
    %c0_i32_0 = arith.constant 0 : i32
    return %arg0, %c0_i32 : i32, i32
  }
  func.func @transform_11(%arg0: i32) -> (i32, i32) {
    %c0_i32 = arith.constant 0 : i32
    %c0_i32_0 = arith.constant 0 : i32
    return %arg0, %c0_i32 : i32, i32
  }
  func.func @transform_12(%arg0: i32) -> (i32, i32) {
    %c0_i32 = arith.constant 0 : i32
    %c0_i32_0 = arith.constant 0 : i32
    return %arg0, %c0_i32 : i32, i32
  }
  func.func @transform_13(%arg0: i32) -> (i32, i32) {
    %c0_i32 = arith.constant 0 : i32
    %c0_i32_0 = arith.constant 0 : i32
    %c0_i32_1 = arith.constant 0 : i32
    return %c0_i32, %c0_i32_0 : i32, i32
  }
  func.func @transform_14(%arg0: i32) -> (i32, i32, i32) {
    %c0_i32 = arith.constant 0 : i32
    %c0_i32_0 = arith.constant 0 : i32
    %c0_i32_1 = arith.constant 0 : i32
    %c0_i32_2 = arith.constant 0 : i32
    return %c0_i32, %c0_i32_0, %c0_i32_1 : i32, i32, i32
  }
  func.func @transform_15(%arg0: i32) -> (i32, i32) {
    %c0_i32 = arith.constant 0 : i32
    %c0_i32_0 = arith.constant 0 : i32
    %c0_i32_1 = arith.constant 0 : i32
    return %c0_i32, %c0_i32_0 : i32, i32
  }
  func.func @transform_16(%arg0: i32) -> (i32, i32) {
    %c0_i32 = arith.constant 0 : i32
    %c0_i32_0 = arith.constant 0 : i32
    %c0_i32_1 = arith.constant 0 : i32
    return %c0_i32, %c0_i32_0 : i32, i32
  }
  func.func @transform_17(%arg0: i32) -> (i32, i32) {
    %c0_i32 = arith.constant 0 : i32
    %c0_i32_0 = arith.constant 0 : i32
    %c0_i32_1 = arith.constant 0 : i32
    return %c0_i32, %c0_i32_0 : i32, i32
  }
  func.func @transform_18(%arg0: i32) -> (i32, i32) {
    %c0_i32 = arith.constant 0 : i32
    %c0_i32_0 = arith.constant 0 : i32
    return %arg0, %c0_i32 : i32, i32
  }
}

</mosaic_0001>

<sc_bundles>
// kernel: kernel.4.cloned.1.call-start
scs
__scs_entry_jumppad:
0x0: {  	(pc) =	sbr.rel $0x88, $3  }
0x1: {  	(tag) =	ssettag $0x0;
	lr =	simm.s32 $0x1  }
0x2: {  	[smem:$0x3F9A] =	sst lr;
	_ =	strace $0xD0000000  }
0x3: {  	_ = 	snop  }
0x4: {  	_ = 	snop  }
0x5: {  	_ = 	snop  }
0x6: {  	_ = 	snop  }
0x7: {  	_ = 	snop  }
__scs_overlays_trampoline_lowered:
0x8: {  	[smem:$0x3FA9] =	sst s0  }
0x9: {  	[smem:$0x3FAA] =	sst s1  }
0xa: {  	[smem:$0x3FAB] =	sst s2  }
0xb: {  	[smem:$0x3FAC] =	sst s3  }
0xc: {  	[smem:$0x3FAD] =	sst s4  }
0xd: {  	[smem:$0x3FAE] =	sst s5  }
0xe: {  	[smem:$0x3FAF] =	sst s6  }
0xf: {  	[smem:$0x3FB0] =	sst s7  }
0x10: {  	[smem:$0x3FB1] =	sst s8  }
0x11: {  	[smem:$0x3FB2] =	sst s9;
	s0 =	simm.s32 @!p0 $0x0  }
0x12: {  	s1 =	sld [smem:$0x3F98];
	s0 =	simm.s32 @p0 $0x1  }
0x13: {  	[smem:$0x3FB3] =	sst s0;
	s0 =	simm.s32 @!p1 $0x0  }
0x14: {  	s2 =	sld [smem:$0x3F97];
	s0 =	simm.s32 @p1 $0x1  }
0x15: {  	[smem:$0x3FB4] =	sst s0;
	s0 =	simm.s32 @!p2 $0x0  }
0x16: {  	s3 =	sld [smem:$0x3FDB];
	s0 =	simm.s32 @p2 $0x1  }
0x17: {  	s4 =	simm.s32 $0x1BF5;
	[smem:$0x3FB6] =	sst s0  }
0x18: {  	s0 =	sld [smem:$0x3F99];
	_ =	swait.ge [sflag:s4], $0x0  }
0x19: {  	s7 =	sld [smem:$0x3F9A]  }
0x1a: {  	s8 =	sadd.s32 $0xFFFFE003, lr  }
0x1b: {  	s9 =	sadd.s32 $0xFFFFFEF7, lr;
	s5 =	simm.s32 $0xFFFFFFFF;
	p2 =	slt.u32 s8, $0xFFFFF086  }
0x1c: {  	p1 =	slt.u32 s9, $0xF7A;
	s5 =	simm.s32 @!p2 $0x0  }
0x1d: {  	s5 =	simm.s32 @p1 $0x1;
	p0 =	seq.s32 s7, s2  }
0x1e: {  	s7 =	smul.u32 @!p0 $0xF7A, s2;
	p2 =	seq.s32 @!p0 s5, $0x0  }
0x1f: {  	s9 =	smul.u32 $0xF7A, s1;
	s8 =	simm.s32 @!p0 $0x1BF5;
	p2 =	por !p2, p0  }
0x20: {  	[sflag:s8] =	ssyncset.s32 @!p0 $0xFFFFF086;
	s6 =	sadd.s32 @!p0 s3, s7;
	s7 =	simm.s32 @!p0 $0x108  }
0x21: {  	s3 =	sadd.s32 s3, s9;
	s6 =	sadd.s32 @!p0 $0x88, s6;
	s7 =	simm.s32 @p2 $0x1082  }
0x22: {  	[simem:s7], [sflag:s8] =	dma.local @!p0 [hbm:s6], $0xF7A  }
0x23: {  	s9 =	sor.u32 $0xD0000000, s2;
	s6 =	simm.s32 $0x108;
	_ =	swait.ge @!p0 [sflag:s8], $0x0  }
0x24: {  	s3 =	sadd.s32 $0x88, s3;
	s6 =	simm.s32 @!p1 $0x1082;
	[sflag:s4] =	ssyncset.s32 $0xFFFFF086  }
0x25: {  	[simem:s6], [sflag:s4] =	dma.local [hbm:s3], $0xF7A  }
0x26: {  	[smem:$0x3F9A] =	sst s1;
	(tag) =	ssettag s2;
	_ =	strace s9  }
0x27: {  	s1 =	sld [smem:$0x3FAA]  }
0x28: {  	s2 =	sld [smem:$0x3FAB]  }
0x29: {  	s4 =	sld [smem:$0x3FAD]  }
0x2a: {  	p0 =	seq.s32 s5, $0x0;
	s5 =	sld [smem:$0x3FAE]  }
0x2b: {  	s6 =	sld [smem:$0x3FAF]  }
0x2c: {  	s7 =	sld [smem:$0x3FB0]  }
0x2d: {  	s3 =	simm.s32 $0x108;
	s8 =	sld [smem:$0x3FB1]  }
0x2e: {  	s3 =	simm.s32 @!p0 $0x1082;
	s9 =	sld [smem:$0x3FB2]  }
0x2f: {  	lr =	sadd.s32 s0, s3;
	s0 =	sld [smem:$0x3FA9]  }
0x30: {  	s3 =	sld [smem:$0x3FAC]  }
0x31: {  	[smem:$0x3FB5] =	sst s10  }
0x32: {  	s10 =	sld [smem:$0x3FB3];
	_ =	sdelay $0x3  }
0x33: {  	p0 =	seq.s32 s10, $0x1;
	s10 =	sld [smem:$0x3FB5];
	_ =	sdelay $0x3  }
0x34: {  	[smem:$0x3FB5] =	sst s10  }
0x35: {  	s10 =	sld [smem:$0x3FB4];
	_ =	sdelay $0x3  }
0x36: {  	p1 =	seq.s32 s10, $0x1;
	s10 =	sld [smem:$0x3FB5];
	_ =	sdelay $0x3  }
0x37: {  	[smem:$0x3FB5] =	sst s10  }
0x38: {  	s10 =	sld [smem:$0x3FB6]  }
0x39: {  	_ = 	snop;
	(pc) =	sbr.ind lr, $3  }
0x3a: {  	_ = 	snop  }
0x3b: {  	_ = 	snop  }
0x3c: {  	p2 =	seq.s32 s10, $0x1;
	s10 =	sld [smem:$0x3FB5]  }
0x3d: {  	_ =	shalt  }
0x3e: {  	_ =	shalt  }
0x3f: {  	_ =	shalt  }
0x40: {  	_ =	shalt  }
0x41: {  	_ =	shalt  }
0x42: {  	_ =	shalt  }
0x43: {  	_ =	shalt  }
0x44: {  	_ =	shalt  }
0x45: {  	_ =	shalt  }
0x46: {  	_ =	shalt  }
0x47: {  	_ =	shalt  }
0x48: {  	_ =	shalt  }
0x49: {  	_ =	shalt  }
0x4a: {  	_ =	shalt  }
0x4b: {  	_ =	shalt  }
0x4c: {  	_ =	shalt  }
0x4d: {  	_ =	shalt  }
0x4e: {  	_ =	shalt  }
0x4f: {  	_ =	shalt  }
0x50: {  	_ =	shalt  }
0x51: {  	_ =	shalt  }
0x52: {  	_ =	shalt  }
0x53: {  	_ =	shalt  }
0x54: {  	_ =	shalt  }
0x55: {  	_ =	shalt  }
0x56: {  	_ =	shalt  }
0x57: {  	_ =	shalt  }
0x58: {  	_ =	shalt  }
0x59: {  	_ =	shalt  }
0x5a: {  	_ =	shalt  }
0x5b: {  	_ =	shalt  }
0x5c: {  	_ =	shalt  }
0x5d: {  	_ =	shalt  }
0x5e: {  	_ =	shalt  }
0x5f: {  	_ =	shalt  }
0x60: {  	_ =	shalt  }
0x61: {  	_ =	shalt  }
0x62: {  	_ =	shalt  }
0x63: {  	_ =	shalt  }
0x64: {  	_ =	shalt  }
0x65: {  	_ =	shalt  }
0x66: {  	_ =	shalt  }
0x67: {  	_ =	shalt  }
0x68: {  	_ =	shalt  }
0x69: {  	_ =	shalt  }
0x6a: {  	_ =	shalt  }
0x6b: {  	_ =	shalt  }
0x6c: {  	_ =	shalt  }
0x6d: {  	_ =	shalt  }
0x6e: {  	_ =	shalt  }
0x6f: {  	_ =	shalt  }
0x70: {  	_ =	shalt  }
0x71: {  	_ =	shalt  }
0x72: {  	_ =	shalt  }
0x73: {  	_ =	shalt  }
0x74: {  	_ =	shalt  }
0x75: {  	_ =	shalt  }
0x76: {  	_ =	shalt  }
0x77: {  	_ =	shalt  }
0x78: {  	_ =	shalt  }
0x79: {  	_ =	shalt  }
0x7a: {  	_ =	shalt  }
0x7b: {  	_ =	shalt  }
0x7c: {  	_ =	shalt  }
0x7d: {  	_ =	shalt  }
0x7e: {  	_ =	shalt  }
0x7f: {  	_ =	shalt  }
0x80: {  	_ =	shalt  }
0x81: {  	_ =	shalt  }
0x82: {  	_ =	shalt  }
0x83: {  	_ =	shalt  }
0x84: {  	_ =	shalt  }
0x85: {  	_ =	shalt  }
0x86: {  	_ =	shalt  }
0x87: {  	_ =	shalt  }
.Lfunc_end0:
.L_simem_size_0:
called_computation_lowered:
.L_overlay_start_0:
0x88: {  	s2 =	sld [smem:$0x3FD9]  }
0x89: {  	s3 =	sld [smem:$0x3FFE];
	_ =	sdelay $0x1  }
0x8a: {  	s1 =	srdreg.scid  }
0x8b: {  	s0 =	sand.u32 $0x1, s1  }
0x8c: {  	s17 =	sshll.u32 s0, $0xA;
	s2 =	sadd.s32 s3, s2  }
0x8d: {  	s2 =	sadd.s32 s2, s17  }
0x8e: {  	[smem:$0x3FC1] =	sst s2  }
0x8f: {  	_ = 	snop  }
0x90: {  	s2 =	sld [smem:$0x3FD0];
	(tm) =	ssettm $0x1  }
0x91: {  	s18 =	sld [smem:$0x3FFB];
	_ =	sdelay $0x3  }
0x92: {  	_ =	strace s18  }
0x93: {  	s3 =	sld [smem:$0x3FFC];
	_ =	sdelay $0x3  }
0x94: {  	_ =	strace s3  }
0x95: {  	s3 =	sld [smem:$0x3FFD];
	_ =	sdelay $0x3  }
0x96: {  	_ =	strace s3  }
0x97: {  	_ =	strace $0x8FFFFFFF  }
0x98: {  	s19 =	sld [smem:$0x3FDB];
	_ =	sdelay $0x1  }
0x99: {  	s4 =	simm.s32 $_scs_section_size  }
0x9a: {  	s5 =	simm.s32 $_size__tile_overlayer_lowered;
	s6 =	simm.s32 $_tile_overlayer_lowered  }
0x9b: {  	s22 =	simm.s32 $0x1BFF;
	s21 =	sshll.u32 s6, $0x1;
	s3 =	sadd.s32 s4, s19  }
0x9c: {  	s7 =	simm.s32 $0x0;
	s20 =	sshll.u32 s5, $0x1;
	s5 =	sadd.s32 s21, s3  }
0x9d: {  	[timem:s7], [sflag:s22] =	dma.local [hbm:s5], s20  }
0x9e: {  	_ =	swait.ge [sflag:s22], s20  }
0x9f: {  	s4 =	ssub.s32 $0x0, s20;
	[sflag:s22] =	ssyncset.done $0x0  }
0xa0: {  	[sflag:s22] =	ssyncadd.s32 s4;
	_ =	sdelay $0x1  }
0xa1: {  	s23 =	simm.s32 $0x1B8B  }
0xa2: {  	_ =	swait.ge [sflag:s23], $0x1  }
0xa3: {  	[sflag:s23] =	ssyncset.done $0x0  }
0xa4: {  	s25 =	simm.s32 $0x1B8E;
	s24 =	sld [smem:$0x3FFE];
	[sflag:s23] =	ssyncadd.s32 $0xFFFFFFFF  }
0xa5: {  	s26 =	simm.s32 $execute0_lowered;
	[smem:$0x3FD2] =	sst s25  }
0xa6: {  	s5 =	sshll.u32 s26, $0x1;
	_ =	strace $0x80000046;
	[dreg:$0x1] =	wrdreg $0xFFFFFFFF  }
0xa7: {  	s28 =	simm.s32 $_size_execute0_lowered;
	s3 =	sadd.s32 s3, s5;
	[dreg:$0x0] =	wrdreg $0x0  }
0xa8: {  	s5 =	sshll.u32 s28, $0x1;
	[dreg:$0x2] =	wrdreg s3  }
0xa9: {  	[dreg:$0x3] =	wrdreg s5  }
0xaa: {  	[dreg:$0x4] =	wrdreg $0xC0  }
0xab: {  	_ =	task [dreg:s7], $0x5FFFF  }
0xac: {  	[dreg:$0x1] =	wrdreg $0xFFFFFFFF  }
0xad: {  	[dreg:$0x0] =	wrdreg $0x60  }
0xae: {  	[dreg:$0x2] =	wrdreg s2  }
0xaf: {  	[dreg:$0x3] =	wrdreg s24  }
0xb0: {  	[dreg:$0x4] =	wrdreg $0x1A6000  }
0xb1: {  	[dreg:$0x5] =	wrdreg $0x106000  }
0xb2: {  	[dreg:$0x6] =	wrdreg $0x9  }
0xb3: {  	_ =	task.clear_ibuf [dreg:s7], $0x7FFFF;
	_ =	strace $0x90000046  }
0xb4: {  	s29 =	simm.s32 $0x9;
	_ =	strace $0x80000048  }
0xb5: {  	_ =	swait.ge [sflag:s29], $0x1  }
0xb6: {  	[sflag:s29] =	ssyncadd.s32 $0xFFFFFFFF  }
0xb7: {  	_ =	strace $0x90000048  }
0xb8: {  	_ =	sfence  }
0xb9: {  	s30 =	sld [smem:$0x0];
	_ =	sdelay $0x2  }
0xba: {  	s31 =	sshll.u32 s1, $0xD;
	s1 =	sshrl.u32 s1, $0x2  }
0xbb: {  	s3 =	sand.u32 $0x4000, s31;
	s1 =	sadd.s32 s1, s30  }
0xbc: {  	s0 =	sor.u32 s3, s0;
	s1 =	sshll.u32 s1, $0x11  }
0xbd: {  	s0 =	sor.u32 s1, s0  }
0xbe: {  	s0 =	sadd.s32 $0x8F2B, s0  }
0xbf: {  	[sflag:s0] =	ssyncadd.remote.s32 $0x1  }
0xc0: {  	_ =	sfence.sel $0xFFFF  }
0xc1: {  	[dreg:$0x0] =	wrdreg $0xFFFFFFFF;
	(pc) =	sbr.abs _section_cstart, $3  }
0xc2: {  	[dreg:$0x1] =	wrdreg $0xFFFFFFFF  }
0xc3: {  	_ =	task.clear_ibuf [dreg:s7], $0x2FFFF;
	_ =	strace $0x9FFFFFFF  }
0xc4: {  	(tm) =	ssettm $0x7FFFFFFF  }
0xc5: {  	_ =	shalt  }
tec
execute0_lowered:
.L_overlay_start_1:
0x0: {  	(tag) =	ssettag $0x1  }
0x1: {  	s0 =	rddreg [dreg:$0x0]  }
0x2: {  	s1 =	rddreg [dreg:$0x1]  }
0x3: {  	s2 =	rddreg [dreg:$0x2];
	s10 =	stileid.u32  }
0x4: {  	s3 =	rddreg [dreg:$0x3];
	s6 =	smul.u32 $0x4F0, s10  }
0x5: {  	s5 =	srdreg.scid;
	s4 =	simm.s32 $0x0;
	s19 =	smul.u32 $0x28000, s10  }
0x6: {  	s29 =	simm.s32 $0x2;
	s30 =	simm.s32 $0x9E00;
	s21 =	smul.u32 $0x280, s10  }
0x7: {  	s31 =	simm.s32 $0xE600;
	s5 =	sand.u32 $0x1, s5;
	s22 =	smul.u32 $0xA000, s10  }
0x8: {  	[smem:$0x7FF] =	sst s4;
	s7 =	ssub.s32 $0x2, s5;
	s24 =	smul.u32 $0x140000, s5  }
0x9: {  	_ =	strace $0x80000047;
	s15 =	smul.u32 $0x27100, s5;
	s5 =	sshllo.u32 s5, $0x1  }
0xa: {  	s6 =	sadd.s32 s6, s1;
	s8 =	sshrl.u32 s7, $0x1;
	s1 =	sadd.s32 $0xF800, s1  }
0xb: {  	s23 =	sadd.s32 s21, s2;
	s10 =	sadd.s32 s22, s3;
	s16 =	smul.u32 $0xA0000, s5  }
0xc: {  	s5 =	smul.u32 $0x13880, s5;
	s7 =	ssub.s32 s7, s8;
	s9 =	sadd.s32 $0x5800, s6  }
0xd: {  	s20 =	sadd.s32 $0x800, s6;
	s6 =	sadd.s32 $0xA800, s6;
	[dreg:$0x8] =	wrdreg s23  }
0xe: {  	s8 =	sshrl.u32 s19, $0x2;
	s25 =	sadd.s32 s22, s24;
	[dreg:$0x5] =	wrdreg s9  }
0xf: {  	s15 =	sadd.s32 s0, s15;
	s26 =	sshrl.u32 s24, $0x3;
	[dreg:$0x6] =	wrdreg s20  }
0x10: {  	[dreg:$0x7] =	wrdreg s6;
	s9 =	sadd.s32 $0x9E00, s21;
	s8 =	sadd.s32 s8, s3  }
0x11: {  	s17 =	sadd.s32 s1, s26;
	s6 =	sadd.s32 s22, s16;
	s20 =	sadd.s32 s0, s5  }
0x12: {  	s24 =	sshrl.u32 s16, $0x3;
	s26 =	smax.u32 s7, $0x1;
	s0 =	simm.s32 $0x80  }
0x13: {  	[dreg:$0x9] =	wrdreg s9;
	s11 =	sadd.s32 $0x2000, s8;
	s12 =	sadd.s32 $0x4000, s8  }
0x14: {  	s13 =	sadd.s32 $0x6000, s8;
	s14 =	sadd.s32 $0x8000, s8;
	s8 =	sshrl.u32 s25, $0x3  }
0x15: {  	s9 =	sshrl.u32 s6, $0x3;
	[dreg:$0xf] =	wrdreg s26;
	s18 =	sadd.s32 s1, s8  }
0x16: {  	s5 =	simm.s32 $0x1;
	s22 =	sadd.s32 s1, s9;
	[dreg:$0xa] =	wrdreg s18  }
0x17: {  	s7 =	simm.s32 $0x0;
	s28 =	sadd.s32 $0x50000, s18;
	[dreg:$0xd] =	wrdreg s22  }
0x18: {  	s19 =	sadd.s32 $0x50000, s17;
	s21 =	sadd.s32 $0xA0000, s18;
	[dreg:$0xb] =	wrdreg s28  }
0x19: {  	s23 =	sadd.s32 s1, s24;
	s25 =	sadd.s32 $0x50000, s22;
	[dreg:$0xc] =	wrdreg s21  }
0x1a: {  	s6 =	simm.s32 $0x7680;
	[dreg:$0xe] =	wrdreg s25;
	s28 =	sadd.s32 $0xA0000, s22  }
0x1b: {  	v0 =	vimm.f32 $0.0e+00;
	s26 =	sadd.s32 $0x50000, s23;
	s1 =	simm.s32 $0xC600;
	[dreg:$0x10] =	wrdreg s28  }
.LBB2_1:
0x1c: {  	s8 =	rddreg [dreg:$0x5]  }
0x1d: {  	[tilespmem:s4], [sflag:$0x2] =	stream.linear.gather [hbm4b:s8+s4], $0x2780, $0x38;
	[tilespmem:$0x1A880] =	vst v63  }
0x1e: {  	_ =	swait.ge [sflag:s29], $0x2780  }
0x1f: {  	[sflag:s29] =	ssyncset.done $0x0  }
0x20: {  	s9 =	simm.s32 $0x2780;
	s24 =	rddreg [dreg:$0x6];
	[sflag:s29] =	ssyncadd.s32 $0xFFFFD880  }
0x21: {  	[tilespmem:s9], [sflag:$0x2] =	stream.linear.gather [hbm4b:s24+s4], $0x2780, $0x38;
	[tilespmem:$0x1A880] =	vst v63  }
0x22: {  	_ =	swait.ge [sflag:s29], $0x2780  }
0x23: {  	[sflag:s29] =	ssyncset.done $0x0  }
0x24: {  	s28 =	simm.s32 $0x4F00;
	s25 =	rddreg [dreg:$0x7];
	[sflag:s29] =	ssyncadd.s32 $0xFFFFD880  }
0x25: {  	[tilespmem:s28], [sflag:$0x2] =	stream.linear.gather [hbm4b:s25+s4], $0x2780, $0x38;
	[tilespmem:$0x1A880] =	vst v63  }
0x26: {  	_ =	swait.ge [sflag:s29], $0x2780  }
0x27: {  	[sflag:s29] =	ssyncset.done $0x0  }
0x28: {  	s8 =	simm.s32 $0x0;
	[sflag:s29] =	ssyncadd.s32 $0xFFFFD880  }
.LBB2_2:
0x29: {  	p0 =	sne.s32 s8, $0x9FC0  }
.Ltmp0:
0x2a: {  	_ = 	snop;
	(pc) =	sbr.rel @p0 .LBB2_2-.Ltmp0, $3  }
0x2b: {  	_ =	sdelay $0x1  }
0x2c: {  	s9 =	sshra.s32 s8, $0x2  }
0x2d: {  	s8 =	sadd.s32 $0x40, s8;
	[tilespmem:s9+$0x9E00] =	vst v0  }
0x2e: {  	s9 =	simm.s32 $0x100;
	s8 =	simm.s32 $0x0  }
.LBB2_4:
0x2f: {  	p0 =	sne.s32 s9, $0x7F00;
	[tilespmem:s8+$0xE630] =	vst v0;
	s16 =	smov.u32 s9;
	s9 =	sadd.s32 $0x100, s9  }
.Ltmp1:
0x30: {  	[tilespmem:s8+$0xE620] =	vst v0;
	(pc) =	sbr.rel @p0 .LBB2_4-.Ltmp1, $3  }
0x31: {  	[tilespmem:s8+$0xE600] =	vst v0  }
0x32: {  	[tilespmem:s8+$0xE610] =	vst v0;
	_ =	sdelay $0x1  }
0x33: {  	s8 =	sshra.s32 s16, $0x2  }
0x34: {  	[tilespmem:s8+$0xE630] =	vst v0  }
0x35: {  	[tilespmem:s8+$0xE620] =	vst v0  }
0x36: {  	[tilespmem:s8+$0xE600] =	vst v0;
	s24 =	rddreg [dreg:$0x8]  }
0x37: {  	[tilespmem:s8+$0xE610] =	vst v0;
	s9 =	rddreg [dreg:$0x9]  }
0x38: {  	[spmem:s24] =	stream.linear.scatter [tilespmem:s9], [sflag:$0x2], $0x280, $0x38;
	[tilespmem:$0x1A880] =	vst v63  }
0x39: {  	_ =	swait.ge [sflag:s29], $0x280  }
0x3a: {  	[sflag:s29] =	ssyncset.done $0x0  }
0x3b: {  	[sflag:s29] =	ssyncadd.s32 $0xFFFFFD80  }
0x3c: {  	s25 =	simm.s32 $0x4F00;
	s28 =	simm.s32 $0x2780;
	[bflag:$0x0] =	sbarrier.arrive $0xFFFF  }
0x3d: {  	[spmem:s2] =	stream.indirect.scatter.add.f32 [tilespmem:s25], [sflag:$0x2], $0x1, s28, s0, $0xb8;
	[tilespmem:$0x1A880] =	vst v63  }
0x3e: {  	s8 =	simm.s32 $0x200;
	_ =	swait.ge [sflag:s29], $0x80  }
.LBB2_6:
0x3f: {  	s9 =	sshra.s32 s8, $0x2  }
0x40: {  	[sflag:s29] =	ssyncset.done $0x0;
	p0 =	sne.s32 s8, $0x9C00;
	s16 =	sadd.s32 $0x4F00, s9  }
.Ltmp2:
0x41: {  	s9 =	sadd.s32 $0x2780, s9;
	[sflag:s29] =	ssyncadd.s32 $0xFFFFFF80;
	(pc) =	sbr.rel @p0 .LBB2_6-.Ltmp2, $3  }
0x42: {  	[spmem:s2] =	stream.indirect.scatter.add.f32 [tilespmem:s16], [sflag:$0x2], $0x1, s9, s0, $0xb8;
	[tilespmem:$0x1A880] =	vst v63  }
0x43: {  	s8 =	sadd.s32 $0x200, s8;
	_ =	sdelay $0x1  }
0x44: {  	_ =	swait.ge [sflag:s29], $0x80  }
0x45: {  	[sflag:s29] =	ssyncset.done $0x0  }
0x46: {  	[sflag:s29] =	ssyncadd.s32 $0xFFFFFF80  }
0x47: {  	[bflag:$0x0] =	sbarrier.arrive $0xFFFF  }
0x48: {  	[tilespmem:s30], [sflag:$0x2] =	stream.linear.gather [spmem:s2], $0x2800, $0x38;
	[tilespmem:$0x1A880] =	vst v63  }
0x49: {  	_ =	swait.ge [sflag:s29], $0x2800  }
0x4a: {  	[sflag:s29] =	ssyncset.done $0x0  }
0x4b: {  	s8 =	simm.s32 $0x0;
	s9 =	simm.s32 $0x40;
	[sflag:s29] =	ssyncadd.s32 $0xFFFFD800  }
.LBB2_8:
0x4c: {  	p0 =	sne.s32 s9, $0x9FC0;
	v1 =	vld [tilespmem:s8+$0x9E00];
	_ =	sdelay $0x4  }
0x4d: {  	v2 =	vshra.s32 v1, $0x1;
	v3 =	vmul.f32 $5.000000000e-01, v1  }
0x4e: {  	v2 =	vsub.s32 $0x5F3759DF, v2  }
0x4f: {  	v4 =	vmul.f32 v2, v3;
	_ =	sdelay $0x1  }
0x50: {  	v4 =	vmul.f32 v2, v4;
	_ =	sdelay $0x1  }
0x51: {  	v4 =	vsub.f32 $1.500000000e+00, v4;
	_ =	sdelay $0x1  }
0x52: {  	v2 =	vmul.f32 v2, v4;
	_ =	sdelay $0x1  }
0x53: {  	v4 =	vmul.f32 v2, v3;
	_ =	sdelay $0x1  }
0x54: {  	v4 =	vmul.f32 v4, v2;
	_ =	sdelay $0x1  }
0x55: {  	v4 =	vsub.f32 $1.500000000e+00, v4;
	_ =	sdelay $0x1  }
0x56: {  	v2 =	vmul.f32 v4, v2;
	_ =	sdelay $0x1  }
0x57: {  	v3 =	vmul.f32 v2, v3;
	_ =	sdelay $0x1  }
0x58: {  	v3 =	vmul.f32 v3, v2;
	_ =	sdelay $0x1  }
0x59: {  	v3 =	vsub.f32 $1.500000000e+00, v3  }
.Ltmp3:
0x5a: {  	(pc) =	sbr.rel @p0 .LBB2_8-.Ltmp3, $4  }
0x5b: {  	v2 =	vmul.f32 v3, v2  }
0x5c: {  	vm0 =	vgt.f32 v1, $0.0e+00  }
0x5d: {  	v1 =	vnsel vm0, $0x0, v2  }
0x5e: {  	[tilespmem:s8+$0x9E00] =	vst v1;
	s8 =	sshra.s32 s9, $0x2;
	s9 =	sadd.s32 $0x40, s9  }
0x5f: {  	v1 =	vld [tilespmem:s8+$0x9E00];
	_ =	sdelay $0x4  }
0x60: {  	v2 =	vshra.s32 v1, $0x1;
	v3 =	vmul.f32 $5.000000000e-01, v1  }
0x61: {  	v2 =	vsub.s32 $0x5F3759DF, v2  }
0x62: {  	v4 =	vmul.f32 v2, v3;
	_ =	sdelay $0x1  }
0x63: {  	v4 =	vmul.f32 v2, v4;
	_ =	sdelay $0x1  }
0x64: {  	v4 =	vsub.f32 $1.500000000e+00, v4;
	_ =	sdelay $0x1  }
0x65: {  	v2 =	vmul.f32 v2, v4;
	_ =	sdelay $0x1  }
0x66: {  	v4 =	vmul.f32 v2, v3;
	_ =	sdelay $0x1  }
0x67: {  	v4 =	vmul.f32 v4, v2;
	_ =	sdelay $0x1  }
0x68: {  	v4 =	vsub.f32 $1.500000000e+00, v4;
	_ =	sdelay $0x1  }
0x69: {  	v2 =	vmul.f32 v4, v2;
	_ =	sdelay $0x1  }
0x6a: {  	v3 =	vmul.f32 v2, v3;
	_ =	sdelay $0x1  }
0x6b: {  	v3 =	vmul.f32 v3, v2;
	_ =	sdelay $0x1  }
0x6c: {  	v3 =	vsub.f32 $1.500000000e+00, v3;
	_ =	sdelay $0x1  }
0x6d: {  	v2 =	vmul.f32 v3, v2  }
0x6e: {  	vm0 =	vgt.f32 v1, $0.0e+00  }
0x6f: {  	v1 =	vnsel vm0, $0x0, v2  }
0x70: {  	[tilespmem:s8+$0x9E00] =	vst v1;
	s8 =	simm.s32 $0x0  }
0x71: {  	v1 =	vld [tilespmem:s8+$0x0];
	_ =	sdelay $0x1  }
0x72: {  	v2 =	vld [tilespmem:s8+$0x2780];
	_ =	sdelay $0x4  }
0x73: {  	v3 =	vld [tilespmem:s8+$0x4F00]  }
0x74: {  	v1 =	vld.idx.msk [tilespmem:v1+s30+$0x0], $0xffff  }
0x75: {  	v4 =	vld [tilespmem:s8+$0x10]  }
0x76: {  	v2 =	vld.idx.msk [tilespmem:v2+s30+$0x0], $0xffff  }
0x77: {  	v5 =	vld [tilespmem:s8+$0x2790];
	_ =	sdelay $0x1  }
0x78: {  	v1 =	vmul.f32 v1, v3;
	_ =	sdelay $0x1  }
0x79: {  	v1 =	vmul.f32 v2, v1;
	_ =	sdelay $0x1  }
0x7a: {  	v2 =	vld [tilespmem:s8+$0x4F10];
	[tilespmem:s8+$0x7680] =	vst v1  }
0x7b: {  	v1 =	vld.idx.msk [tilespmem:v4+s30+$0x0], $0xffff  }
0x7c: {  	v3 =	vld.idx.msk [tilespmem:v5+s30+$0x0], $0xffff  }
0x7d: {  	v4 =	vld [tilespmem:s8+$0x20]  }
0x7e: {  	v5 =	vld [tilespmem:s8+$0x27A0];
	_ =	sdelay $0x1  }
0x7f: {  	v1 =	vmul.f32 v1, v2;
	_ =	sdelay $0x1  }
0x80: {  	v1 =	vmul.f32 v3, v1;
	_ =	sdelay $0x1  }
0x81: {  	v2 =	vld [tilespmem:s8+$0x4F20];
	[tilespmem:s8+$0x7690] =	vst v1  }
0x82: {  	v1 =	vld.idx.msk [tilespmem:v4+s30+$0x0], $0xffff  }
0x83: {  	v3 =	vld.idx.msk [tilespmem:v5+s30+$0x0], $0xffff  }
0x84: {  	v4 =	vld [tilespmem:s8+$0x30]  }
0x85: {  	v5 =	vld [tilespmem:s8+$0x27B0];
	_ =	sdelay $0x1  }
0x86: {  	v1 =	vmul.f32 v1, v2;
	_ =	sdelay $0x1  }
0x87: {  	v1 =	vmul.f32 v3, v1;
	_ =	sdelay $0x1  }
0x88: {  	v2 =	vld [tilespmem:s8+$0x4F30];
	[tilespmem:s8+$0x76A0] =	vst v1  }
0x89: {  	v1 =	vld.idx.msk [tilespmem:v4+s30+$0x0], $0xffff  }
0x8a: {  	v3 =	vld.idx.msk [tilespmem:v5+s30+$0x0], $0xffff  }
0x8b: {  	v4 =	vld [tilespmem:s8+$0x40]  }
0x8c: {  	v5 =	vld [tilespmem:s8+$0x27C0];
	_ =	sdelay $0x1  }
0x8d: {  	v1 =	vmul.f32 v1, v2;
	_ =	sdelay $0x1  }
0x8e: {  	v1 =	vmul.f32 v3, v1;
	_ =	sdelay $0x1  }
0x8f: {  	v2 =	vld [tilespmem:s8+$0x4F40];
	[tilespmem:s8+$0x76B0] =	vst v1  }
0x90: {  	v1 =	vld.idx.msk [tilespmem:v4+s30+$0x0], $0xffff  }
0x91: {  	v3 =	vld.idx.msk [tilespmem:v5+s30+$0x0], $0xffff  }
0x92: {  	v4 =	vld [tilespmem:s8+$0x50]  }
0x93: {  	v5 =	vld [tilespmem:s8+$0x27D0];
	_ =	sdelay $0x1  }
0x94: {  	v1 =	vmul.f32 v1, v2;
	_ =	sdelay $0x1  }
0x95: {  	v1 =	vmul.f32 v3, v1;
	_ =	sdelay $0x1  }
0x96: {  	[tilespmem:s8+$0x76C0] =	vst v1;
	v1 =	vld [tilespmem:s8+$0x4F50]  }
0x97: {  	v2 =	vld.idx.msk [tilespmem:v4+s30+$0x0], $0xffff  }
0x98: {  	v3 =	vld.idx.msk [tilespmem:v5+s30+$0x0], $0xffff  }
0x99: {  	v4 =	vld [tilespmem:s8+$0x60]  }
0x9a: {  	v5 =	vld [tilespmem:s8+$0x27E0];
	_ =	sdelay $0x1  }
0x9b: {  	v1 =	vmul.f32 v2, v1;
	_ =	sdelay $0x1  }
0x9c: {  	v1 =	vmul.f32 v3, v1;
	_ =	sdelay $0x1  }
0x9d: {  	[tilespmem:s8+$0x76D0] =	vst v1;
	v1 =	vld [tilespmem:s8+$0x4F60]  }
0x9e: {  	v2 =	vld.idx.msk [tilespmem:v4+s30+$0x0], $0xffff  }
0x9f: {  	v3 =	vld.idx.msk [tilespmem:v5+s30+$0x0], $0xffff  }
0xa0: {  	v4 =	vld [tilespmem:s8+$0x70];
	_ =	sdelay $0x2  }
0xa1: {  	v1 =	vmul.f32 v2, v1  }
0xa2: {  	v5 =	vld [tilespmem:s8+$0x27F0]  }
0xa3: {  	v1 =	vmul.f32 v3, v1;
	_ =	sdelay $0x1  }
0xa4: {  	[tilespmem:s8+$0x76E0] =	vst v1;
	v1 =	vld [tilespmem:s8+$0x4F70]  }
0xa5: {  	v2 =	vld.idx.msk [tilespmem:v4+s30+$0x0], $0xffff;
	_ =	sdelay $0x3  }
0xa6: {  	s21 =	simm.s32 $0x80;
	v3 =	vld.idx.msk [tilespmem:v5+s30+$0x0], $0xffff  }
0xa7: {  	v4 =	vmul.f32 v2, v1;
	v2 =	vld [tilespmem:s21+$0x0];
	_ =	sdelay $0x1  }
0xa8: {  	v1 =	vld [tilespmem:s21+$0x2780];
	_ =	sdelay $0x2  }
0xa9: {  	s9 =	simm.s32 $0x400;
	v3 =	vmul.f32 v3, v4  }
.LBB2_10:
0xaa: {  	_ = 	snop  }
0xab: {  	p0 =	sne.s32 s9, $0x9C00;
	s18 =	smov.u32 s9;
	s9 =	sadd.s32 $0x200, s9;
	[tilespmem:s8+$0x76F0] =	vst v3  }
0xac: {  	s8 =	smov.u32 s21;
	v2 =	vld.idx.msk [tilespmem:v2+s30+$0x0], $0xffff  }
0xad: {  	v3 =	vld [tilespmem:s8+$0x4F00]  }
0xae: {  	v1 =	vld.idx.msk [tilespmem:v1+s30+$0x0], $0xffff  }
0xaf: {  	v4 =	vld [tilespmem:s8+$0x10];
	_ =	sdelay $0x1  }
0xb0: {  	v5 =	vld [tilespmem:s8+$0x2790]  }
0xb1: {  	v2 =	vmul.f32 v2, v3;
	_ =	sdelay $0x1  }
0xb2: {  	v1 =	vmul.f32 v1, v2;
	_ =	sdelay $0x1  }
0xb3: {  	[tilespmem:s8+$0x7680] =	vst v1  }
0xb4: {  	v1 =	vld.idx.msk [tilespmem:v4+s30+$0x0], $0xffff  }
0xb5: {  	v2 =	vld [tilespmem:s8+$0x4F10]  }
0xb6: {  	v3 =	vld.idx.msk [tilespmem:v5+s30+$0x0], $0xffff  }
0xb7: {  	v4 =	vld [tilespmem:s8+$0x20];
	_ =	sdelay $0x1  }
0xb8: {  	v5 =	vld [tilespmem:s8+$0x27A0]  }
0xb9: {  	v1 =	vmul.f32 v1, v2;
	_ =	sdelay $0x1  }
0xba: {  	v1 =	vmul.f32 v3, v1;
	_ =	sdelay $0x1  }
0xbb: {  	[tilespmem:s8+$0x7690] =	vst v1  }
0xbc: {  	v1 =	vld.idx.msk [tilespmem:v4+s30+$0x0], $0xffff  }
0xbd: {  	v2 =	vld [tilespmem:s8+$0x4F20]  }
0xbe: {  	v3 =	vld.idx.msk [tilespmem:v5+s30+$0x0], $0xffff  }
0xbf: {  	v4 =	vld [tilespmem:s8+$0x30];
	_ =	sdelay $0x1  }
0xc0: {  	v5 =	vld [tilespmem:s8+$0x27B0]  }
0xc1: {  	v1 =	vmul.f32 v1, v2;
	_ =	sdelay $0x1  }
0xc2: {  	v1 =	vmul.f32 v3, v1;
	_ =	sdelay $0x1  }
0xc3: {  	[tilespmem:s8+$0x76A0] =	vst v1  }
0xc4: {  	v1 =	vld.idx.msk [tilespmem:v4+s30+$0x0], $0xffff  }
0xc5: {  	v2 =	vld [tilespmem:s8+$0x4F30]  }
0xc6: {  	v3 =	vld.idx.msk [tilespmem:v5+s30+$0x0], $0xffff  }
0xc7: {  	v4 =	vld [tilespmem:s8+$0x40];
	_ =	sdelay $0x1  }
0xc8: {  	v5 =	vld [tilespmem:s8+$0x27C0]  }
0xc9: {  	v1 =	vmul.f32 v1, v2;
	_ =	sdelay $0x1  }
0xca: {  	v1 =	vmul.f32 v3, v1;
	_ =	sdelay $0x1  }
0xcb: {  	[tilespmem:s8+$0x76B0] =	vst v1  }
0xcc: {  	v1 =	vld.idx.msk [tilespmem:v4+s30+$0x0], $0xffff  }
0xcd: {  	v2 =	vld [tilespmem:s8+$0x4F40]  }
0xce: {  	v3 =	vld.idx.msk [tilespmem:v5+s30+$0x0], $0xffff  }
0xcf: {  	v4 =	vld [tilespmem:s8+$0x50]  }
0xd0: {  	v5 =	vld [tilespmem:s8+$0x27D0];
	_ =	sdelay $0x1  }
0xd1: {  	v1 =	vmul.f32 v1, v2;
	_ =	sdelay $0x1  }
0xd2: {  	v1 =	vmul.f32 v3, v1;
	_ =	sdelay $0x1  }
0xd3: {  	[tilespmem:s8+$0x76C0] =	vst v1;
	v1 =	vld [tilespmem:s8+$0x4F50]  }
0xd4: {  	v2 =	vld.idx.msk [tilespmem:v4+s30+$0x0], $0xffff  }
0xd5: {  	v3 =	vld.idx.msk [tilespmem:v5+s30+$0x0], $0xffff;
	_ =	sdelay $0x1  }
0xd6: {  	v4 =	vld [tilespmem:s8+$0x60]  }
0xd7: {  	v5 =	vld [tilespmem:s8+$0x27E0];
	_ =	sdelay $0x1  }
0xd8: {  	v1 =	vmul.f32 v2, v1;
	_ =	sdelay $0x1  }
0xd9: {  	v1 =	vmul.f32 v3, v1;
	_ =	sdelay $0x1  }
0xda: {  	[tilespmem:s8+$0x76D0] =	vst v1;
	v1 =	vld [tilespmem:s8+$0x4F60]  }
0xdb: {  	v2 =	vld.idx.msk [tilespmem:v4+s30+$0x0], $0xffff  }
0xdc: {  	v3 =	vld.idx.msk [tilespmem:v5+s30+$0x0], $0xffff;
	_ =	sdelay $0x1  }
0xdd: {  	v4 =	vld [tilespmem:s8+$0x70]  }
0xde: {  	v5 =	vld [tilespmem:s8+$0x27F0];
	_ =	sdelay $0x1  }
0xdf: {  	v1 =	vmul.f32 v2, v1;
	_ =	sdelay $0x1  }
0xe0: {  	v1 =	vmul.f32 v3, v1;
	_ =	sdelay $0x1  }
0xe1: {  	[tilespmem:s8+$0x76E0] =	vst v1;
	v3 =	vld [tilespmem:s8+$0x4F70]  }
0xe2: {  	v4 =	vld.idx.msk [tilespmem:v4+s30+$0x0], $0xffff  }
0xe3: {  	v5 =	vld.idx.msk [tilespmem:v5+s30+$0x0], $0xffff  }
0xe4: {  	s21 =	sshra.s32 s18, $0x2  }
0xe5: {  	v2 =	vld [tilespmem:s21+$0x0]  }
.Ltmp4:
0xe6: {  	v1 =	vld [tilespmem:s21+$0x2780];
	(pc) =	sbr.rel @p0 .LBB2_10-.Ltmp4, $3  }
0xe7: {  	_ = 	snop  }
0xe8: {  	v3 =	vmul.f32 v4, v3;
	_ =	sdelay $0x1  }
0xe9: {  	v3 =	vmul.f32 v5, v3  }
0xea: {  	_ =	sdelay $0x2  }
0xeb: {  	[tilespmem:s8+$0x76F0] =	vst v3  }
0xec: {  	v2 =	vld.idx.msk [tilespmem:v2+s30+$0x0], $0xffff  }
0xed: {  	v3 =	vld [tilespmem:s21+$0x4F00]  }
0xee: {  	v1 =	vld.idx.msk [tilespmem:v1+s30+$0x0], $0xffff  }
0xef: {  	v4 =	vld [tilespmem:s21+$0x10];
	_ =	sdelay $0x1  }
0xf0: {  	v5 =	vld [tilespmem:s21+$0x2790]  }
0xf1: {  	v2 =	vmul.f32 v2, v3;
	_ =	sdelay $0x1  }
0xf2: {  	v1 =	vmul.f32 v1, v2;
	_ =	sdelay $0x1  }
0xf3: {  	v2 =	vld [tilespmem:s21+$0x4F10];
	[tilespmem:s21+$0x7680] =	vst v1  }
0xf4: {  	v1 =	vld.idx.msk [tilespmem:v4+s30+$0x0], $0xffff  }
0xf5: {  	v52 =	vld [tilespmem:s21+$0x20]  }
0xf6: {  	v3 =	vld.idx.msk [tilespmem:v5+s30+$0x0], $0xffff;
	_ =	sdelay $0x1  }
0xf7: {  	v53 =	vld [tilespmem:s21+$0x27A0]  }
0xf8: {  	v1 =	vmul.f32 v1, v2;
	_ =	sdelay $0x1  }
0xf9: {  	v1 =	vmul.f32 v3, v1;
	_ =	sdelay $0x1  }
0xfa: {  	v2 =	vld [tilespmem:s21+$0x4F20];
	[tilespmem:s21+$0x7690] =	vst v1  }
0xfb: {  	v1 =	vld.idx.msk [tilespmem:v52+s30+$0x0], $0xffff  }
0xfc: {  	v54 =	vld [tilespmem:s21+$0x30]  }
0xfd: {  	v3 =	vld.idx.msk [tilespmem:v53+s30+$0x0], $0xffff;
	_ =	sdelay $0x1  }
0xfe: {  	v55 =	vld [tilespmem:s21+$0x27B0]  }
0xff: {  	v1 =	vmul.f32 v1, v2;
	_ =	sdelay $0x1  }
0x100: {  	v1 =	vmul.f32 v3, v1;
	_ =	sdelay $0x1  }
0x101: {  	v2 =	vld [tilespmem:s21+$0x4F30];
	[tilespmem:s21+$0x76A0] =	vst v1  }
0x102: {  	v1 =	vld.idx.msk [tilespmem:v54+s30+$0x0], $0xffff  }
0x103: {  	v56 =	vld [tilespmem:s21+$0x40]  }
0x104: {  	v3 =	vld.idx.msk [tilespmem:v55+s30+$0x0], $0xffff;
	_ =	sdelay $0x1  }
0x105: {  	v57 =	vld [tilespmem:s21+$0x27C0]  }
0x106: {  	v1 =	vmul.f32 v1, v2;
	_ =	sdelay $0x1  }
0x107: {  	v1 =	vmul.f32 v3, v1;
	_ =	sdelay $0x1  }
0x108: {  	v2 =	vld [tilespmem:s21+$0x4F40];
	[tilespmem:s21+$0x76B0] =	vst v1  }
0x109: {  	v1 =	vld.idx.msk [tilespmem:v56+s30+$0x0], $0xffff  }
0x10a: {  	v58 =	vld [tilespmem:s21+$0x50]  }
0x10b: {  	v3 =	vld.idx.msk [tilespmem:v57+s30+$0x0], $0xffff;
	_ =	sdelay $0x1  }
0x10c: {  	v59 =	vld [tilespmem:s21+$0x27D0]  }
0x10d: {  	v1 =	vmul.f32 v1, v2;
	_ =	sdelay $0x1  }
0x10e: {  	v1 =	vmul.f32 v3, v1;
	_ =	sdelay $0x1  }
0x10f: {  	[tilespmem:s21+$0x76C0] =	vst v1;
	v1 =	vld [tilespmem:s21+$0x4F50]  }
0x110: {  	v2 =	vld.idx.msk [tilespmem:v58+s30+$0x0], $0xffff  }
0x111: {  	v60 =	vld [tilespmem:s21+$0x60]  }
0x112: {  	v3 =	vld.idx.msk [tilespmem:v59+s30+$0x0], $0xffff;
	_ =	sdelay $0x1  }
0x113: {  	v61 =	vld [tilespmem:s21+$0x27E0]  }
0x114: {  	v1 =	vmul.f32 v2, v1;
	_ =	sdelay $0x1  }
0x115: {  	v1 =	vmul.f32 v3, v1;
	_ =	sdelay $0x1  }
0x116: {  	[tilespmem:s21+$0x76D0] =	vst v1;
	v1 =	vld [tilespmem:s21+$0x4F60]  }
0x117: {  	v2 =	vld.idx.msk [tilespmem:v60+s30+$0x0], $0xffff  }
0x118: {  	v62 =	vld [tilespmem:s21+$0x70]  }
0x119: {  	v3 =	vld.idx.msk [tilespmem:v61+s30+$0x0], $0xffff;
	_ =	sdelay $0x1  }
0x11a: {  	v63 =	vld [tilespmem:s21+$0x27F0]  }
0x11b: {  	v1 =	vmul.f32 v2, v1;
	_ =	sdelay $0x1  }
0x11c: {  	v1 =	vmul.f32 v3, v1;
	_ =	sdelay $0x1  }
0x11d: {  	[tilespmem:s21+$0x76E0] =	vst v1;
	v1 =	vld [tilespmem:s21+$0x4F70]  }
0x11e: {  	v2 =	vld.idx.msk [tilespmem:v62+s30+$0x0], $0xffff;
	_ =	sdelay $0x1  }
0x11f: {  	v3 =	vld.idx.msk [tilespmem:v63+s30+$0x0], $0xffff;
	_ =	sdelay $0x2  }
0x120: {  	v1 =	vmul.f32 v2, v1;
	_ =	sdelay $0x1  }
0x121: {  	v1 =	vmul.f32 v3, v1;
	_ =	sdelay $0x1  }
0x122: {  	[tilespmem:s21+$0x76F0] =	vst v1  }
0x123: {  	[spmem:s10] =	stream.linear.scatter [tilespmem:s31], [sflag:$0x2], $0x2000, $0x38;
	[tilespmem:$0x1A880] =	vst v63  }
0x124: {  	_ =	swait.ge [sflag:s29], $0x2000  }
0x125: {  	[sflag:s29] =	ssyncset.done $0x0  }
0x126: {  	[sflag:s29] =	ssyncadd.s32 $0xFFFFE000  }
0x127: {  	[spmem:s11] =	stream.linear.scatter [tilespmem:s31], [sflag:$0x2], $0x2000, $0x38;
	[tilespmem:$0x1A880] =	vst v63  }
0x128: {  	_ =	swait.ge [sflag:s29], $0x2000  }
0x129: {  	[sflag:s29] =	ssyncset.done $0x0  }
0x12a: {  	[sflag:s29] =	ssyncadd.s32 $0xFFFFE000  }
0x12b: {  	[spmem:s12] =	stream.linear.scatter [tilespmem:s31], [sflag:$0x2], $0x2000, $0x38;
	[tilespmem:$0x1A880] =	vst v63  }
0x12c: {  	_ =	swait.ge [sflag:s29], $0x2000  }
0x12d: {  	[sflag:s29] =	ssyncset.done $0x0  }
0x12e: {  	[sflag:s29] =	ssyncadd.s32 $0xFFFFE000  }
0x12f: {  	[spmem:s13] =	stream.linear.scatter [tilespmem:s31], [sflag:$0x2], $0x2000, $0x38;
	[tilespmem:$0x1A880] =	vst v63  }
0x130: {  	_ =	swait.ge [sflag:s29], $0x2000  }
0x131: {  	[sflag:s29] =	ssyncset.done $0x0  }
0x132: {  	[sflag:s29] =	ssyncadd.s32 $0xFFFFE000  }
0x133: {  	[spmem:s14] =	stream.linear.scatter [tilespmem:s31], [sflag:$0x2], $0x2000, $0x38;
	[tilespmem:$0x1A880] =	vst v63  }
0x134: {  	_ =	swait.ge [sflag:s29], $0x2000  }
0x135: {  	[sflag:s29] =	ssyncset.done $0x0  }
0x136: {  	[sflag:s29] =	ssyncadd.s32 $0xFFFFE000  }
0x137: {  	s9 =	simm.s32 $0x0;
	s8 =	simm.s32 $0x0;
	[bflag:$0x0] =	sbarrier.arrive $0xFFFF  }
.LBB2_12:
0x138: {  	s18 =	sshll.u32 s9, $0x7;
	v2 =	vmov s8  }
0x139: {  	v1 =	vmov s18;
	v2 =	vand.u32 $0x7F, v2  }
0x13a: {  	v2 =	vor.u32 v1, v2  }
0x13b: {  	v2 =	vbroadcast v2, $0x0  }
0x13c: {  	[tilespmem:s1], [sflag:$0x1] =	stream.indirect.gather [hbm4b:s15+s0], $0x40, s18, s0, $0xb8;
	[tilespmem:$0x1A880] =	vst v63  }
0x13d: {  	_ =	swait.ge [sflag:s5], $0x2000  }
0x13e: {  	[sflag:s5] =	ssyncset.done $0x0  }
0x13f: {  	s21 =	simm.s32 $0xC620;
	[sflag:s5] =	ssyncadd.s32 $0xFFFFE000  }
0x140: {  	v5 =	vld [tilespmem:s21+$0x10]  }
0x141: {  	v3 =	vld.idx.msk [tilespmem:v2+s6+$0x0], $0xffff;
	_ =	sdelay $0x1  }
0x142: {  	v4 =	vld [tilespmem:s21+$0xFFFFFFF0]  }
0x143: {  	s16 =	simm.s32 $0x1;
	v7 =	vld [tilespmem:s21+$0x0]  }
0x144: {  	v2 =	vmov s16  }
0x145: {  	v2 =	vand.u32 $0x7F, v2;
	v6 =	vmul.f32 v5, v3;
	v5 =	vld [tilespmem:s21+$0xFFFFFFE0]  }
0x146: {  	v2 =	vor.u32 v1, v2  }
0x147: {  	v2 =	vbroadcast v2, $0x0  }
0x148: {  	s25 =	simm.s32 $0x2;
	s24 =	simm.s32 $0xC620;
	v4 =	vmul.f32 v4, v3;
	v7 =	vmul.f32 v7, v3  }
.LBB2_13:
0x149: {  	p0 =	sne.s32 s25, $0x7F  }
0x14a: {  	v3 =	vmul.f32 v5, v3;
	[tilespmem:s21+$0x10] =	vst v6;
	s24 =	sadd.s32 $0x40, s24;
	s16 =	smov.u32 s25;
	s25 =	sadd.s32 $0x1, s25  }
0x14b: {  	[tilespmem:s21+$0x0] =	vst v7  }
0x14c: {  	[tilespmem:s21+$0xFFFFFFE0] =	vst v3  }
0x14d: {  	v7 =	vld [tilespmem:s24+$0xFFFFFFF0];
	[tilespmem:s21+$0xFFFFFFF0] =	vst v4;
	s21 =	smov.u32 s24  }
0x14e: {  	v3 =	vld.idx.msk [tilespmem:v2+s6+$0x0], $0xffff  }
0x14f: {  	v4 =	vld [tilespmem:s24+$0x10]  }
0x150: {  	v8 =	vld [tilespmem:s24+$0x0]  }
.Ltmp5:
0x151: {  	v2 =	vmov s16;
	v5 =	vld [tilespmem:s24+$0xFFFFFFE0];
	(pc) =	sbr.rel @p0 .LBB2_13-.Ltmp5, $4  }
0x152: {  	v2 =	vand.u32 $0x7F, v2  }
0x153: {  	v2 =	vor.u32 v1, v2  }
0x154: {  	v2 =	vbroadcast v2, $0x0;
	v6 =	vmul.f32 v4, v3  }
0x155: {  	v4 =	vmul.f32 v7, v3;
	v7 =	vmul.f32 v8, v3  }
0x156: {  	v1 =	vmul.f32 v5, v3;
	[tilespmem:s21+$0x10] =	vst v6  }
0x157: {  	[tilespmem:s21+$0x0] =	vst v7  }
0x158: {  	s16 =	sadd.s32 $0x40, s24;
	[tilespmem:s21+$0xFFFFFFE0] =	vst v1  }
0x159: {  	v1 =	vld [tilespmem:s16+$0xFFFFFFF0];
	[tilespmem:s21+$0xFFFFFFF0] =	vst v4  }
0x15a: {  	v2 =	vld.idx.msk [tilespmem:v2+s6+$0x0], $0xffff  }
0x15b: {  	v3 =	vld [tilespmem:s16+$0x10]  }
0x15c: {  	v4 =	vld [tilespmem:s16+$0x0]  }
0x15d: {  	v63 =	vld [tilespmem:s16+$0xFFFFFFE0];
	_ =	sdelay $0x2  }
0x15e: {  	v3 =	vmul.f32 v3, v2  }
0x15f: {  	v4 =	vmul.f32 v4, v2  }
0x160: {  	v5 =	vmul.f32 v63, v2;
	[tilespmem:s16+$0x10] =	vst v3  }
0x161: {  	s9 =	sadd.s32 $0x1, s9;
	v1 =	vmul.f32 v1, v2;
	[tilespmem:s16+$0x0] =	vst v4  }
0x162: {  	p0 =	sne.s32 s9, $0x4F;
	[tilespmem:s16+$0xFFFFFFE0] =	vst v5  }
.Ltmp6:
0x163: {  	s28 =	sadd.s32 $0x2780, s18;
	[tilespmem:s16+$0xFFFFFFF0] =	vst v1;
	(pc) =	sbr.rel @p0 .LBB2_12-.Ltmp6, $4  }
0x164: {  	[spmem:s3] =	stream.indirect.scatter.add.f32 [tilespmem:s1], [sflag:$0x2], $0x40, s28, s0, $0xb8;
	[tilespmem:$0x1A880] =	vst v63  }
0x165: {  	_ =	swait.ge [sflag:s29], $0x2000  }
0x166: {  	[sflag:s29] =	ssyncset.done $0x0  }
0x167: {  	[sflag:s29] =	ssyncadd.s32 $0xFFFFE000  }
0x168: {  	s8 =	stileid.u32  }
0x169: {  	[bflag:$0x0] =	sbarrier.arrive $0xFFFF;
	s8 =	sshll.u32 s8, $0x6  }
0x16a: {  	s9 =	sshrl.u32 s10, $0x3;
	s16 =	rddreg [dreg:$0xa];
	s8 =	sor.u32 $0x1C02, s8  }
0x16b: {  	[hbm:s16], [sflag:s8] =	dma.local [spmem:s9], $0x1400  }
0x16c: {  	_ =	swait.ge [sflag:s29], $0x1400  }
0x16d: {  	[sflag:s29] =	ssyncset.done $0x0  }
0x16e: {  	[sflag:s29] =	ssyncadd.s32 $0xFFFFEC00  }
0x16f: {  	[bflag:$0x0] =	sbarrier.arrive $0xFFFF  }
0x170: {  	[spmem:s10] =	stream.linear.scatter [tilespmem:s31], [sflag:$0x2], $0x2000, $0x38;
	[tilespmem:$0x1A880] =	vst v63  }
0x171: {  	_ =	swait.ge [sflag:s29], $0x2000  }
0x172: {  	[sflag:s29] =	ssyncset.done $0x0  }
0x173: {  	[sflag:s29] =	ssyncadd.s32 $0xFFFFE000  }
0x174: {  	[spmem:s11] =	stream.linear.scatter [tilespmem:s31], [sflag:$0x2], $0x2000, $0x38;
	[tilespmem:$0x1A880] =	vst v63  }
0x175: {  	_ =	swait.ge [sflag:s29], $0x2000  }
0x176: {  	[sflag:s29] =	ssyncset.done $0x0  }
0x177: {  	[sflag:s29] =	ssyncadd.s32 $0xFFFFE000  }
0x178: {  	[spmem:s12] =	stream.linear.scatter [tilespmem:s31], [sflag:$0x2], $0x2000, $0x38;
	[tilespmem:$0x1A880] =	vst v63  }
0x179: {  	_ =	swait.ge [sflag:s29], $0x2000  }
0x17a: {  	[sflag:s29] =	ssyncset.done $0x0  }
0x17b: {  	[sflag:s29] =	ssyncadd.s32 $0xFFFFE000  }
0x17c: {  	[spmem:s13] =	stream.linear.scatter [tilespmem:s31], [sflag:$0x2], $0x2000, $0x38;
	[tilespmem:$0x1A880] =	vst v63  }
0x17d: {  	_ =	swait.ge [sflag:s29], $0x2000  }
0x17e: {  	[sflag:s29] =	ssyncset.done $0x0  }
0x17f: {  	[sflag:s29] =	ssyncadd.s32 $0xFFFFE000  }
0x180: {  	[spmem:s14] =	stream.linear.scatter [tilespmem:s31], [sflag:$0x2], $0x2000, $0x38;
	[tilespmem:$0x1A880] =	vst v63  }
0x181: {  	_ =	swait.ge [sflag:s29], $0x2000  }
0x182: {  	[sflag:s29] =	ssyncset.done $0x0  }
0x183: {  	[sflag:s29] =	ssyncadd.s32 $0xFFFFE000  }
0x184: {  	s18 =	simm.s32 $0x0;
	s21 =	simm.s32 $0x0;
	[bflag:$0x0] =	sbarrier.arrive $0xFFFF  }
.LBB2_16:
0x185: {  	s24 =	sshll.u32 s21, $0x7;
	v2 =	vmov s18  }
0x186: {  	v1 =	vmov s24;
	v2 =	vand.u32 $0x7F, v2  }
0x187: {  	v2 =	vor.u32 v1, v2  }
0x188: {  	v2 =	vbroadcast v2, $0x0  }
0x189: {  	[tilespmem:s1], [sflag:$0x1] =	stream.indirect.gather [hbm4b:s17+s0], $0x40, s24, s0, $0xb8;
	[tilespmem:$0x1A880] =	vst v63  }
0x18a: {  	_ =	swait.ge [sflag:s5], $0x2000  }
0x18b: {  	[sflag:s5] =	ssyncset.done $0x0  }
0x18c: {  	s25 =	simm.s32 $0xC620;
	[sflag:s5] =	ssyncadd.s32 $0xFFFFE000  }
0x18d: {  	v5 =	vld [tilespmem:s25+$0x10]  }
0x18e: {  	v3 =	vld.idx.msk [tilespmem:v2+s6+$0x0], $0xffff;
	_ =	sdelay $0x1  }
0x18f: {  	v4 =	vld [tilespmem:s25+$0xFFFFFFF0]  }
0x190: {  	s16 =	simm.s32 $0x1;
	v7 =	vld [tilespmem:s25+$0x0]  }
0x191: {  	v2 =	vmov s16  }
0x192: {  	v2 =	vand.u32 $0x7F, v2;
	v6 =	vmul.f32 v5, v3;
	v5 =	vld [tilespmem:s25+$0xFFFFFFE0]  }
0x193: {  	v2 =	vor.u32 v1, v2  }
0x194: {  	v2 =	vbroadcast v2, $0x0  }
0x195: {  	s28 =	simm.s32 $0xC620;
	s16 =	simm.s32 $0x2;
	v4 =	vmul.f32 v4, v3;
	v7 =	vmul.f32 v7, v3  }
.LBB2_17:
0x196: {  	p0 =	sne.s32 s16, $0x7F  }
0x197: {  	v3 =	vmul.f32 v5, v3;
	[tilespmem:s25+$0x10] =	vst v6;
	s28 =	sadd.s32 $0x40, s28;
	s22 =	smov.u32 s16;
	s16 =	sadd.s32 $0x1, s16  }
0x198: {  	[tilespmem:s25+$0x0] =	vst v7  }
0x199: {  	[tilespmem:s25+$0xFFFFFFE0] =	vst v3  }
0x19a: {  	v7 =	vld [tilespmem:s28+$0xFFFFFFF0];
	[tilespmem:s25+$0xFFFFFFF0] =	vst v4;
	s25 =	smov.u32 s28  }
0x19b: {  	v3 =	vld.idx.msk [tilespmem:v2+s6+$0x0], $0xffff  }
0x19c: {  	v4 =	vld [tilespmem:s28+$0x10]  }
0x19d: {  	v8 =	vld [tilespmem:s28+$0x0]  }
.Ltmp7:
0x19e: {  	v2 =	vmov s22;
	v5 =	vld [tilespmem:s28+$0xFFFFFFE0];
	(pc) =	sbr.rel @p0 .LBB2_17-.Ltmp7, $4  }
0x19f: {  	v2 =	vand.u32 $0x7F, v2  }
0x1a0: {  	v2 =	vor.u32 v1, v2  }
0x1a1: {  	v2 =	vbroadcast v2, $0x0;
	v6 =	vmul.f32 v4, v3  }
0x1a2: {  	v4 =	vmul.f32 v7, v3;
	v7 =	vmul.f32 v8, v3  }
0x1a3: {  	v1 =	vmul.f32 v5, v3;
	[tilespmem:s25+$0x10] =	vst v6  }
0x1a4: {  	[tilespmem:s25+$0x0] =	vst v7  }
0x1a5: {  	s16 =	sadd.s32 $0x40, s28;
	[tilespmem:s25+$0xFFFFFFE0] =	vst v1  }
0x1a6: {  	v1 =	vld [tilespmem:s16+$0xFFFFFFF0];
	[tilespmem:s25+$0xFFFFFFF0] =	vst v4  }
0x1a7: {  	v2 =	vld.idx.msk [tilespmem:v2+s6+$0x0], $0xffff  }
0x1a8: {  	v3 =	vld [tilespmem:s16+$0x10]  }
0x1a9: {  	v4 =	vld [tilespmem:s16+$0x0]  }
0x1aa: {  	v63 =	vld [tilespmem:s16+$0xFFFFFFE0];
	_ =	sdelay $0x2  }
0x1ab: {  	v3 =	vmul.f32 v3, v2  }
0x1ac: {  	v4 =	vmul.f32 v4, v2  }
0x1ad: {  	v5 =	vmul.f32 v63, v2;
	[tilespmem:s16+$0x10] =	vst v3  }
0x1ae: {  	s21 =	sadd.s32 $0x1, s21;
	v1 =	vmul.f32 v1, v2;
	[tilespmem:s16+$0x0] =	vst v4  }
0x1af: {  	p0 =	sne.s32 s21, $0x4F;
	[tilespmem:s16+$0xFFFFFFE0] =	vst v5  }
.Ltmp8:
0x1b0: {  	s28 =	sadd.s32 $0x2780, s24;
	[tilespmem:s16+$0xFFFFFFF0] =	vst v1;
	(pc) =	sbr.rel @p0 .LBB2_16-.Ltmp8, $4  }
0x1b1: {  	[spmem:s3] =	stream.indirect.scatter.add.f32 [tilespmem:s1], [sflag:$0x2], $0x40, s28, s0, $0xb8;
	[tilespmem:$0x1A880] =	vst v63  }
0x1b2: {  	_ =	swait.ge [sflag:s29], $0x2000  }
0x1b3: {  	[sflag:s29] =	ssyncset.done $0x0  }
0x1b4: {  	[sflag:s29] =	ssyncadd.s32 $0xFFFFE000  }
0x1b5: {  	[bflag:$0x0] =	sbarrier.arrive $0xFFFF  }
0x1b6: {  	s16 =	rddreg [dreg:$0xb]  }
0x1b7: {  	[hbm:s16], [sflag:s8] =	dma.local [spmem:s9], $0x1400  }
0x1b8: {  	_ =	swait.ge [sflag:s29], $0x1400  }
0x1b9: {  	[sflag:s29] =	ssyncset.done $0x0  }
0x1ba: {  	[sflag:s29] =	ssyncadd.s32 $0xFFFFEC00  }
0x1bb: {  	[bflag:$0x0] =	sbarrier.arrive $0xFFFF  }
0x1bc: {  	[spmem:s10] =	stream.linear.scatter [tilespmem:s31], [sflag:$0x2], $0x2000, $0x38;
	[tilespmem:$0x1A880] =	vst v63  }
0x1bd: {  	_ =	swait.ge [sflag:s29], $0x2000  }
0x1be: {  	[sflag:s29] =	ssyncset.done $0x0  }
0x1bf: {  	[sflag:s29] =	ssyncadd.s32 $0xFFFFE000  }
0x1c0: {  	[spmem:s11] =	stream.linear.scatter [tilespmem:s31], [sflag:$0x2], $0x2000, $0x38;
	[tilespmem:$0x1A880] =	vst v63  }
0x1c1: {  	_ =	swait.ge [sflag:s29], $0x2000  }
0x1c2: {  	[sflag:s29] =	ssyncset.done $0x0  }
0x1c3: {  	[sflag:s29] =	ssyncadd.s32 $0xFFFFE000  }
0x1c4: {  	[spmem:s12] =	stream.linear.scatter [tilespmem:s31], [sflag:$0x2], $0x2000, $0x38;
	[tilespmem:$0x1A880] =	vst v63  }
0x1c5: {  	_ =	swait.ge [sflag:s29], $0x2000  }
0x1c6: {  	[sflag:s29] =	ssyncset.done $0x0  }
0x1c7: {  	[sflag:s29] =	ssyncadd.s32 $0xFFFFE000  }
0x1c8: {  	[spmem:s13] =	stream.linear.scatter [tilespmem:s31], [sflag:$0x2], $0x2000, $0x38;
	[tilespmem:$0x1A880] =	vst v63  }
0x1c9: {  	_ =	swait.ge [sflag:s29], $0x2000  }
0x1ca: {  	[sflag:s29] =	ssyncset.done $0x0  }
0x1cb: {  	[sflag:s29] =	ssyncadd.s32 $0xFFFFE000  }
0x1cc: {  	[spmem:s14] =	stream.linear.scatter [tilespmem:s31], [sflag:$0x2], $0x2000, $0x38;
	[tilespmem:$0x1A880] =	vst v63  }
0x1cd: {  	_ =	swait.ge [sflag:s29], $0x2000  }
0x1ce: {  	[sflag:s29] =	ssyncset.done $0x0  }
0x1cf: {  	[sflag:s29] =	ssyncadd.s32 $0xFFFFE000  }
0x1d0: {  	s18 =	simm.s32 $0x0;
	s21 =	simm.s32 $0x0;
	[bflag:$0x0] =	sbarrier.arrive $0xFFFF  }
.LBB2_20:
0x1d1: {  	s24 =	sshll.u32 s21, $0x7;
	v2 =	vmov s18  }
0x1d2: {  	v1 =	vmov s24;
	v2 =	vand.u32 $0x7F, v2  }
0x1d3: {  	v2 =	vor.u32 v1, v2  }
0x1d4: {  	v2 =	vbroadcast v2, $0x0  }
0x1d5: {  	[tilespmem:s1], [sflag:$0x1] =	stream.indirect.gather [hbm4b:s19+s0], $0x40, s24, s0, $0xb8;
	[tilespmem:$0x1A880] =	vst v63  }
0x1d6: {  	_ =	swait.ge [sflag:s5], $0x2000  }
0x1d7: {  	[sflag:s5] =	ssyncset.done $0x0  }
0x1d8: {  	s25 =	simm.s32 $0xC620;
	[sflag:s5] =	ssyncadd.s32 $0xFFFFE000  }
0x1d9: {  	v5 =	vld [tilespmem:s25+$0x10]  }
0x1da: {  	v3 =	vld.idx.msk [tilespmem:v2+s6+$0x0], $0xffff;
	_ =	sdelay $0x1  }
0x1db: {  	v4 =	vld [tilespmem:s25+$0xFFFFFFF0]  }
0x1dc: {  	s16 =	simm.s32 $0x1;
	v7 =	vld [tilespmem:s25+$0x0]  }
0x1dd: {  	v2 =	vmov s16  }
0x1de: {  	v2 =	vand.u32 $0x7F, v2;
	v6 =	vmul.f32 v5, v3;
	v5 =	vld [tilespmem:s25+$0xFFFFFFE0]  }
0x1df: {  	v2 =	vor.u32 v1, v2  }
0x1e0: {  	v2 =	vbroadcast v2, $0x0  }
0x1e1: {  	s28 =	simm.s32 $0xC620;
	s16 =	simm.s32 $0x2;
	v4 =	vmul.f32 v4, v3;
	v7 =	vmul.f32 v7, v3  }
.LBB2_21:
0x1e2: {  	p0 =	sne.s32 s16, $0x7F  }
0x1e3: {  	v3 =	vmul.f32 v5, v3;
	[tilespmem:s25+$0x10] =	vst v6;
	s28 =	sadd.s32 $0x40, s28;
	s22 =	smov.u32 s16;
	s16 =	sadd.s32 $0x1, s16  }
0x1e4: {  	[tilespmem:s25+$0x0] =	vst v7  }
0x1e5: {  	[tilespmem:s25+$0xFFFFFFE0] =	vst v3  }
0x1e6: {  	v7 =	vld [tilespmem:s28+$0xFFFFFFF0];
	[tilespmem:s25+$0xFFFFFFF0] =	vst v4;
	s25 =	smov.u32 s28  }
0x1e7: {  	v3 =	vld.idx.msk [tilespmem:v2+s6+$0x0], $0xffff  }
0x1e8: {  	v4 =	vld [tilespmem:s28+$0x10]  }
0x1e9: {  	v8 =	vld [tilespmem:s28+$0x0]  }
.Ltmp9:
0x1ea: {  	v2 =	vmov s22;
	v5 =	vld [tilespmem:s28+$0xFFFFFFE0];
	(pc) =	sbr.rel @p0 .LBB2_21-.Ltmp9, $4  }
0x1eb: {  	v2 =	vand.u32 $0x7F, v2  }
0x1ec: {  	v2 =	vor.u32 v1, v2  }
0x1ed: {  	v2 =	vbroadcast v2, $0x0;
	v6 =	vmul.f32 v4, v3  }
0x1ee: {  	v4 =	vmul.f32 v7, v3;
	v7 =	vmul.f32 v8, v3  }
0x1ef: {  	v1 =	vmul.f32 v5, v3;
	[tilespmem:s25+$0x10] =	vst v6  }
0x1f0: {  	[tilespmem:s25+$0x0] =	vst v7  }
0x1f1: {  	s16 =	sadd.s32 $0x40, s28;
	[tilespmem:s25+$0xFFFFFFE0] =	vst v1  }
0x1f2: {  	v1 =	vld [tilespmem:s16+$0xFFFFFFF0];
	[tilespmem:s25+$0xFFFFFFF0] =	vst v4  }
0x1f3: {  	v2 =	vld.idx.msk [tilespmem:v2+s6+$0x0], $0xffff  }
0x1f4: {  	v3 =	vld [tilespmem:s16+$0x10]  }
0x1f5: {  	v4 =	vld [tilespmem:s16+$0x0]  }
0x1f6: {  	v63 =	vld [tilespmem:s16+$0xFFFFFFE0];
	_ =	sdelay $0x2  }
0x1f7: {  	v3 =	vmul.f32 v3, v2  }
0x1f8: {  	v4 =	vmul.f32 v4, v2  }
0x1f9: {  	v5 =	vmul.f32 v63, v2;
	[tilespmem:s16+$0x10] =	vst v3  }
0x1fa: {  	s21 =	sadd.s32 $0x1, s21;
	v1 =	vmul.f32 v1, v2;
	[tilespmem:s16+$0x0] =	vst v4  }
0x1fb: {  	p0 =	sne.s32 s21, $0x4F;
	[tilespmem:s16+$0xFFFFFFE0] =	vst v5  }
.Ltmp10:
0x1fc: {  	s28 =	sadd.s32 $0x2780, s24;
	[tilespmem:s16+$0xFFFFFFF0] =	vst v1;
	(pc) =	sbr.rel @p0 .LBB2_20-.Ltmp10, $4  }
0x1fd: {  	[spmem:s3] =	stream.indirect.scatter.add.f32 [tilespmem:s1], [sflag:$0x2], $0x40, s28, s0, $0xb8;
	[tilespmem:$0x1A880] =	vst v63  }
0x1fe: {  	_ =	swait.ge [sflag:s29], $0x2000  }
0x1ff: {  	[sflag:s29] =	ssyncset.done $0x0  }
0x200: {  	[sflag:s29] =	ssyncadd.s32 $0xFFFFE000  }
0x201: {  	[bflag:$0x0] =	sbarrier.arrive $0xFFFF  }
0x202: {  	s16 =	rddreg [dreg:$0xc]  }
0x203: {  	[hbm:s16], [sflag:s8] =	dma.local [spmem:s9], $0x1400  }
0x204: {  	_ =	swait.ge [sflag:s29], $0x1400  }
0x205: {  	[sflag:s29] =	ssyncset.done $0x0  }
0x206: {  	[sflag:s29] =	ssyncadd.s32 $0xFFFFEC00  }
0x207: {  	[bflag:$0x0] =	sbarrier.arrive $0xFFFF  }
0x208: {  	[spmem:s10] =	stream.linear.scatter [tilespmem:s31], [sflag:$0x2], $0x2000, $0x38;
	[tilespmem:$0x1A880] =	vst v63  }
0x209: {  	_ =	swait.ge [sflag:s29], $0x2000  }
0x20a: {  	[sflag:s29] =	ssyncset.done $0x0  }
0x20b: {  	[sflag:s29] =	ssyncadd.s32 $0xFFFFE000  }
0x20c: {  	[spmem:s11] =	stream.linear.scatter [tilespmem:s31], [sflag:$0x2], $0x2000, $0x38;
	[tilespmem:$0x1A880] =	vst v63  }
0x20d: {  	_ =	swait.ge [sflag:s29], $0x2000  }
0x20e: {  	[sflag:s29] =	ssyncset.done $0x0  }
0x20f: {  	[sflag:s29] =	ssyncadd.s32 $0xFFFFE000  }
0x210: {  	[spmem:s12] =	stream.linear.scatter [tilespmem:s31], [sflag:$0x2], $0x2000, $0x38;
	[tilespmem:$0x1A880] =	vst v63  }
0x211: {  	_ =	swait.ge [sflag:s29], $0x2000  }
0x212: {  	[sflag:s29] =	ssyncset.done $0x0  }
0x213: {  	[sflag:s29] =	ssyncadd.s32 $0xFFFFE000  }
0x214: {  	[spmem:s13] =	stream.linear.scatter [tilespmem:s31], [sflag:$0x2], $0x2000, $0x38;
	[tilespmem:$0x1A880] =	vst v63  }
0x215: {  	_ =	swait.ge [sflag:s29], $0x2000  }
0x216: {  	[sflag:s29] =	ssyncset.done $0x0  }
0x217: {  	[sflag:s29] =	ssyncadd.s32 $0xFFFFE000  }
0x218: {  	[spmem:s14] =	stream.linear.scatter [tilespmem:s31], [sflag:$0x2], $0x2000, $0x38;
	[tilespmem:$0x1A880] =	vst v63  }
0x219: {  	_ =	swait.ge [sflag:s29], $0x2000  }
0x21a: {  	[sflag:s29] =	ssyncset.done $0x0  }
0x21b: {  	[sflag:s29] =	ssyncadd.s32 $0xFFFFE000  }
0x21c: {  	s18 =	simm.s32 $0x0;
	s21 =	simm.s32 $0x0;
	[bflag:$0x0] =	sbarrier.arrive $0xFFFF  }
.LBB2_24:
0x21d: {  	s24 =	sshll.u32 s21, $0x7;
	v2 =	vmov s18  }
0x21e: {  	v1 =	vmov s24;
	v2 =	vand.u32 $0x7F, v2  }
0x21f: {  	v2 =	vor.u32 v1, v2  }
0x220: {  	v2 =	vbroadcast v2, $0x0  }
0x221: {  	[tilespmem:s1], [sflag:$0x1] =	stream.indirect.gather [hbm4b:s20+s0], $0x40, s24, s0, $0xb8;
	[tilespmem:$0x1A880] =	vst v63  }
0x222: {  	_ =	swait.ge [sflag:s5], $0x2000  }
0x223: {  	[sflag:s5] =	ssyncset.done $0x0  }
0x224: {  	s25 =	simm.s32 $0xC620;
	[sflag:s5] =	ssyncadd.s32 $0xFFFFE000  }
0x225: {  	v5 =	vld [tilespmem:s25+$0x10]  }
0x226: {  	v3 =	vld.idx.msk [tilespmem:v2+s6+$0x0], $0xffff;
	_ =	sdelay $0x1  }
0x227: {  	v4 =	vld [tilespmem:s25+$0xFFFFFFF0]  }
0x228: {  	s16 =	simm.s32 $0x1;
	v7 =	vld [tilespmem:s25+$0x0]  }
0x229: {  	v2 =	vmov s16  }
0x22a: {  	v2 =	vand.u32 $0x7F, v2;
	v6 =	vmul.f32 v5, v3;
	v5 =	vld [tilespmem:s25+$0xFFFFFFE0]  }
0x22b: {  	v2 =	vor.u32 v1, v2  }
0x22c: {  	v2 =	vbroadcast v2, $0x0  }
0x22d: {  	s28 =	simm.s32 $0xC620;
	s16 =	simm.s32 $0x2;
	v4 =	vmul.f32 v4, v3;
	v7 =	vmul.f32 v7, v3  }
.LBB2_25:
0x22e: {  	p0 =	sne.s32 s16, $0x7F  }
0x22f: {  	v3 =	vmul.f32 v5, v3;
	[tilespmem:s25+$0x10] =	vst v6;
	s28 =	sadd.s32 $0x40, s28;
	s22 =	smov.u32 s16;
	s16 =	sadd.s32 $0x1, s16  }
0x230: {  	[tilespmem:s25+$0x0] =	vst v7  }
0x231: {  	[tilespmem:s25+$0xFFFFFFE0] =	vst v3  }
0x232: {  	v7 =	vld [tilespmem:s28+$0xFFFFFFF0];
	[tilespmem:s25+$0xFFFFFFF0] =	vst v4;
	s25 =	smov.u32 s28  }
0x233: {  	v3 =	vld.idx.msk [tilespmem:v2+s6+$0x0], $0xffff  }
0x234: {  	v4 =	vld [tilespmem:s28+$0x10]  }
0x235: {  	v8 =	vld [tilespmem:s28+$0x0]  }
.Ltmp11:
0x236: {  	v2 =	vmov s22;
	v5 =	vld [tilespmem:s28+$0xFFFFFFE0];
	(pc) =	sbr.rel @p0 .LBB2_25-.Ltmp11, $4  }
0x237: {  	v2 =	vand.u32 $0x7F, v2  }
0x238: {  	v2 =	vor.u32 v1, v2  }
0x239: {  	v2 =	vbroadcast v2, $0x0;
	v6 =	vmul.f32 v4, v3  }
0x23a: {  	v4 =	vmul.f32 v7, v3;
	v7 =	vmul.f32 v8, v3  }
0x23b: {  	v1 =	vmul.f32 v5, v3;
	[tilespmem:s25+$0x10] =	vst v6  }
0x23c: {  	[tilespmem:s25+$0x0] =	vst v7  }
0x23d: {  	s16 =	sadd.s32 $0x40, s28;
	[tilespmem:s25+$0xFFFFFFE0] =	vst v1  }
0x23e: {  	v1 =	vld [tilespmem:s16+$0xFFFFFFF0];
	[tilespmem:s25+$0xFFFFFFF0] =	vst v4  }
0x23f: {  	v2 =	vld.idx.msk [tilespmem:v2+s6+$0x0], $0xffff  }
0x240: {  	v3 =	vld [tilespmem:s16+$0x10]  }
0x241: {  	v4 =	vld [tilespmem:s16+$0x0]  }
0x242: {  	v63 =	vld [tilespmem:s16+$0xFFFFFFE0];
	_ =	sdelay $0x2  }
0x243: {  	v3 =	vmul.f32 v3, v2  }
0x244: {  	v4 =	vmul.f32 v4, v2  }
0x245: {  	v5 =	vmul.f32 v63, v2;
	[tilespmem:s16+$0x10] =	vst v3  }
0x246: {  	s21 =	sadd.s32 $0x1, s21;
	v1 =	vmul.f32 v1, v2;
	[tilespmem:s16+$0x0] =	vst v4  }
0x247: {  	p0 =	sne.s32 s21, $0x4F;
	[tilespmem:s16+$0xFFFFFFE0] =	vst v5  }
.Ltmp12:
0x248: {  	s28 =	sadd.s32 $0x2780, s24;
	[tilespmem:s16+$0xFFFFFFF0] =	vst v1;
	(pc) =	sbr.rel @p0 .LBB2_24-.Ltmp12, $4  }
0x249: {  	[spmem:s3] =	stream.indirect.scatter.add.f32 [tilespmem:s1], [sflag:$0x2], $0x40, s28, s0, $0xb8;
	[tilespmem:$0x1A880] =	vst v63  }
0x24a: {  	_ =	swait.ge [sflag:s29], $0x2000  }
0x24b: {  	[sflag:s29] =	ssyncset.done $0x0  }
0x24c: {  	[sflag:s29] =	ssyncadd.s32 $0xFFFFE000  }
0x24d: {  	[bflag:$0x0] =	sbarrier.arrive $0xFFFF  }
0x24e: {  	s16 =	rddreg [dreg:$0xd]  }
0x24f: {  	[hbm:s16], [sflag:s8] =	dma.local [spmem:s9], $0x1400  }
0x250: {  	_ =	swait.ge [sflag:s29], $0x1400  }
0x251: {  	[sflag:s29] =	ssyncset.done $0x0  }
0x252: {  	[sflag:s29] =	ssyncadd.s32 $0xFFFFEC00  }
0x253: {  	[bflag:$0x0] =	sbarrier.arrive $0xFFFF  }
0x254: {  	[spmem:s10] =	stream.linear.scatter [tilespmem:s31], [sflag:$0x2], $0x2000, $0x38;
	[tilespmem:$0x1A880] =	vst v63  }
0x255: {  	_ =	swait.ge [sflag:s29], $0x2000  }
0x256: {  	[sflag:s29] =	ssyncset.done $0x0  }
0x257: {  	[sflag:s29] =	ssyncadd.s32 $0xFFFFE000  }
0x258: {  	[spmem:s11] =	stream.linear.scatter [tilespmem:s31], [sflag:$0x2], $0x2000, $0x38;
	[tilespmem:$0x1A880] =	vst v63  }
0x259: {  	_ =	swait.ge [sflag:s29], $0x2000  }
0x25a: {  	[sflag:s29] =	ssyncset.done $0x0  }
0x25b: {  	[sflag:s29] =	ssyncadd.s32 $0xFFFFE000  }
0x25c: {  	[spmem:s12] =	stream.linear.scatter [tilespmem:s31], [sflag:$0x2], $0x2000, $0x38;
	[tilespmem:$0x1A880] =	vst v63  }
0x25d: {  	_ =	swait.ge [sflag:s29], $0x2000  }
0x25e: {  	[sflag:s29] =	ssyncset.done $0x0  }
0x25f: {  	[sflag:s29] =	ssyncadd.s32 $0xFFFFE000  }
0x260: {  	[spmem:s13] =	stream.linear.scatter [tilespmem:s31], [sflag:$0x2], $0x2000, $0x38;
	[tilespmem:$0x1A880] =	vst v63  }
0x261: {  	_ =	swait.ge [sflag:s29], $0x2000  }
0x262: {  	[sflag:s29] =	ssyncset.done $0x0  }
0x263: {  	[sflag:s29] =	ssyncadd.s32 $0xFFFFE000  }
0x264: {  	[spmem:s14] =	stream.linear.scatter [tilespmem:s31], [sflag:$0x2], $0x2000, $0x38;
	[tilespmem:$0x1A880] =	vst v63  }
0x265: {  	_ =	swait.ge [sflag:s29], $0x2000  }
0x266: {  	[sflag:s29] =	ssyncset.done $0x0  }
0x267: {  	[sflag:s29] =	ssyncadd.s32 $0xFFFFE000  }
0x268: {  	s18 =	simm.s32 $0x0;
	s21 =	simm.s32 $0x0;
	[bflag:$0x0] =	sbarrier.arrive $0xFFFF  }
.LBB2_28:
0x269: {  	s24 =	sshll.u32 s21, $0x7;
	v2 =	vmov s18  }
0x26a: {  	v1 =	vmov s24;
	v2 =	vand.u32 $0x7F, v2  }
0x26b: {  	v2 =	vor.u32 v1, v2  }
0x26c: {  	v2 =	vbroadcast v2, $0x0  }
0x26d: {  	[tilespmem:s1], [sflag:$0x1] =	stream.indirect.gather [hbm4b:s23+s0], $0x40, s24, s0, $0xb8;
	[tilespmem:$0x1A880] =	vst v63  }
0x26e: {  	_ =	swait.ge [sflag:s5], $0x2000  }
0x26f: {  	[sflag:s5] =	ssyncset.done $0x0  }
0x270: {  	s25 =	simm.s32 $0xC620;
	[sflag:s5] =	ssyncadd.s32 $0xFFFFE000  }
0x271: {  	v5 =	vld [tilespmem:s25+$0x10]  }
0x272: {  	v3 =	vld.idx.msk [tilespmem:v2+s6+$0x0], $0xffff;
	_ =	sdelay $0x1  }
0x273: {  	v4 =	vld [tilespmem:s25+$0xFFFFFFF0]  }
0x274: {  	s16 =	simm.s32 $0x1;
	v7 =	vld [tilespmem:s25+$0x0]  }
0x275: {  	v2 =	vmov s16  }
0x276: {  	v2 =	vand.u32 $0x7F, v2;
	v6 =	vmul.f32 v5, v3;
	v5 =	vld [tilespmem:s25+$0xFFFFFFE0]  }
0x277: {  	v2 =	vor.u32 v1, v2  }
0x278: {  	v2 =	vbroadcast v2, $0x0  }
0x279: {  	s28 =	simm.s32 $0xC620;
	s16 =	simm.s32 $0x2;
	v4 =	vmul.f32 v4, v3;
	v7 =	vmul.f32 v7, v3  }
.LBB2_29:
0x27a: {  	p0 =	sne.s32 s16, $0x7F  }
0x27b: {  	v3 =	vmul.f32 v5, v3;
	[tilespmem:s25+$0x10] =	vst v6;
	s28 =	sadd.s32 $0x40, s28;
	s22 =	smov.u32 s16;
	s16 =	sadd.s32 $0x1, s16  }
0x27c: {  	[tilespmem:s25+$0x0] =	vst v7  }
0x27d: {  	[tilespmem:s25+$0xFFFFFFE0] =	vst v3  }
0x27e: {  	v7 =	vld [tilespmem:s28+$0xFFFFFFF0];
	[tilespmem:s25+$0xFFFFFFF0] =	vst v4;
	s25 =	smov.u32 s28  }
0x27f: {  	v3 =	vld.idx.msk [tilespmem:v2+s6+$0x0], $0xffff  }
0x280: {  	v4 =	vld [tilespmem:s28+$0x10]  }
0x281: {  	v8 =	vld [tilespmem:s28+$0x0]  }
.Ltmp13:
0x282: {  	v2 =	vmov s22;
	v5 =	vld [tilespmem:s28+$0xFFFFFFE0];
	(pc) =	sbr.rel @p0 .LBB2_29-.Ltmp13, $4  }
0x283: {  	v2 =	vand.u32 $0x7F, v2  }
0x284: {  	v2 =	vor.u32 v1, v2  }
0x285: {  	v2 =	vbroadcast v2, $0x0;
	v6 =	vmul.f32 v4, v3  }
0x286: {  	v4 =	vmul.f32 v7, v3;
	v7 =	vmul.f32 v8, v3  }
0x287: {  	v1 =	vmul.f32 v5, v3;
	[tilespmem:s25+$0x10] =	vst v6  }
0x288: {  	[tilespmem:s25+$0x0] =	vst v7  }
0x289: {  	s16 =	sadd.s32 $0x40, s28;
	[tilespmem:s25+$0xFFFFFFE0] =	vst v1  }
0x28a: {  	v1 =	vld [tilespmem:s16+$0xFFFFFFF0];
	[tilespmem:s25+$0xFFFFFFF0] =	vst v4  }
0x28b: {  	v2 =	vld.idx.msk [tilespmem:v2+s6+$0x0], $0xffff  }
0x28c: {  	v3 =	vld [tilespmem:s16+$0x10]  }
0x28d: {  	v4 =	vld [tilespmem:s16+$0x0]  }
0x28e: {  	v63 =	vld [tilespmem:s16+$0xFFFFFFE0];
	_ =	sdelay $0x2  }
0x28f: {  	v3 =	vmul.f32 v3, v2  }
0x290: {  	v4 =	vmul.f32 v4, v2  }
0x291: {  	v5 =	vmul.f32 v63, v2;
	[tilespmem:s16+$0x10] =	vst v3  }
0x292: {  	s21 =	sadd.s32 $0x1, s21;
	v1 =	vmul.f32 v1, v2;
	[tilespmem:s16+$0x0] =	vst v4  }
0x293: {  	p0 =	sne.s32 s21, $0x4F;
	[tilespmem:s16+$0xFFFFFFE0] =	vst v5  }
.Ltmp14:
0x294: {  	s28 =	sadd.s32 $0x2780, s24;
	[tilespmem:s16+$0xFFFFFFF0] =	vst v1;
	(pc) =	sbr.rel @p0 .LBB2_28-.Ltmp14, $4  }
0x295: {  	[spmem:s3] =	stream.indirect.scatter.add.f32 [tilespmem:s1], [sflag:$0x2], $0x40, s28, s0, $0xb8;
	[tilespmem:$0x1A880] =	vst v63  }
0x296: {  	_ =	swait.ge [sflag:s29], $0x2000  }
0x297: {  	[sflag:s29] =	ssyncset.done $0x0  }
0x298: {  	[sflag:s29] =	ssyncadd.s32 $0xFFFFE000  }
0x299: {  	[bflag:$0x0] =	sbarrier.arrive $0xFFFF  }
0x29a: {  	s16 =	rddreg [dreg:$0xe]  }
0x29b: {  	[hbm:s16], [sflag:s8] =	dma.local [spmem:s9], $0x1400  }
0x29c: {  	_ =	swait.ge [sflag:s29], $0x1400  }
0x29d: {  	[sflag:s29] =	ssyncset.done $0x0  }
0x29e: {  	[sflag:s29] =	ssyncadd.s32 $0xFFFFEC00  }
0x29f: {  	[bflag:$0x0] =	sbarrier.arrive $0xFFFF  }
0x2a0: {  	[spmem:s10] =	stream.linear.scatter [tilespmem:s31], [sflag:$0x2], $0x2000, $0x38;
	[tilespmem:$0x1A880] =	vst v63  }
0x2a1: {  	_ =	swait.ge [sflag:s29], $0x2000  }
0x2a2: {  	[sflag:s29] =	ssyncset.done $0x0  }
0x2a3: {  	[sflag:s29] =	ssyncadd.s32 $0xFFFFE000  }
0x2a4: {  	[spmem:s11] =	stream.linear.scatter [tilespmem:s31], [sflag:$0x2], $0x2000, $0x38;
	[tilespmem:$0x1A880] =	vst v63  }
0x2a5: {  	_ =	swait.ge [sflag:s29], $0x2000  }
0x2a6: {  	[sflag:s29] =	ssyncset.done $0x0  }
0x2a7: {  	[sflag:s29] =	ssyncadd.s32 $0xFFFFE000  }
0x2a8: {  	[spmem:s12] =	stream.linear.scatter [tilespmem:s31], [sflag:$0x2], $0x2000, $0x38;
	[tilespmem:$0x1A880] =	vst v63  }
0x2a9: {  	_ =	swait.ge [sflag:s29], $0x2000  }
0x2aa: {  	[sflag:s29] =	ssyncset.done $0x0  }
0x2ab: {  	[sflag:s29] =	ssyncadd.s32 $0xFFFFE000  }
0x2ac: {  	[spmem:s13] =	stream.linear.scatter [tilespmem:s31], [sflag:$0x2], $0x2000, $0x38;
	[tilespmem:$0x1A880] =	vst v63  }
0x2ad: {  	_ =	swait.ge [sflag:s29], $0x2000  }
0x2ae: {  	[sflag:s29] =	ssyncset.done $0x0  }
0x2af: {  	[sflag:s29] =	ssyncadd.s32 $0xFFFFE000  }
0x2b0: {  	[spmem:s14] =	stream.linear.scatter [tilespmem:s31], [sflag:$0x2], $0x2000, $0x38;
	[tilespmem:$0x1A880] =	vst v63  }
0x2b1: {  	_ =	swait.ge [sflag:s29], $0x2000  }
0x2b2: {  	[sflag:s29] =	ssyncset.done $0x0  }
0x2b3: {  	[sflag:s29] =	ssyncadd.s32 $0xFFFFE000  }
0x2b4: {  	s18 =	simm.s32 $0x0;
	s21 =	simm.s32 $0x0;
	[bflag:$0x0] =	sbarrier.arrive $0xFFFF  }
.LBB2_32:
0x2b5: {  	s24 =	sshll.u32 s21, $0x7;
	v2 =	vmov s18  }
0x2b6: {  	v1 =	vmov s24;
	v2 =	vand.u32 $0x7F, v2  }
0x2b7: {  	v2 =	vor.u32 v1, v2  }
0x2b8: {  	v2 =	vbroadcast v2, $0x0  }
0x2b9: {  	[tilespmem:s1], [sflag:$0x1] =	stream.indirect.gather [hbm4b:s26+s0], $0x40, s24, s0, $0xb8;
	[tilespmem:$0x1A880] =	vst v63  }
0x2ba: {  	_ =	swait.ge [sflag:s5], $0x2000  }
0x2bb: {  	[sflag:s5] =	ssyncset.done $0x0  }
0x2bc: {  	s25 =	simm.s32 $0xC620;
	[sflag:s5] =	ssyncadd.s32 $0xFFFFE000  }
0x2bd: {  	v5 =	vld [tilespmem:s25+$0x10]  }
0x2be: {  	v3 =	vld.idx.msk [tilespmem:v2+s6+$0x0], $0xffff;
	_ =	sdelay $0x1  }
0x2bf: {  	v4 =	vld [tilespmem:s25+$0xFFFFFFF0]  }
0x2c0: {  	s16 =	simm.s32 $0x1;
	v7 =	vld [tilespmem:s25+$0x0]  }
0x2c1: {  	v2 =	vmov s16  }
0x2c2: {  	v2 =	vand.u32 $0x7F, v2;
	v6 =	vmul.f32 v5, v3;
	v5 =	vld [tilespmem:s25+$0xFFFFFFE0]  }
0x2c3: {  	v2 =	vor.u32 v1, v2  }
0x2c4: {  	v2 =	vbroadcast v2, $0x0  }
0x2c5: {  	s28 =	simm.s32 $0xC620;
	s16 =	simm.s32 $0x2;
	v4 =	vmul.f32 v4, v3;
	v7 =	vmul.f32 v7, v3  }
.LBB2_33:
0x2c6: {  	p0 =	sne.s32 s16, $0x7F  }
0x2c7: {  	v3 =	vmul.f32 v5, v3;
	[tilespmem:s25+$0x10] =	vst v6;
	s28 =	sadd.s32 $0x40, s28;
	s22 =	smov.u32 s16;
	s16 =	sadd.s32 $0x1, s16  }
0x2c8: {  	[tilespmem:s25+$0x0] =	vst v7  }
0x2c9: {  	[tilespmem:s25+$0xFFFFFFE0] =	vst v3  }
0x2ca: {  	v7 =	vld [tilespmem:s28+$0xFFFFFFF0];
	[tilespmem:s25+$0xFFFFFFF0] =	vst v4;
	s25 =	smov.u32 s28  }
0x2cb: {  	v3 =	vld.idx.msk [tilespmem:v2+s6+$0x0], $0xffff  }
0x2cc: {  	v4 =	vld [tilespmem:s28+$0x10]  }
0x2cd: {  	v8 =	vld [tilespmem:s28+$0x0]  }
.Ltmp15:
0x2ce: {  	v2 =	vmov s22;
	v5 =	vld [tilespmem:s28+$0xFFFFFFE0];
	(pc) =	sbr.rel @p0 .LBB2_33-.Ltmp15, $4  }
0x2cf: {  	v2 =	vand.u32 $0x7F, v2  }
0x2d0: {  	v2 =	vor.u32 v1, v2  }
0x2d1: {  	v2 =	vbroadcast v2, $0x0;
	v6 =	vmul.f32 v4, v3  }
0x2d2: {  	v4 =	vmul.f32 v7, v3;
	v7 =	vmul.f32 v8, v3  }
0x2d3: {  	v1 =	vmul.f32 v5, v3;
	[tilespmem:s25+$0x10] =	vst v6  }
0x2d4: {  	[tilespmem:s25+$0x0] =	vst v7  }
0x2d5: {  	s16 =	sadd.s32 $0x40, s28;
	[tilespmem:s25+$0xFFFFFFE0] =	vst v1  }
0x2d6: {  	v1 =	vld [tilespmem:s16+$0xFFFFFFF0];
	[tilespmem:s25+$0xFFFFFFF0] =	vst v4  }
0x2d7: {  	v2 =	vld.idx.msk [tilespmem:v2+s6+$0x0], $0xffff  }
0x2d8: {  	v3 =	vld [tilespmem:s16+$0x10]  }
0x2d9: {  	v4 =	vld [tilespmem:s16+$0x0]  }
0x2da: {  	v63 =	vld [tilespmem:s16+$0xFFFFFFE0];
	_ =	sdelay $0x2  }
0x2db: {  	v3 =	vmul.f32 v3, v2  }
0x2dc: {  	v4 =	vmul.f32 v4, v2  }
0x2dd: {  	v5 =	vmul.f32 v63, v2;
	[tilespmem:s16+$0x10] =	vst v3  }
0x2de: {  	s21 =	sadd.s32 $0x1, s21;
	v1 =	vmul.f32 v1, v2;
	[tilespmem:s16+$0x0] =	vst v4  }
0x2df: {  	p0 =	sne.s32 s21, $0x4F;
	[tilespmem:s16+$0xFFFFFFE0] =	vst v5  }
.Ltmp16:
0x2e0: {  	s28 =	sadd.s32 $0x2780, s24;
	[tilespmem:s16+$0xFFFFFFF0] =	vst v1;
	(pc) =	sbr.rel @p0 .LBB2_32-.Ltmp16, $4  }
0x2e1: {  	[spmem:s3] =	stream.indirect.scatter.add.f32 [tilespmem:s1], [sflag:$0x2], $0x40, s28, s0, $0xb8;
	[tilespmem:$0x1A880] =	vst v63  }
0x2e2: {  	_ =	swait.ge [sflag:s29], $0x2000  }
0x2e3: {  	[sflag:s29] =	ssyncset.done $0x0  }
0x2e4: {  	[sflag:s29] =	ssyncadd.s32 $0xFFFFE000  }
0x2e5: {  	[bflag:$0x0] =	sbarrier.arrive $0xFFFF  }
0x2e6: {  	s16 =	rddreg [dreg:$0x10]  }
0x2e7: {  	[hbm:s16], [sflag:s8] =	dma.local [spmem:s9], $0x1400  }
0x2e8: {  	_ =	swait.ge [sflag:s29], $0x1400  }
0x2e9: {  	s7 =	sadd.s32 $0x1, s7;
	s28 =	rddreg [dreg:$0xf]  }
0x2ea: {  	p0 =	sne.s32 s7, s28  }
.Ltmp17:
0x2eb: {  	_ = 	snop;
	(pc) =	sbr.rel @p0 .LBB2_1-.Ltmp17, $3  }
0x2ec: {  	[sflag:s29] =	ssyncset.done $0x0  }
0x2ed: {  	[sflag:s29] =	ssyncadd.s32 $0xFFFFEC00  }
0x2ee: {  	[bflag:$0x0] =	sbarrier.arrive $0xFFFF;
	_ =	sdelay $0x1  }
0x2ef: {  	_ =	sfence.sel $0x180000  }
0x2f0: {  	[bflag:$0x0] =	sbarrier.arrive $0xFFFF  }
0x2f1: {  	_ =	strace $0x90000047  }
0x2f2: {  	s0 =	stileid.u32;
	[bflag:$0x2] =	sbarrier.arrive $0xFFFF  }
0x2f3: {  	p0 =	sne.s32 s0, $0x0;
	s0 =	rddreg [dreg:$0x4]  }
0x2f4: {  	s0 =	sadd.s32 @!p0 $0x100000, s0  }
0x2f5: {  	[sflag:s0] =	ssyncadd.tile.s32 @!p0 $0x1;
	_ =	shalt  }
.Lfunc_end2:
_tile_overlayer_lowered:
.L_overlay_start_2:
0x2f6: {  	(tag) =	ssettag $0x2  }
0x2f7: {  	s0 =	rddreg [dreg:$0x0];
	s2 =	stileid.u32  }
0x2f8: {  	s1 =	rddreg [dreg:$0x1];
	p0 =	sne.s32 s2, $0x0  }
0x2f9: {  	s3 =	rddreg [dreg:$0x2];
	[bflag:$0x3] =	sbarrier.arrive $0xFFFF;
	s2 =	simm.s32 @!p0 $0x1C02  }
0x2fa: {  	[timem:s3], [sflag:s2] =	dma.local @!p0 [hbm:s0], s1  }
0x2fb: {  	s0 =	simm.s32 @!p0 $0x2  }
0x2fc: {  	_ =	swait.ge @!p0 [sflag:s0], s1  }
0x2fd: {  	s1 =	ssub.s32 @!p0 $0x0, s1;
	[sflag:s0] =	ssyncset.done @!p0 $0x0  }
0x2fe: {  	[sflag:s0] =	ssyncadd.s32 @!p0 s1  }
0x2ff: {  	[bflag:$0x3] =	sbarrier.arrive $0xFFFF  }
0x300: {  	_ =	shalt  }

</sc_bundles>
